<compile_context>
chip_gen: v7x
topology: tpu7x:2x2x1
jax: 0.10.2.dev20260603
libtpu: 0.0.44.dev20260713+nightly
codegen_flags: <defaults>
</compile_context>

<pallas_src>
import functools

import jax
import jax.numpy as jnp
from jax import lax
from jax.experimental import pallas as pl
from jax.experimental.pallas import tpu as pltpu
from jax.experimental.pallas import tpu_sc as plsc

N = 10000
NP = 10240
D = 128
G = 64
E = 320000
EPS = 1e-5
NC = 2
NS = 16
CHUNK = 80
CPT = 125
RPT = NP // NS
R = 1024
NBUF = 4
GB = 5
NSL = 3
NGRP = CPT // GB

_mesh = plsc.VectorSubcoreMesh(core_axis_name="c", subcore_axis_name="s")



@functools.partial(
    pl.kernel,
    out_type=jax.ShapeDtypeStruct((NC, NP), jnp.float32),
    mesh=_mesh,
    scratch_types=[
        pltpu.VMEM_SHARED((NP,), jnp.float32),
        pltpu.VMEM((NGRP, GB, CHUNK), jnp.int32),
        pltpu.VMEM((CHUNK,), jnp.float32),
        pltpu.VMEM((RPT,), jnp.float32),
        pltpu.SemaphoreType.DMA,
    ],
)
def _sc_degree(dstr, out, dacc, dst_v, ones_v, z_v, sem):
    c = lax.axis_index("c")
    s = lax.axis_index("s")
    r0 = s * RPT
    pltpu.sync_copy(dstr.at[c, s], dst_v)
    for i in range(CHUNK // 16):
        ones_v[pl.ds(i * 16, 16)] = jnp.ones((16,), jnp.float32)
    if CHUNK % 16:
        ones_v[pl.ds(CHUNK - 16, 16)] = jnp.ones((16,), jnp.float32)

    def zfill(i, carry):
        z_v[pl.ds(i * 16, 16)] = jnp.zeros((16,), jnp.float32)
        return carry

    lax.fori_loop(0, RPT // 16, zfill, 0)
    pltpu.sync_copy(z_v, dacc.at[pl.ds(r0, RPT)])
    plsc.subcore_barrier()

    def group(g, carry):
        for b in range(GB):
            pltpu.async_copy(ones_v, dacc.at[dst_v.at[g, b]], sem, add=True)
        for b in range(GB):
            pltpu.make_async_copy(ones_v, dacc.at[dst_v.at[g, b]], sem).wait()
        return carry

    lax.fori_loop(0, NGRP, group, 0)
    plsc.subcore_barrier()
    pltpu.sync_copy(dacc.at[pl.ds(r0, RPT)], out.at[c, pl.ds(r0, RPT)])


@functools.partial(
    pl.kernel,
    out_type=jax.ShapeDtypeStruct((NC, NP, D), jnp.float32),
    mesh=_mesh,
    scratch_types=[
        pltpu.VMEM_SHARED((NP, D), jnp.float32),
        pltpu.VMEM((NSL, GB, CHUNK), jnp.int32),
        pltpu.VMEM((NSL, GB, CHUNK), jnp.int32),
        pltpu.VMEM((NBUF, CHUNK, D), jnp.float32),
        pltpu.SemaphoreType.DMA,
        pltpu.SemaphoreType.DMA,
        pltpu.SemaphoreType.DMA,
    ],
)
def _sc_aggregate(hp, srcr, dstr, out, acc, sidx, didx, bufs, gsem, ssem, isem):
    c = lax.axis_index("c")
    s = lax.axis_index("s")
    r0 = s * RPT
    pltpu.sync_copy(srcr.at[c, s, 0], sidx.at[0])
    pltpu.sync_copy(dstr.at[c, s, 0], didx.at[0])
    if NGRP > 1:
        pltpu.async_copy(srcr.at[c, s, 1], sidx.at[1], isem)
        pltpu.async_copy(dstr.at[c, s, 1], didx.at[1], isem)
    pltpu.sync_copy(hp.at[pl.ds(r0, RPT)], acc.at[pl.ds(r0, RPT)])
    plsc.subcore_barrier()

    for b in range(NBUF - 1):
        pltpu.async_copy(hp.at[sidx.at[0, b]], bufs.at[b], gsem)

    def step(j, carry):
        g = j // GB
        p = j % GB
        sl = g % NSL
        b = j % NBUF
        jm = j - 1
        slm = (jm // GB) % NSL
        pm = jm % GB
        bm = jm % NBUF
        j2 = j + (NBUF - 1)
        sl2 = (j2 // GB) % NSL
        p2 = j2 % GB
        b2 = j2 % NBUF

        pltpu.make_async_copy(hp.at[sidx.at[sl, p]], bufs.at[b], gsem).wait()
        pltpu.async_copy(bufs.at[b], acc.at[didx.at[sl, p]], ssem, add=True)

        @pl.when(j > 0)
        def _wait_prev_scatter():
            pltpu.make_async_copy(
                bufs.at[bm], acc.at[didx.at[slm, pm]], ssem
            ).wait()

        @pl.when(jnp.logical_and(p == 0, g + 2 < NGRP))
        def _prefetch_idx():
            pltpu.async_copy(srcr.at[c, s, g + 2], sidx.at[(g + 2) % NSL], isem)
            pltpu.async_copy(dstr.at[c, s, g + 2], didx.at[(g + 2) % NSL], isem)

        @pl.when(jnp.logical_and(p == 1, g + 1 < NGRP))
        def _wait_idx():
            pltpu.make_async_copy(
                srcr.at[c, s, g + 1], sidx.at[(g + 1) % NSL], isem
            ).wait()
            pltpu.make_async_copy(
                dstr.at[c, s, g + 1], didx.at[(g + 1) % NSL], isem
            ).wait()

        @pl.when(j2 < CPT)
        def _next_gather():
            pltpu.async_copy(hp.at[sidx.at[sl2, p2]], bufs.at[b2], gsem)

        return carry

    lax.fori_loop(0, CPT, step, 0)
    pltpu.make_async_copy(
        bufs.at[(CPT - 1) % NBUF],
        acc.at[didx.at[((CPT - 1) // GB) % NSL, (CPT - 1) % GB]],
        ssem,
    ).wait()
    plsc.subcore_barrier()
    pltpu.sync_copy(acc.at[pl.ds(r0, RPT)], out.at[c, pl.ds(r0, RPT)])



def _dinv_col(deg):
    dg = deg[0:1, :] + deg[1:2, :] + 1.0
    return jnp.transpose(lax.rsqrt(dg))


def _tc1_body(x, w1, deg, hp1):
    t0 = jnp.dot(x[...], w1[...], preferred_element_type=jnp.float32)
    di = _dinv_col(deg[...])
    hp1[0:N, :] = t0 * di[0:N, :]
    hp1[N:NP, :] = jnp.zeros((NP - N, D), jnp.float32)


def _tc_scale_in(x, w1, deg):
    return pl.pallas_call(
        _tc1_body,
        out_shape=jax.ShapeDtypeStruct((NP, D), jnp.float32),
    )(x, w1, deg)


def _tc_mid_body(agg, hp1, deg, b1, gamma, beta, w2, hp2):
    di = _dinv_col(deg[...])
    h = (agg[0] + agg[1] - hp1[...]) * di + b1[...]
    rows = lax.broadcasted_iota(jnp.int32, (NP, 1), 0)
    m = (rows < N).astype(jnp.float32)
    hm = h * m
    mean = jnp.sum(hm, axis=0, keepdims=True) / N
    var = jnp.sum(hm * h, axis=0, keepdims=True) / N - mean * mean
    inv = lax.rsqrt(var + EPS)
    hb = (h - mean) * inv * gamma[...] + beta[...]
    hb = jnp.maximum(hb, 0.0)
    hp2[...] = (
        jnp.dot(hb, w2[...], preferred_element_type=jnp.float32) * di
    )


def _tc_mid(agg1, hp1, deg, b1, gamma, beta, w2):
    return pl.pallas_call(
        _tc_mid_body,
        out_shape=jax.ShapeDtypeStruct((NP, D), jnp.float32),
    )(agg1, hp1, deg, b1, gamma, beta, w2)


def _tc4_body(agg, hp2, deg, b2, batch_row, linw, linb, out):
    h2 = (agg[0] + agg[1] - hp2[...]) * _dinv_col(deg[...]) + b2[...]
    bcol = jnp.transpose(batch_row[...])
    oh = (bcol == lax.broadcasted_iota(jnp.int32, (N, G), 1)).astype(
        jnp.float32
    )
    sums = lax.dot_general(
        oh, h2[0:N, :], (((0,), (0,)), ((), ())),
        preferred_element_type=jnp.float32,
    )
    cnts = lax.dot_general(
        oh,
        jnp.ones((N, 1), jnp.float32),
        (((0,), (0,)), ((), ())),
        preferred_element_type=jnp.float32,
    )
    pooled = sums / jnp.maximum(cnts, 1.0)
    out[...] = (
        jnp.dot(pooled, linw[...], preferred_element_type=jnp.float32)
        + linb[...]
    )


def _tc_final(agg2, hp2, deg, b2, batch_row, lin_w, lin_b):
    return pl.pallas_call(
        _tc4_body,
        out_shape=jax.ShapeDtypeStruct((G, D), jnp.float32),
    )(agg2, hp2, deg, b2, batch_row, lin_w, lin_b)



def kernel(x, edge_index, batch, W1, b1, W2, b2, bn_gamma, bn_beta, lin_W, lin_b):
    srcp = edge_index[0].astype(jnp.int32).reshape(NC, NS, NGRP, GB, CHUNK)
    dstp = edge_index[1].astype(jnp.int32).reshape(NC, NS, NGRP, GB, CHUNK)
    batch_row = batch.astype(jnp.int32).reshape(1, N)

    deg = _sc_degree(dstp)
    hp1 = _tc_scale_in(x, W1, deg)
    agg1 = _sc_aggregate(hp1, srcp, dstp)
    hp2 = _tc_mid(agg1, hp1, deg, b1, bn_gamma, bn_beta, W2)
    agg2 = _sc_aggregate(hp2, srcp, dstp)
    return _tc_final(agg2, hp2, deg, b2, batch_row, lin_W, lin_b)

# --- scband reference (transcript-rebuilt; emitter-appended) ---
"""Pipeline reference for scband-gcn-36094905155901 (READ-ONLY COPY).

The authoritative reference and input builder live on the scoring server;
editing this copy changes nothing except your own understanding.
"""

import jax, jax.numpy as jnp
import numpy as np

N = 10000
E = 320000
D = 128
H = 128
O = 128
G = 64
EPS = 1e-5


def setup_inputs(seed: int = 0) -> dict:
    key = jax.random.key(seed)
    ks = jax.random.split(key, 12)
    x = jax.random.normal(ks[0], (N, D), dtype=jnp.float32)
    edge_index = jax.random.randint(ks[1], (2, E), 0, N)
    batch = jnp.sort(jax.random.randint(ks[2], (N,), 0, G))
    s1 = 1.0 / np.sqrt(D)
    s2 = 1.0 / np.sqrt(H)
    W1 = jax.random.uniform(ks[3], (D, H), jnp.float32, -s1, s1)
    b1 = jnp.zeros((H,), jnp.float32)
    W2 = jax.random.uniform(ks[4], (H, H), jnp.float32, -s2, s2)
    b2 = jnp.zeros((H,), jnp.float32)
    bn_gamma = jnp.ones((H,), jnp.float32)
    bn_beta = jnp.zeros((H,), jnp.float32)
    lin_W = jax.random.uniform(ks[5], (H, O), jnp.float32, -s2, s2)
    lin_b = jax.random.uniform(ks[6], (O,), jnp.float32, -s2, s2)
    return {"x": x, "edge_index": edge_index, "batch": batch, "W1": W1, "b1": b1,
            "W2": W2, "b2": b2, "bn_gamma": bn_gamma, "bn_beta": bn_beta,
            "lin_W": lin_W, "lin_b": lin_b}


def _gcn_conv(x, src, dst, W, b):
    # GCNConv: symmetric normalization with self-loops (already appended to src/dst)
    h = x @ W
    deg = jnp.zeros((N,), h.dtype).at[dst].add(1.0)
    dinv = jnp.where(deg > 0, 1.0 / jnp.sqrt(deg), 0.0)
    norm = dinv[src] * dinv[dst]
    msg = h[src] * norm[:, None]
    out = jnp.zeros((N, h.shape[1]), h.dtype).at[dst].add(msg)
    return out + b


def reference(x, edge_index, batch, W1, b1, W2, b2, bn_gamma, bn_beta, lin_W, lin_b):
    loop = jnp.arange(N)
    src = jnp.concatenate([edge_index[0], loop])
    dst = jnp.concatenate([edge_index[1], loop])
    # layer 1 conv + BN (training-mode batch stats) + relu; dropout p=0 is identity
    h = _gcn_conv(x, src, dst, W1, b1)
    mean = jnp.mean(h, axis=0)
    var = jnp.mean((h - mean) ** 2, axis=0)
    h = (h - mean) / jnp.sqrt(var + EPS) * bn_gamma + bn_beta
    h = jax.nn.relu(h)
    # last conv
    h = _gcn_conv(h, src, dst, W2, b2)
    # global mean pool over graphs
    sums = jax.ops.segment_sum(h, batch, num_segments=G)
    cnts = jax.ops.segment_sum(jnp.ones((N, 1), h.dtype), batch, num_segments=G)
    pooled = sums / jnp.maximum(cnts, 1.0)
    # final linear (dropout p=0 is identity)
    return pooled @ lin_W + lin_b

if __name__ == "__main__":
    import jax
    _d = setup_inputs()
    print(jax.jit(kernel)(*tuple(_d.values())))

</pallas_src>

<mosaic_0001>
#map = affine_map<(d0, d1) -> (0, 0, 0, 0, 0)>
#map1 = affine_map<(d0, d1) -> (0, 0)>
module attributes {stable_mosaic.version = 14 : i64} {
  func.func @_sc_degree(%arg0: i32, %arg1: i32, %arg2: memref<2x16x25x5x80xi32, #tpu.memory_space<hbm>>, %arg3: memref<2x10240xf32, #tpu.memory_space<hbm>>, %arg4: memref<10240xf32, #tpu.memory_space<vmem_shared>>, %arg5: memref<25x5x80xi32, #tpu.memory_space<vmem>>, %arg6: memref<80xf32, #tpu.memory_space<vmem>>, %arg7: memref<640xf32, #tpu.memory_space<vmem>>, %arg8: memref<!tpu.dma_semaphore, #tpu.memory_space<semaphore_mem>>) attributes {dimension_semantics = [#tpu.dimension_semantics<core_parallel>, #tpu.dimension_semantics<subcore_parallel>], iteration_bounds = array<i64: 2, 16>, scalar_prefetch = 0 : i64, scratch_operands = 5 : i64, tpu.core_type = #tpu.core_type<sc_vector_subcore>, window_params = [{transform_indices = #map}, {transform_indices = #map1}]} {
    %mul3A = arith.constant 640 : i32
    %mul3A_0 = arith.muli %arg1, %mul3A : i32
    "tpu.region"() ({
      %run_scoped3A = tpu.sem_alloc : memref<!tpu.dma_semaphore, #tpu.memory_space<semaphore_mem>>
      %dma_start3A = arith.constant 0 : i32
      %dma_start3A_41 = arith.constant 0 : i32
      %dma_start3A_42 = arith.constant 0 : i32
      %dma_start3A_43 = tpu.memref_slice %arg2[%arg0, %arg1, %dma_start3A, %dma_start3A_41, %dma_start3A_42] : memref<2x16x25x5x80xi32, #tpu.memory_space<hbm>> -> memref<1x1x25x5x80xi32, #tpu.memory_space<hbm>>
      %dma_start3A_44 = tpu.memref_squeeze %dma_start3A_43 : memref<1x1x25x5x80xi32, #tpu.memory_space<hbm>> -> memref<25x5x80xi32, #tpu.memory_space<hbm>>
      %dma_start3A_45 = arith.constant 0 : i32
      %dma_start3A_46 = arith.constant 0 : i32
      %dma_start3A_47 = arith.constant 0 : i32
      %dma_start3A_48 = tpu.memref_slice %arg2[%arg0, %arg1, %dma_start3A_45, %dma_start3A_46, %dma_start3A_47] : memref<2x16x25x5x80xi32, #tpu.memory_space<hbm>> -> memref<1x1x25x5x80xi32, #tpu.memory_space<hbm>>
      %dma_start3A_49 = tpu.memref_squeeze %dma_start3A_48 : memref<1x1x25x5x80xi32, #tpu.memory_space<hbm>> -> memref<25x5x80xi32, #tpu.memory_space<hbm>>
      tpu.enqueue_dma source(%dma_start3A_49 : memref<25x5x80xi32, #tpu.memory_space<hbm>>) target(%arg5 : memref<25x5x80xi32, #tpu.memory_space<vmem>>) target_semaphore(%run_scoped3A : memref<!tpu.dma_semaphore, #tpu.memory_space<semaphore_mem>>)
      %dma_wait3A = arith.constant 0 : i32
      %dma_wait3A_50 = arith.constant 0 : i32
      %dma_wait3A_51 = arith.constant 0 : i32
      %dma_wait3A_52 = tpu.memref_slice %arg2[%arg0, %arg1, %dma_wait3A, %dma_wait3A_50, %dma_wait3A_51] : memref<2x16x25x5x80xi32, #tpu.memory_space<hbm>> -> memref<1x1x25x5x80xi32, #tpu.memory_space<hbm>>
      %dma_wait3A_53 = tpu.memref_squeeze %dma_wait3A_52 : memref<1x1x25x5x80xi32, #tpu.memory_space<hbm>> -> memref<25x5x80xi32, #tpu.memory_space<hbm>>
      %dma_wait3A_54 = arith.constant 0 : i32
      %dma_wait3A_55 = arith.constant 0 : i32
      %dma_wait3A_56 = arith.constant 0 : i32
      %dma_wait3A_57 = tpu.memref_slice %arg2[%arg0, %arg1, %dma_wait3A_54, %dma_wait3A_55, %dma_wait3A_56] : memref<2x16x25x5x80xi32, #tpu.memory_space<hbm>> -> memref<1x1x25x5x80xi32, #tpu.memory_space<hbm>>
      %dma_wait3A_58 = tpu.memref_squeeze %dma_wait3A_57 : memref<1x1x25x5x80xi32, #tpu.memory_space<hbm>> -> memref<25x5x80xi32, #tpu.memory_space<hbm>>
      tpu.wait_dma2 semaphore(%run_scoped3A : memref<!tpu.dma_semaphore, #tpu.memory_space<semaphore_mem>>) src(%dma_wait3A_58 : memref<25x5x80xi32, #tpu.memory_space<hbm>>) dst(%arg5 : memref<25x5x80xi32, #tpu.memory_space<vmem>>)
      tpu.yield
    }) : () -> ()
    %broadcast_in_dim3A = arith.constant 1.000000e+00 : f32
    %broadcast_in_dim3A_1 = vector.broadcast %broadcast_in_dim3A : f32 to vector<16xf32>
    %swap3A = arith.constant 0 : index
    %swap3A_2 = tpu.vector_load %arg6[%swap3A] {strides = array<i32>} : memref<80xf32, #tpu.memory_space<vmem>>, vector<16xf32>,
    %swap3A_3 = vector.shape_cast %swap3A_2 : vector<16xf32> to vector<16xf32>
    %swap3A_4 = vector.shape_cast %broadcast_in_dim3A_1 : vector<16xf32> to vector<16xf32>
    tpu.vector_store %arg6[%swap3A], %swap3A_4 {strides = array<i32>} : memref<80xf32, #tpu.memory_space<vmem>>, vector<16xf32>,
    %broadcast_in_dim3A_5 = arith.constant 1.000000e+00 : f32
    %broadcast_in_dim3A_6 = vector.broadcast %broadcast_in_dim3A_5 : f32 to vector<16xf32>
    %swap3A_7 = arith.constant 16 : index
    %swap3A_8 = tpu.vector_load %arg6[%swap3A_7] {strides = array<i32>} : memref<80xf32, #tpu.memory_space<vmem>>, vector<16xf32>,
    %swap3A_9 = vector.shape_cast %swap3A_8 : vector<16xf32> to vector<16xf32>
    %swap3A_10 = vector.shape_cast %broadcast_in_dim3A_6 : vector<16xf32> to vector<16xf32>
    tpu.vector_store %arg6[%swap3A_7], %swap3A_10 {strides = array<i32>} : memref<80xf32, #tpu.memory_space<vmem>>, vector<16xf32>,
    %broadcast_in_dim3A_11 = arith.constant 1.000000e+00 : f32
    %broadcast_in_dim3A_12 = vector.broadcast %broadcast_in_dim3A_11 : f32 to vector<16xf32>
    %swap3A_13 = arith.constant 32 : index
    %swap3A_14 = tpu.vector_load %arg6[%swap3A_13] {strides = array<i32>} : memref<80xf32, #tpu.memory_space<vmem>>, vector<16xf32>,
    %swap3A_15 = vector.shape_cast %swap3A_14 : vector<16xf32> to vector<16xf32>
    %swap3A_16 = vector.shape_cast %broadcast_in_dim3A_12 : vector<16xf32> to vector<16xf32>
    tpu.vector_store %arg6[%swap3A_13], %swap3A_16 {strides = array<i32>} : memref<80xf32, #tpu.memory_space<vmem>>, vector<16xf32>,
    %broadcast_in_dim3A_17 = arith.constant 1.000000e+00 : f32
    %broadcast_in_dim3A_18 = vector.broadcast %broadcast_in_dim3A_17 : f32 to vector<16xf32>
    %swap3A_19 = arith.constant 48 : index
    %swap3A_20 = tpu.vector_load %arg6[%swap3A_19] {strides = array<i32>} : memref<80xf32, #tpu.memory_space<vmem>>, vector<16xf32>,
    %swap3A_21 = vector.shape_cast %swap3A_20 : vector<16xf32> to vector<16xf32>
    %swap3A_22 = vector.shape_cast %broadcast_in_dim3A_18 : vector<16xf32> to vector<16xf32>
    tpu.vector_store %arg6[%swap3A_19], %swap3A_22 {strides = array<i32>} : memref<80xf32, #tpu.memory_space<vmem>>, vector<16xf32>,
    %broadcast_in_dim3A_23 = arith.constant 1.000000e+00 : f32
    %broadcast_in_dim3A_24 = vector.broadcast %broadcast_in_dim3A_23 : f32 to vector<16xf32>
    %swap3A_25 = arith.constant 64 : index
    %swap3A_26 = tpu.vector_load %arg6[%swap3A_25] {strides = array<i32>} : memref<80xf32, #tpu.memory_space<vmem>>, vector<16xf32>,
    %swap3A_27 = vector.shape_cast %swap3A_26 : vector<16xf32> to vector<16xf32>
    %swap3A_28 = vector.shape_cast %broadcast_in_dim3A_24 : vector<16xf32> to vector<16xf32>
    tpu.vector_store %arg6[%swap3A_25], %swap3A_28 {strides = array<i32>} : memref<80xf32, #tpu.memory_space<vmem>>, vector<16xf32>,
    %scan3A = arith.constant 0 : i32
    %scan3A_29 = arith.constant 0 : i32
    %scan3A_30 = arith.constant 40 : i32
    %scan3A_31 = arith.addi %scan3A_29, %scan3A_30 : i32
    %scan3A_32 = arith.constant 1 : i32
    scf.for %scan3A_41 = %scan3A_29 to %scan3A_31 step %scan3A_32  : i32 {
      %broadcast_in_dim3A_42 = arith.constant 0.000000e+00 : f32
      %broadcast_in_dim3A_43 = vector.broadcast %broadcast_in_dim3A_42 : f32 to vector<16xf32>
      %mul3A_44 = arith.constant 16 : i32
      %mul3A_45 = arith.muli %scan3A_41, %mul3A_44 : i32
      %swap3A_46 = arith.index_cast %mul3A_45 : i32 to index
      %swap3A_47 = tpu.vector_load %arg7[%swap3A_46] {strides = array<i32>} : memref<640xf32, #tpu.memory_space<vmem>>, vector<16xf32>,
      %swap3A_48 = vector.shape_cast %swap3A_47 : vector<16xf32> to vector<16xf32>
      %swap3A_49 = vector.shape_cast %broadcast_in_dim3A_43 : vector<16xf32> to vector<16xf32>
      tpu.vector_store %arg7[%swap3A_46], %swap3A_49 {strides = array<i32>} : memref<640xf32, #tpu.memory_space<vmem>>, vector<16xf32>,
    }
    %scan3A_33 = arith.constant 40 : i32
    "tpu.region"() ({
      %run_scoped3A = tpu.sem_alloc : memref<!tpu.dma_semaphore, #tpu.memory_space<semaphore_mem>>
      %dma_start3A = tpu.memref_slice %arg4[%mul3A_0] : memref<10240xf32, #tpu.memory_space<vmem_shared>> -> memref<640xf32, #tpu.memory_space<vmem_shared>>
      %dma_start3A_41 = tpu.memref_slice %arg4[%mul3A_0] : memref<10240xf32, #tpu.memory_space<vmem_shared>> -> memref<640xf32, #tpu.memory_space<vmem_shared>>
      tpu.enqueue_dma source(%arg7 : memref<640xf32, #tpu.memory_space<vmem>>) target(%dma_start3A_41 : memref<640xf32, #tpu.memory_space<vmem_shared>>) target_semaphore(%run_scoped3A : memref<!tpu.dma_semaphore, #tpu.memory_space<semaphore_mem>>)
      %dma_wait3A = tpu.memref_slice %arg4[%mul3A_0] : memref<10240xf32, #tpu.memory_space<vmem_shared>> -> memref<640xf32, #tpu.memory_space<vmem_shared>>
      %dma_wait3A_42 = tpu.memref_slice %arg4[%mul3A_0] : memref<10240xf32, #tpu.memory_space<vmem_shared>> -> memref<640xf32, #tpu.memory_space<vmem_shared>>
      tpu.wait_dma2 semaphore(%run_scoped3A : memref<!tpu.dma_semaphore, #tpu.memory_space<semaphore_mem>>) src(%arg7 : memref<640xf32, #tpu.memory_space<vmem>>) dst(%dma_wait3A_42 : memref<640xf32, #tpu.memory_space<vmem_shared>>)
      tpu.yield
    }) : () -> ()
    %barrier3A = arith.constant 0 : index
    tpu.barrier barrier_id(%barrier3A)
    %scan3A_34 = arith.constant 0 : i32
    %scan3A_35 = arith.constant 0 : i32
    %scan3A_36 = arith.constant 25 : i32
    %scan3A_37 = arith.addi %scan3A_35, %scan3A_36 : i32
    %scan3A_38 = arith.constant 1 : i32
    scf.for %scan3A_41 = %scan3A_35 to %scan3A_37 step %scan3A_38  : i32 {
      %dma_start3A = arith.constant 0 : i32
      %dma_start3A_42 = arith.constant 0 : i32
      %dma_start3A_43 = tpu.memref_slice %arg5[%scan3A_41, %dma_start3A, %dma_start3A_42] : memref<25x5x80xi32, #tpu.memory_space<vmem>> -> memref<1x1x80xi32, #tpu.memory_space<vmem>>
      %dma_start3A_44 = tpu.memref_squeeze %dma_start3A_43 : memref<1x1x80xi32, #tpu.memory_space<vmem>> -> memref<80xi32, #tpu.memory_space<vmem>>
      %dma_start3A_45 = arith.constant 0 : i32
      %dma_start3A_46 = tpu.memref_slice %arg4[%dma_start3A_45] : memref<10240xf32, #tpu.memory_space<vmem_shared>> -> memref<10240xf32, #tpu.memory_space<vmem_shared>>
      tpu.enqueue_indirect_dma source(%arg6 : memref<80xf32, #tpu.memory_space<vmem>>) target(%dma_start3A_46 : memref<10240xf32, #tpu.memory_space<vmem_shared>>) offsets(%dma_start3A_44 : memref<80xi32, #tpu.memory_space<vmem>>) semaphore(%arg8 : memref<!tpu.dma_semaphore, #tpu.memory_space<semaphore_mem>>) {add = true}
      %dma_start3A_47 = arith.constant 1 : i32
      %dma_start3A_48 = arith.constant 0 : i32
      %dma_start3A_49 = tpu.memref_slice %arg5[%scan3A_41, %dma_start3A_47, %dma_start3A_48] : memref<25x5x80xi32, #tpu.memory_space<vmem>> -> memref<1x1x80xi32, #tpu.memory_space<vmem>>
      %dma_start3A_50 = tpu.memref_squeeze %dma_start3A_49 : memref<1x1x80xi32, #tpu.memory_space<vmem>> -> memref<80xi32, #tpu.memory_space<vmem>>
      %dma_start3A_51 = arith.constant 0 : i32
      %dma_start3A_52 = tpu.memref_slice %arg4[%dma_start3A_51] : memref<10240xf32, #tpu.memory_space<vmem_shared>> -> memref<10240xf32, #tpu.memory_space<vmem_shared>>
      tpu.enqueue_indirect_dma source(%arg6 : memref<80xf32, #tpu.memory_space<vmem>>) target(%dma_start3A_52 : memref<10240xf32, #tpu.memory_space<vmem_shared>>) offsets(%dma_start3A_50 : memref<80xi32, #tpu.memory_space<vmem>>) semaphore(%arg8 : memref<!tpu.dma_semaphore, #tpu.memory_space<semaphore_mem>>) {add = true}
      %dma_start3A_53 = arith.constant 2 : i32
      %dma_start3A_54 = arith.constant 0 : i32
      %dma_start3A_55 = tpu.memref_slice %arg5[%scan3A_41, %dma_start3A_53, %dma_start3A_54] : memref<25x5x80xi32, #tpu.memory_space<vmem>> -> memref<1x1x80xi32, #tpu.memory_space<vmem>>
      %dma_start3A_56 = tpu.memref_squeeze %dma_start3A_55 : memref<1x1x80xi32, #tpu.memory_space<vmem>> -> memref<80xi32, #tpu.memory_space<vmem>>
      %dma_start3A_57 = arith.constant 0 : i32
      %dma_start3A_58 = tpu.memref_slice %arg4[%dma_start3A_57] : memref<10240xf32, #tpu.memory_space<vmem_shared>> -> memref<10240xf32, #tpu.memory_space<vmem_shared>>
      tpu.enqueue_indirect_dma source(%arg6 : memref<80xf32, #tpu.memory_space<vmem>>) target(%dma_start3A_58 : memref<10240xf32, #tpu.memory_space<vmem_shared>>) offsets(%dma_start3A_56 : memref<80xi32, #tpu.memory_space<vmem>>) semaphore(%arg8 : memref<!tpu.dma_semaphore, #tpu.memory_space<semaphore_mem>>) {add = true}
      %dma_start3A_59 = arith.constant 3 : i32
      %dma_start3A_60 = arith.constant 0 : i32
      %dma_start3A_61 = tpu.memref_slice %arg5[%scan3A_41, %dma_start3A_59, %dma_start3A_60] : memref<25x5x80xi32, #tpu.memory_space<vmem>> -> memref<1x1x80xi32, #tpu.memory_space<vmem>>
      %dma_start3A_62 = tpu.memref_squeeze %dma_start3A_61 : memref<1x1x80xi32, #tpu.memory_space<vmem>> -> memref<80xi32, #tpu.memory_space<vmem>>
      %dma_start3A_63 = arith.constant 0 : i32
      %dma_start3A_64 = tpu.memref_slice %arg4[%dma_start3A_63] : memref<10240xf32, #tpu.memory_space<vmem_shared>> -> memref<10240xf32, #tpu.memory_space<vmem_shared>>
      tpu.enqueue_indirect_dma source(%arg6 : memref<80xf32, #tpu.memory_space<vmem>>) target(%dma_start3A_64 : memref<10240xf32, #tpu.memory_space<vmem_shared>>) offsets(%dma_start3A_62 : memref<80xi32, #tpu.memory_space<vmem>>) semaphore(%arg8 : memref<!tpu.dma_semaphore, #tpu.memory_space<semaphore_mem>>) {add = true}
      %dma_start3A_65 = arith.constant 4 : i32
      %dma_start3A_66 = arith.constant 0 : i32
      %dma_start3A_67 = tpu.memref_slice %arg5[%scan3A_41, %dma_start3A_65, %dma_start3A_66] : memref<25x5x80xi32, #tpu.memory_space<vmem>> -> memref<1x1x80xi32, #tpu.memory_space<vmem>>
      %dma_start3A_68 = tpu.memref_squeeze %dma_start3A_67 : memref<1x1x80xi32, #tpu.memory_space<vmem>> -> memref<80xi32, #tpu.memory_space<vmem>>
      %dma_start3A_69 = arith.constant 0 : i32
      %dma_start3A_70 = tpu.memref_slice %arg4[%dma_start3A_69] : memref<10240xf32, #tpu.memory_space<vmem_shared>> -> memref<10240xf32, #tpu.memory_space<vmem_shared>>
      tpu.enqueue_indirect_dma source(%arg6 : memref<80xf32, #tpu.memory_space<vmem>>) target(%dma_start3A_70 : memref<10240xf32, #tpu.memory_space<vmem_shared>>) offsets(%dma_start3A_68 : memref<80xi32, #tpu.memory_space<vmem>>) semaphore(%arg8 : memref<!tpu.dma_semaphore, #tpu.memory_space<semaphore_mem>>) {add = true}
      %dma_wait3A = arith.constant 0 : i32
      %dma_wait3A_71 = arith.constant 0 : i32
      %dma_wait3A_72 = tpu.memref_slice %arg5[%scan3A_41, %dma_wait3A, %dma_wait3A_71] : memref<25x5x80xi32, #tpu.memory_space<vmem>> -> memref<1x1x80xi32, #tpu.memory_space<vmem>>
      %dma_wait3A_73 = tpu.memref_squeeze %dma_wait3A_72 : memref<1x1x80xi32, #tpu.memory_space<vmem>> -> memref<80xi32, #tpu.memory_space<vmem>>
      %dma_wait3A_74 = arith.constant 0 : i32
      %dma_wait3A_75 = tpu.memref_slice %arg4[%dma_wait3A_74] : memref<10240xf32, #tpu.memory_space<vmem_shared>> -> memref<10240xf32, #tpu.memory_space<vmem_shared>>
      tpu.wait_indirect_dma semaphore(%arg8 : memref<!tpu.dma_semaphore, #tpu.memory_space<semaphore_mem>>) src(%arg6 : memref<80xf32, #tpu.memory_space<vmem>>) dst(%dma_wait3A_75 : memref<10240xf32, #tpu.memory_space<vmem_shared>>)
      %dma_wait3A_76 = arith.constant 1 : i32
      %dma_wait3A_77 = arith.constant 0 : i32
      %dma_wait3A_78 = tpu.memref_slice %arg5[%scan3A_41, %dma_wait3A_76, %dma_wait3A_77] : memref<25x5x80xi32, #tpu.memory_space<vmem>> -> memref<1x1x80xi32, #tpu.memory_space<vmem>>
      %dma_wait3A_79 = tpu.memref_squeeze %dma_wait3A_78 : memref<1x1x80xi32, #tpu.memory_space<vmem>> -> memref<80xi32, #tpu.memory_space<vmem>>
      %dma_wait3A_80 = arith.constant 0 : i32
      %dma_wait3A_81 = tpu.memref_slice %arg4[%dma_wait3A_80] : memref<10240xf32, #tpu.memory_space<vmem_shared>> -> memref<10240xf32, #tpu.memory_space<vmem_shared>>
      tpu.wait_indirect_dma semaphore(%arg8 : memref<!tpu.dma_semaphore, #tpu.memory_space<semaphore_mem>>) src(%arg6 : memref<80xf32, #tpu.memory_space<vmem>>) dst(%dma_wait3A_81 : memref<10240xf32, #tpu.memory_space<vmem_shared>>)
      %dma_wait3A_82 = arith.constant 2 : i32
      %dma_wait3A_83 = arith.constant 0 : i32
      %dma_wait3A_84 = tpu.memref_slice %arg5[%scan3A_41, %dma_wait3A_82, %dma_wait3A_83] : memref<25x5x80xi32, #tpu.memory_space<vmem>> -> memref<1x1x80xi32, #tpu.memory_space<vmem>>
      %dma_wait3A_85 = tpu.memref_squeeze %dma_wait3A_84 : memref<1x1x80xi32, #tpu.memory_space<vmem>> -> memref<80xi32, #tpu.memory_space<vmem>>
      %dma_wait3A_86 = arith.constant 0 : i32
      %dma_wait3A_87 = tpu.memref_slice %arg4[%dma_wait3A_86] : memref<10240xf32, #tpu.memory_space<vmem_shared>> -> memref<10240xf32, #tpu.memory_space<vmem_shared>>
      tpu.wait_indirect_dma semaphore(%arg8 : memref<!tpu.dma_semaphore, #tpu.memory_space<semaphore_mem>>) src(%arg6 : memref<80xf32, #tpu.memory_space<vmem>>) dst(%dma_wait3A_87 : memref<10240xf32, #tpu.memory_space<vmem_shared>>)
      %dma_wait3A_88 = arith.constant 3 : i32
      %dma_wait3A_89 = arith.constant 0 : i32
      %dma_wait3A_90 = tpu.memref_slice %arg5[%scan3A_41, %dma_wait3A_88, %dma_wait3A_89] : memref<25x5x80xi32, #tpu.memory_space<vmem>> -> memref<1x1x80xi32, #tpu.memory_space<vmem>>
      %dma_wait3A_91 = tpu.memref_squeeze %dma_wait3A_90 : memref<1x1x80xi32, #tpu.memory_space<vmem>> -> memref<80xi32, #tpu.memory_space<vmem>>
      %dma_wait3A_92 = arith.constant 0 : i32
      %dma_wait3A_93 = tpu.memref_slice %arg4[%dma_wait3A_92] : memref<10240xf32, #tpu.memory_space<vmem_shared>> -> memref<10240xf32, #tpu.memory_space<vmem_shared>>
      tpu.wait_indirect_dma semaphore(%arg8 : memref<!tpu.dma_semaphore, #tpu.memory_space<semaphore_mem>>) src(%arg6 : memref<80xf32, #tpu.memory_space<vmem>>) dst(%dma_wait3A_93 : memref<10240xf32, #tpu.memory_space<vmem_shared>>)
      %dma_wait3A_94 = arith.constant 4 : i32
      %dma_wait3A_95 = arith.constant 0 : i32
      %dma_wait3A_96 = tpu.memref_slice %arg5[%scan3A_41, %dma_wait3A_94, %dma_wait3A_95] : memref<25x5x80xi32, #tpu.memory_space<vmem>> -> memref<1x1x80xi32, #tpu.memory_space<vmem>>
      %dma_wait3A_97 = tpu.memref_squeeze %dma_wait3A_96 : memref<1x1x80xi32, #tpu.memory_space<vmem>> -> memref<80xi32, #tpu.memory_space<vmem>>
      %dma_wait3A_98 = arith.constant 0 : i32
      %dma_wait3A_99 = tpu.memref_slice %arg4[%dma_wait3A_98] : memref<10240xf32, #tpu.memory_space<vmem_shared>> -> memref<10240xf32, #tpu.memory_space<vmem_shared>>
      tpu.wait_indirect_dma semaphore(%arg8 : memref<!tpu.dma_semaphore, #tpu.memory_space<semaphore_mem>>) src(%arg6 : memref<80xf32, #tpu.memory_space<vmem>>) dst(%dma_wait3A_99 : memref<10240xf32, #tpu.memory_space<vmem_shared>>)
    }
    %scan3A_39 = arith.constant 25 : i32
    %barrier3A_40 = arith.constant 0 : index
    tpu.barrier barrier_id(%barrier3A_40)
    "tpu.region"() ({
      %run_scoped3A = tpu.sem_alloc : memref<!tpu.dma_semaphore, #tpu.memory_space<semaphore_mem>>
      %dma_start3A = tpu.memref_slice %arg3[%arg0, %mul3A_0] : memref<2x10240xf32, #tpu.memory_space<hbm>> -> memref<1x640xf32, #tpu.memory_space<hbm>>
      %dma_start3A_41 = tpu.memref_squeeze %dma_start3A : memref<1x640xf32, #tpu.memory_space<hbm>> -> memref<640xf32, #tpu.memory_space<hbm>>
      %dma_start3A_42 = tpu.memref_slice %arg4[%mul3A_0] : memref<10240xf32, #tpu.memory_space<vmem_shared>> -> memref<640xf32, #tpu.memory_space<vmem_shared>>
      tpu.enqueue_dma source(%dma_start3A_42 : memref<640xf32, #tpu.memory_space<vmem_shared>>) target(%dma_start3A_41 : memref<640xf32, #tpu.memory_space<hbm>>) target_semaphore(%run_scoped3A : memref<!tpu.dma_semaphore, #tpu.memory_space<semaphore_mem>>)
      %dma_wait3A = tpu.memref_slice %arg3[%arg0, %mul3A_0] : memref<2x10240xf32, #tpu.memory_space<hbm>> -> memref<1x640xf32, #tpu.memory_space<hbm>>
      %dma_wait3A_43 = tpu.memref_squeeze %dma_wait3A : memref<1x640xf32, #tpu.memory_space<hbm>> -> memref<640xf32, #tpu.memory_space<hbm>>
      %dma_wait3A_44 = tpu.memref_slice %arg4[%mul3A_0] : memref<10240xf32, #tpu.memory_space<vmem_shared>> -> memref<640xf32, #tpu.memory_space<vmem_shared>>
      tpu.wait_dma2 semaphore(%run_scoped3A : memref<!tpu.dma_semaphore, #tpu.memory_space<semaphore_mem>>) src(%dma_wait3A_44 : memref<640xf32, #tpu.memory_space<vmem_shared>>) dst(%dma_wait3A_43 : memref<640xf32, #tpu.memory_space<hbm>>)
      tpu.yield
    }) : () -> ()
    return
  }
}

#map = affine_map<(d0, d1) -> (0, 0)>
#map1 = affine_map<(d0, d1) -> (0, 0, 0, 0, 0)>
#map2 = affine_map<(d0, d1) -> (0, 0, 0)>
module attributes {stable_mosaic.version = 14 : i64} {
  func.func @_sc_aggregate(%arg0: i32, %arg1: i32, %arg2: memref<10240x128xf32, #tpu.memory_space<hbm>>, %arg3: memref<2x16x25x5x80xi32, #tpu.memory_space<hbm>>, %arg4: memref<2x16x25x5x80xi32, #tpu.memory_space<hbm>>, %arg5: memref<2x10240x128xf32, #tpu.memory_space<hbm>>, %arg6: memref<10240x128xf32, #tpu.memory_space<vmem_shared>>, %arg7: memref<3x5x80xi32, #tpu.memory_space<vmem>>, %arg8: memref<3x5x80xi32, #tpu.memory_space<vmem>>, %arg9: memref<4x80x128xf32, #tpu.memory_space<vmem>>, %arg10: memref<!tpu.dma_semaphore, #tpu.memory_space<semaphore_mem>>, %arg11: memref<!tpu.dma_semaphore, #tpu.memory_space<semaphore_mem>>, %arg12: memref<!tpu.dma_semaphore, #tpu.memory_space<semaphore_mem>>) attributes {dimension_semantics = [#tpu.dimension_semantics<core_parallel>, #tpu.dimension_semantics<subcore_parallel>], iteration_bounds = array<i64: 2, 16>, scalar_prefetch = 0 : i64, scratch_operands = 7 : i64, tpu.core_type = #tpu.core_type<sc_vector_subcore>, window_params = [{transform_indices = #map}, {transform_indices = #map1}, {transform_indices = #map1}, {transform_indices = #map2}]} {
    %mul3A = arith.constant 640 : i32
    %mul3A_0 = arith.muli %arg1, %mul3A : i32
    %run_scoped3A = arith.constant 0 : i32
    %run_scoped3A_1 = arith.constant 0 : i32
    "tpu.region"() ({
      %run_scoped3A_96 = tpu.sem_alloc : memref<!tpu.dma_semaphore, #tpu.memory_space<semaphore_mem>>
      %dma_start3A_97 = arith.constant 0 : i32
      %dma_start3A_98 = arith.constant 0 : i32
      %dma_start3A_99 = tpu.memref_slice %arg7[%run_scoped3A_1, %dma_start3A_97, %dma_start3A_98] : memref<3x5x80xi32, #tpu.memory_space<vmem>> -> memref<1x5x80xi32, #tpu.memory_space<vmem>>
      %dma_start3A_100 = tpu.memref_squeeze %dma_start3A_99 : memref<1x5x80xi32, #tpu.memory_space<vmem>> -> memref<5x80xi32, #tpu.memory_space<vmem>>
      %dma_start3A_101 = arith.constant 0 : i32
      %dma_start3A_102 = arith.constant 0 : i32
      %dma_start3A_103 = tpu.memref_slice %arg3[%arg0, %arg1, %run_scoped3A, %dma_start3A_101, %dma_start3A_102] : memref<2x16x25x5x80xi32, #tpu.memory_space<hbm>> -> memref<1x1x1x5x80xi32, #tpu.memory_space<hbm>>
      %dma_start3A_104 = tpu.memref_squeeze %dma_start3A_103 : memref<1x1x1x5x80xi32, #tpu.memory_space<hbm>> -> memref<5x80xi32, #tpu.memory_space<hbm>>
      %dma_start3A_105 = arith.constant 0 : i32
      %dma_start3A_106 = arith.constant 0 : i32
      %dma_start3A_107 = tpu.memref_slice %arg7[%run_scoped3A_1, %dma_start3A_105, %dma_start3A_106] : memref<3x5x80xi32, #tpu.memory_space<vmem>> -> memref<1x5x80xi32, #tpu.memory_space<vmem>>
      %dma_start3A_108 = tpu.memref_squeeze %dma_start3A_107 : memref<1x5x80xi32, #tpu.memory_space<vmem>> -> memref<5x80xi32, #tpu.memory_space<vmem>>
      %dma_start3A_109 = arith.constant 0 : i32
      %dma_start3A_110 = arith.constant 0 : i32
      %dma_start3A_111 = tpu.memref_slice %arg3[%arg0, %arg1, %run_scoped3A, %dma_start3A_109, %dma_start3A_110] : memref<2x16x25x5x80xi32, #tpu.memory_space<hbm>> -> memref<1x1x1x5x80xi32, #tpu.memory_space<hbm>>
      %dma_start3A_112 = tpu.memref_squeeze %dma_start3A_111 : memref<1x1x1x5x80xi32, #tpu.memory_space<hbm>> -> memref<5x80xi32, #tpu.memory_space<hbm>>
      tpu.enqueue_dma source(%dma_start3A_112 : memref<5x80xi32, #tpu.memory_space<hbm>>) target(%dma_start3A_108 : memref<5x80xi32, #tpu.memory_space<vmem>>) target_semaphore(%run_scoped3A_96 : memref<!tpu.dma_semaphore, #tpu.memory_space<semaphore_mem>>)
      %dma_wait3A_113 = arith.constant 0 : i32
      %dma_wait3A_114 = arith.constant 0 : i32
      %dma_wait3A_115 = tpu.memref_slice %arg7[%run_scoped3A_1, %dma_wait3A_113, %dma_wait3A_114] : memref<3x5x80xi32, #tpu.memory_space<vmem>> -> memref<1x5x80xi32, #tpu.memory_space<vmem>>
      %dma_wait3A_116 = tpu.memref_squeeze %dma_wait3A_115 : memref<1x5x80xi32, #tpu.memory_space<vmem>> -> memref<5x80xi32, #tpu.memory_space<vmem>>
      %dma_wait3A_117 = arith.constant 0 : i32
      %dma_wait3A_118 = arith.constant 0 : i32
      %dma_wait3A_119 = tpu.memref_slice %arg3[%arg0, %arg1, %run_scoped3A, %dma_wait3A_117, %dma_wait3A_118] : memref<2x16x25x5x80xi32, #tpu.memory_space<hbm>> -> memref<1x1x1x5x80xi32, #tpu.memory_space<hbm>>
      %dma_wait3A_120 = tpu.memref_squeeze %dma_wait3A_119 : memref<1x1x1x5x80xi32, #tpu.memory_space<hbm>> -> memref<5x80xi32, #tpu.memory_space<hbm>>
      %dma_wait3A_121 = arith.constant 0 : i32
      %dma_wait3A_122 = arith.constant 0 : i32
      %dma_wait3A_123 = tpu.memref_slice %arg7[%run_scoped3A_1, %dma_wait3A_121, %dma_wait3A_122] : memref<3x5x80xi32, #tpu.memory_space<vmem>> -> memref<1x5x80xi32, #tpu.memory_space<vmem>>
      %dma_wait3A_124 = tpu.memref_squeeze %dma_wait3A_123 : memref<1x5x80xi32, #tpu.memory_space<vmem>> -> memref<5x80xi32, #tpu.memory_space<vmem>>
      %dma_wait3A_125 = arith.constant 0 : i32
      %dma_wait3A_126 = arith.constant 0 : i32
      %dma_wait3A_127 = tpu.memref_slice %arg3[%arg0, %arg1, %run_scoped3A, %dma_wait3A_125, %dma_wait3A_126] : memref<2x16x25x5x80xi32, #tpu.memory_space<hbm>> -> memref<1x1x1x5x80xi32, #tpu.memory_space<hbm>>
      %dma_wait3A_128 = tpu.memref_squeeze %dma_wait3A_127 : memref<1x1x1x5x80xi32, #tpu.memory_space<hbm>> -> memref<5x80xi32, #tpu.memory_space<hbm>>
      tpu.wait_dma2 semaphore(%run_scoped3A_96 : memref<!tpu.dma_semaphore, #tpu.memory_space<semaphore_mem>>) src(%dma_wait3A_128 : memref<5x80xi32, #tpu.memory_space<hbm>>) dst(%dma_wait3A_124 : memref<5x80xi32, #tpu.memory_space<vmem>>)
      tpu.yield
    }) : () -> ()
    %run_scoped3A_2 = arith.constant 0 : i32
    %run_scoped3A_3 = arith.constant 0 : i32
    "tpu.region"() ({
      %run_scoped3A_96 = tpu.sem_alloc : memref<!tpu.dma_semaphore, #tpu.memory_space<semaphore_mem>>
      %dma_start3A_97 = arith.constant 0 : i32
      %dma_start3A_98 = arith.constant 0 : i32
      %dma_start3A_99 = tpu.memref_slice %arg8[%run_scoped3A_3, %dma_start3A_97, %dma_start3A_98] : memref<3x5x80xi32, #tpu.memory_space<vmem>> -> memref<1x5x80xi32, #tpu.memory_space<vmem>>
      %dma_start3A_100 = tpu.memref_squeeze %dma_start3A_99 : memref<1x5x80xi32, #tpu.memory_space<vmem>> -> memref<5x80xi32, #tpu.memory_space<vmem>>
      %dma_start3A_101 = arith.constant 0 : i32
      %dma_start3A_102 = arith.constant 0 : i32
      %dma_start3A_103 = tpu.memref_slice %arg4[%arg0, %arg1, %run_scoped3A_2, %dma_start3A_101, %dma_start3A_102] : memref<2x16x25x5x80xi32, #tpu.memory_space<hbm>> -> memref<1x1x1x5x80xi32, #tpu.memory_space<hbm>>
      %dma_start3A_104 = tpu.memref_squeeze %dma_start3A_103 : memref<1x1x1x5x80xi32, #tpu.memory_space<hbm>> -> memref<5x80xi32, #tpu.memory_space<hbm>>
      %dma_start3A_105 = arith.constant 0 : i32
      %dma_start3A_106 = arith.constant 0 : i32
      %dma_start3A_107 = tpu.memref_slice %arg8[%run_scoped3A_3, %dma_start3A_105, %dma_start3A_106] : memref<3x5x80xi32, #tpu.memory_space<vmem>> -> memref<1x5x80xi32, #tpu.memory_space<vmem>>
      %dma_start3A_108 = tpu.memref_squeeze %dma_start3A_107 : memref<1x5x80xi32, #tpu.memory_space<vmem>> -> memref<5x80xi32, #tpu.memory_space<vmem>>
      %dma_start3A_109 = arith.constant 0 : i32
      %dma_start3A_110 = arith.constant 0 : i32
      %dma_start3A_111 = tpu.memref_slice %arg4[%arg0, %arg1, %run_scoped3A_2, %dma_start3A_109, %dma_start3A_110] : memref<2x16x25x5x80xi32, #tpu.memory_space<hbm>> -> memref<1x1x1x5x80xi32, #tpu.memory_space<hbm>>
      %dma_start3A_112 = tpu.memref_squeeze %dma_start3A_111 : memref<1x1x1x5x80xi32, #tpu.memory_space<hbm>> -> memref<5x80xi32, #tpu.memory_space<hbm>>
      tpu.enqueue_dma source(%dma_start3A_112 : memref<5x80xi32, #tpu.memory_space<hbm>>) target(%dma_start3A_108 : memref<5x80xi32, #tpu.memory_space<vmem>>) target_semaphore(%run_scoped3A_96 : memref<!tpu.dma_semaphore, #tpu.memory_space<semaphore_mem>>)
      %dma_wait3A_113 = arith.constant 0 : i32
      %dma_wait3A_114 = arith.constant 0 : i32
      %dma_wait3A_115 = tpu.memref_slice %arg8[%run_scoped3A_3, %dma_wait3A_113, %dma_wait3A_114] : memref<3x5x80xi32, #tpu.memory_space<vmem>> -> memref<1x5x80xi32, #tpu.memory_space<vmem>>
      %dma_wait3A_116 = tpu.memref_squeeze %dma_wait3A_115 : memref<1x5x80xi32, #tpu.memory_space<vmem>> -> memref<5x80xi32, #tpu.memory_space<vmem>>
      %dma_wait3A_117 = arith.constant 0 : i32
      %dma_wait3A_118 = arith.constant 0 : i32
      %dma_wait3A_119 = tpu.memref_slice %arg4[%arg0, %arg1, %run_scoped3A_2, %dma_wait3A_117, %dma_wait3A_118] : memref<2x16x25x5x80xi32, #tpu.memory_space<hbm>> -> memref<1x1x1x5x80xi32, #tpu.memory_space<hbm>>
      %dma_wait3A_120 = tpu.memref_squeeze %dma_wait3A_119 : memref<1x1x1x5x80xi32, #tpu.memory_space<hbm>> -> memref<5x80xi32, #tpu.memory_space<hbm>>
      %dma_wait3A_121 = arith.constant 0 : i32
      %dma_wait3A_122 = arith.constant 0 : i32
      %dma_wait3A_123 = tpu.memref_slice %arg8[%run_scoped3A_3, %dma_wait3A_121, %dma_wait3A_122] : memref<3x5x80xi32, #tpu.memory_space<vmem>> -> memref<1x5x80xi32, #tpu.memory_space<vmem>>
      %dma_wait3A_124 = tpu.memref_squeeze %dma_wait3A_123 : memref<1x5x80xi32, #tpu.memory_space<vmem>> -> memref<5x80xi32, #tpu.memory_space<vmem>>
      %dma_wait3A_125 = arith.constant 0 : i32
      %dma_wait3A_126 = arith.constant 0 : i32
      %dma_wait3A_127 = tpu.memref_slice %arg4[%arg0, %arg1, %run_scoped3A_2, %dma_wait3A_125, %dma_wait3A_126] : memref<2x16x25x5x80xi32, #tpu.memory_space<hbm>> -> memref<1x1x1x5x80xi32, #tpu.memory_space<hbm>>
      %dma_wait3A_128 = tpu.memref_squeeze %dma_wait3A_127 : memref<1x1x1x5x80xi32, #tpu.memory_space<hbm>> -> memref<5x80xi32, #tpu.memory_space<hbm>>
      tpu.wait_dma2 semaphore(%run_scoped3A_96 : memref<!tpu.dma_semaphore, #tpu.memory_space<semaphore_mem>>) src(%dma_wait3A_128 : memref<5x80xi32, #tpu.memory_space<hbm>>) dst(%dma_wait3A_124 : memref<5x80xi32, #tpu.memory_space<vmem>>)
      tpu.yield
    }) : () -> ()
    %dma_start3A = arith.constant 1 : i32
    %dma_start3A_4 = arith.constant 1 : i32
    %dma_start3A_5 = arith.constant 0 : i32
    %dma_start3A_6 = arith.constant 0 : i32
    %dma_start3A_7 = tpu.memref_slice %arg7[%dma_start3A_4, %dma_start3A_5, %dma_start3A_6] : memref<3x5x80xi32, #tpu.memory_space<vmem>> -> memref<1x5x80xi32, #tpu.memory_space<vmem>>
    %dma_start3A_8 = tpu.memref_squeeze %dma_start3A_7 : memref<1x5x80xi32, #tpu.memory_space<vmem>> -> memref<5x80xi32, #tpu.memory_space<vmem>>
    %dma_start3A_9 = arith.constant 0 : i32
    %dma_start3A_10 = arith.constant 0 : i32
    %dma_start3A_11 = tpu.memref_slice %arg3[%arg0, %arg1, %dma_start3A, %dma_start3A_9, %dma_start3A_10] : memref<2x16x25x5x80xi32, #tpu.memory_space<hbm>> -> memref<1x1x1x5x80xi32, #tpu.memory_space<hbm>>
    %dma_start3A_12 = tpu.memref_squeeze %dma_start3A_11 : memref<1x1x1x5x80xi32, #tpu.memory_space<hbm>> -> memref<5x80xi32, #tpu.memory_space<hbm>>
    %dma_start3A_13 = arith.constant 0 : i32
    %dma_start3A_14 = arith.constant 0 : i32
    %dma_start3A_15 = tpu.memref_slice %arg7[%dma_start3A_4, %dma_start3A_13, %dma_start3A_14] : memref<3x5x80xi32, #tpu.memory_space<vmem>> -> memref<1x5x80xi32, #tpu.memory_space<vmem>>
    %dma_start3A_16 = tpu.memref_squeeze %dma_start3A_15 : memref<1x5x80xi32, #tpu.memory_space<vmem>> -> memref<5x80xi32, #tpu.memory_space<vmem>>
    %dma_start3A_17 = arith.constant 0 : i32
    %dma_start3A_18 = arith.constant 0 : i32
    %dma_start3A_19 = tpu.memref_slice %arg3[%arg0, %arg1, %dma_start3A, %dma_start3A_17, %dma_start3A_18] : memref<2x16x25x5x80xi32, #tpu.memory_space<hbm>> -> memref<1x1x1x5x80xi32, #tpu.memory_space<hbm>>
    %dma_start3A_20 = tpu.memref_squeeze %dma_start3A_19 : memref<1x1x1x5x80xi32, #tpu.memory_space<hbm>> -> memref<5x80xi32, #tpu.memory_space<hbm>>
    tpu.enqueue_dma source(%dma_start3A_20 : memref<5x80xi32, #tpu.memory_space<hbm>>) target(%dma_start3A_16 : memref<5x80xi32, #tpu.memory_space<vmem>>) target_semaphore(%arg12 : memref<!tpu.dma_semaphore, #tpu.memory_space<semaphore_mem>>)
    %dma_start3A_21 = arith.constant 1 : i32
    %dma_start3A_22 = arith.constant 1 : i32
    %dma_start3A_23 = arith.constant 0 : i32
    %dma_start3A_24 = arith.constant 0 : i32
    %dma_start3A_25 = tpu.memref_slice %arg8[%dma_start3A_22, %dma_start3A_23, %dma_start3A_24] : memref<3x5x80xi32, #tpu.memory_space<vmem>> -> memref<1x5x80xi32, #tpu.memory_space<vmem>>
    %dma_start3A_26 = tpu.memref_squeeze %dma_start3A_25 : memref<1x5x80xi32, #tpu.memory_space<vmem>> -> memref<5x80xi32, #tpu.memory_space<vmem>>
    %dma_start3A_27 = arith.constant 0 : i32
    %dma_start3A_28 = arith.constant 0 : i32
    %dma_start3A_29 = tpu.memref_slice %arg4[%arg0, %arg1, %dma_start3A_21, %dma_start3A_27, %dma_start3A_28] : memref<2x16x25x5x80xi32, #tpu.memory_space<hbm>> -> memref<1x1x1x5x80xi32, #tpu.memory_space<hbm>>
    %dma_start3A_30 = tpu.memref_squeeze %dma_start3A_29 : memref<1x1x1x5x80xi32, #tpu.memory_space<hbm>> -> memref<5x80xi32, #tpu.memory_space<hbm>>
    %dma_start3A_31 = arith.constant 0 : i32
    %dma_start3A_32 = arith.constant 0 : i32
    %dma_start3A_33 = tpu.memref_slice %arg8[%dma_start3A_22, %dma_start3A_31, %dma_start3A_32] : memref<3x5x80xi32, #tpu.memory_space<vmem>> -> memref<1x5x80xi32, #tpu.memory_space<vmem>>
    %dma_start3A_34 = tpu.memref_squeeze %dma_start3A_33 : memref<1x5x80xi32, #tpu.memory_space<vmem>> -> memref<5x80xi32, #tpu.memory_space<vmem>>
    %dma_start3A_35 = arith.constant 0 : i32
    %dma_start3A_36 = arith.constant 0 : i32
    %dma_start3A_37 = tpu.memref_slice %arg4[%arg0, %arg1, %dma_start3A_21, %dma_start3A_35, %dma_start3A_36] : memref<2x16x25x5x80xi32, #tpu.memory_space<hbm>> -> memref<1x1x1x5x80xi32, #tpu.memory_space<hbm>>
    %dma_start3A_38 = tpu.memref_squeeze %dma_start3A_37 : memref<1x1x1x5x80xi32, #tpu.memory_space<hbm>> -> memref<5x80xi32, #tpu.memory_space<hbm>>
    tpu.enqueue_dma source(%dma_start3A_38 : memref<5x80xi32, #tpu.memory_space<hbm>>) target(%dma_start3A_34 : memref<5x80xi32, #tpu.memory_space<vmem>>) target_semaphore(%arg12 : memref<!tpu.dma_semaphore, #tpu.memory_space<semaphore_mem>>)
    "tpu.region"() ({
      %run_scoped3A_96 = tpu.sem_alloc : memref<!tpu.dma_semaphore, #tpu.memory_space<semaphore_mem>>
      %dma_start3A_97 = arith.constant 0 : i32
      %dma_start3A_98 = tpu.memref_slice %arg6[%mul3A_0, %dma_start3A_97] : memref<10240x128xf32, #tpu.memory_space<vmem_shared>> -> memref<640x128xf32, #tpu.memory_space<vmem_shared>>
      %dma_start3A_99 = arith.constant 0 : i32
      %dma_start3A_100 = tpu.memref_slice %arg2[%mul3A_0, %dma_start3A_99] : memref<10240x128xf32, #tpu.memory_space<hbm>> -> memref<640x128xf32, #tpu.memory_space<hbm>>
      tpu.enqueue_dma source(%dma_start3A_100 : memref<640x128xf32, #tpu.memory_space<hbm>>) target(%dma_start3A_98 : memref<640x128xf32, #tpu.memory_space<vmem_shared>>) target_semaphore(%run_scoped3A_96 : memref<!tpu.dma_semaphore, #tpu.memory_space<semaphore_mem>>)
      %dma_wait3A_101 = arith.constant 0 : i32
      %dma_wait3A_102 = tpu.memref_slice %arg6[%mul3A_0, %dma_wait3A_101] : memref<10240x128xf32, #tpu.memory_space<vmem_shared>> -> memref<640x128xf32, #tpu.memory_space<vmem_shared>>
      %dma_wait3A_103 = arith.constant 0 : i32
      %dma_wait3A_104 = tpu.memref_slice %arg2[%mul3A_0, %dma_wait3A_103] : memref<10240x128xf32, #tpu.memory_space<hbm>> -> memref<640x128xf32, #tpu.memory_space<hbm>>
      tpu.wait_dma2 semaphore(%run_scoped3A_96 : memref<!tpu.dma_semaphore, #tpu.memory_space<semaphore_mem>>) src(%dma_wait3A_104 : memref<640x128xf32, #tpu.memory_space<hbm>>) dst(%dma_wait3A_102 : memref<640x128xf32, #tpu.memory_space<vmem_shared>>)
      tpu.yield
    }) : () -> ()
    %barrier3A = arith.constant 0 : index
    tpu.barrier barrier_id(%barrier3A)
    %dma_start3A_39 = arith.constant 0 : i32
    %dma_start3A_40 = arith.constant 0 : i32
    %dma_start3A_41 = arith.constant 0 : i32
    %dma_start3A_42 = arith.constant 0 : i32
    %dma_start3A_43 = arith.constant 0 : i32
    %dma_start3A_44 = tpu.memref_slice %arg9[%dma_start3A_41, %dma_start3A_42, %dma_start3A_43] : memref<4x80x128xf32, #tpu.memory_space<vmem>> -> memref<1x80x128xf32, #tpu.memory_space<vmem>>
    %dma_start3A_45 = tpu.memref_squeeze %dma_start3A_44 : memref<1x80x128xf32, #tpu.memory_space<vmem>> -> memref<80x128xf32, #tpu.memory_space<vmem>>
    %dma_start3A_46 = arith.constant 0 : i32
    %dma_start3A_47 = tpu.memref_slice %arg7[%dma_start3A_39, %dma_start3A_40, %dma_start3A_46] : memref<3x5x80xi32, #tpu.memory_space<vmem>> -> memref<1x1x80xi32, #tpu.memory_space<vmem>>
    %dma_start3A_48 = tpu.memref_squeeze %dma_start3A_47 : memref<1x1x80xi32, #tpu.memory_space<vmem>> -> memref<80xi32, #tpu.memory_space<vmem>>
    %dma_start3A_49 = arith.constant 0 : i32
    %dma_start3A_50 = arith.constant 0 : i32
    %dma_start3A_51 = tpu.memref_slice %arg2[%dma_start3A_49, %dma_start3A_50] : memref<10240x128xf32, #tpu.memory_space<hbm>> -> memref<10240x128xf32, #tpu.memory_space<hbm>>
    tpu.enqueue_indirect_dma source(%dma_start3A_51 : memref<10240x128xf32, #tpu.memory_space<hbm>>) target(%dma_start3A_45 : memref<80x128xf32, #tpu.memory_space<vmem>>) offsets(%dma_start3A_48 : memref<80xi32, #tpu.memory_space<vmem>>) semaphore(%arg10 : memref<!tpu.dma_semaphore, #tpu.memory_space<semaphore_mem>>)
    %dma_start3A_52 = arith.constant 0 : i32
    %dma_start3A_53 = arith.constant 1 : i32
    %dma_start3A_54 = arith.constant 1 : i32
    %dma_start3A_55 = arith.constant 0 : i32
    %dma_start3A_56 = arith.constant 0 : i32
    %dma_start3A_57 = tpu.memref_slice %arg9[%dma_start3A_54, %dma_start3A_55, %dma_start3A_56] : memref<4x80x128xf32, #tpu.memory_space<vmem>> -> memref<1x80x128xf32, #tpu.memory_space<vmem>>
    %dma_start3A_58 = tpu.memref_squeeze %dma_start3A_57 : memref<1x80x128xf32, #tpu.memory_space<vmem>> -> memref<80x128xf32, #tpu.memory_space<vmem>>
    %dma_start3A_59 = arith.constant 0 : i32
    %dma_start3A_60 = tpu.memref_slice %arg7[%dma_start3A_52, %dma_start3A_53, %dma_start3A_59] : memref<3x5x80xi32, #tpu.memory_space<vmem>> -> memref<1x1x80xi32, #tpu.memory_space<vmem>>
    %dma_start3A_61 = tpu.memref_squeeze %dma_start3A_60 : memref<1x1x80xi32, #tpu.memory_space<vmem>> -> memref<80xi32, #tpu.memory_space<vmem>>
    %dma_start3A_62 = arith.constant 0 : i32
    %dma_start3A_63 = arith.constant 0 : i32
    %dma_start3A_64 = tpu.memref_slice %arg2[%dma_start3A_62, %dma_start3A_63] : memref<10240x128xf32, #tpu.memory_space<hbm>> -> memref<10240x128xf32, #tpu.memory_space<hbm>>
    tpu.enqueue_indirect_dma source(%dma_start3A_64 : memref<10240x128xf32, #tpu.memory_space<hbm>>) target(%dma_start3A_58 : memref<80x128xf32, #tpu.memory_space<vmem>>) offsets(%dma_start3A_61 : memref<80xi32, #tpu.memory_space<vmem>>) semaphore(%arg10 : memref<!tpu.dma_semaphore, #tpu.memory_space<semaphore_mem>>)
    %dma_start3A_65 = arith.constant 0 : i32
    %dma_start3A_66 = arith.constant 2 : i32
    %dma_start3A_67 = arith.constant 2 : i32
    %dma_start3A_68 = arith.constant 0 : i32
    %dma_start3A_69 = arith.constant 0 : i32
    %dma_start3A_70 = tpu.memref_slice %arg9[%dma_start3A_67, %dma_start3A_68, %dma_start3A_69] : memref<4x80x128xf32, #tpu.memory_space<vmem>> -> memref<1x80x128xf32, #tpu.memory_space<vmem>>
    %dma_start3A_71 = tpu.memref_squeeze %dma_start3A_70 : memref<1x80x128xf32, #tpu.memory_space<vmem>> -> memref<80x128xf32, #tpu.memory_space<vmem>>
    %dma_start3A_72 = arith.constant 0 : i32
    %dma_start3A_73 = tpu.memref_slice %arg7[%dma_start3A_65, %dma_start3A_66, %dma_start3A_72] : memref<3x5x80xi32, #tpu.memory_space<vmem>> -> memref<1x1x80xi32, #tpu.memory_space<vmem>>
    %dma_start3A_74 = tpu.memref_squeeze %dma_start3A_73 : memref<1x1x80xi32, #tpu.memory_space<vmem>> -> memref<80xi32, #tpu.memory_space<vmem>>
    %dma_start3A_75 = arith.constant 0 : i32
    %dma_start3A_76 = arith.constant 0 : i32
    %dma_start3A_77 = tpu.memref_slice %arg2[%dma_start3A_75, %dma_start3A_76] : memref<10240x128xf32, #tpu.memory_space<hbm>> -> memref<10240x128xf32, #tpu.memory_space<hbm>>
    tpu.enqueue_indirect_dma source(%dma_start3A_77 : memref<10240x128xf32, #tpu.memory_space<hbm>>) target(%dma_start3A_71 : memref<80x128xf32, #tpu.memory_space<vmem>>) offsets(%dma_start3A_74 : memref<80xi32, #tpu.memory_space<vmem>>) semaphore(%arg10 : memref<!tpu.dma_semaphore, #tpu.memory_space<semaphore_mem>>)
    %scan3A = arith.constant 0 : i32
    %scan3A_78 = arith.constant 0 : i32
    %scan3A_79 = arith.constant 125 : i32
    %scan3A_80 = arith.addi %scan3A_78, %scan3A_79 : i32
    %scan3A_81 = arith.constant 1 : i32
    scf.for %scan3A_96 = %scan3A_78 to %scan3A_80 step %scan3A_81  : i32 {
      %jit3A = arith.constant 5 : i32
      %div3A = arith.divsi %scan3A_96, %jit3A : i32
      %sign3A = arith.constant 0 : i32
      %sign3A_97 = arith.cmpi sgt, %scan3A_96, %sign3A : i32
      %sign3A_98 = arith.extui %sign3A_97 : i1 to i32
      %sign3A_99 = arith.constant 0 : i32
      %sign3A_100 = arith.cmpi slt, %scan3A_96, %sign3A_99 : i32
      %sign3A_101 = arith.extui %sign3A_100 : i1 to i32
      %sign3A_102 = arith.subi %sign3A_98, %sign3A_101 : i32
      %sign3A_103 = arith.constant 0 : i32
      %sign3A_104 = arith.cmpi sgt, %jit3A, %sign3A_103 : i32
      %sign3A_105 = arith.extui %sign3A_104 : i1 to i32
      %sign3A_106 = arith.constant 0 : i32
      %sign3A_107 = arith.cmpi slt, %jit3A, %sign3A_106 : i32
      %sign3A_108 = arith.extui %sign3A_107 : i1 to i32
      %sign3A_109 = arith.subi %sign3A_105, %sign3A_108 : i32
      %ne3A = arith.cmpi ne, %sign3A_102, %sign3A_109 : i32
      %rem3A = arith.remsi %scan3A_96, %jit3A : i32
      %ne3A_110 = arith.constant 0 : i32
      %ne3A_111 = arith.cmpi ne, %rem3A, %ne3A_110 : i32
      %and3A = arith.andi %ne3A, %ne3A_111 : i1
      %sub3A = arith.constant 1 : i32
      %sub3A_112 = arith.subi %div3A, %sub3A : i32
      %select_n3A = arith.select %and3A, %sub3A_112, %div3A : i32
      %jit3A_113 = arith.constant 5 : i32
      %eq3A = arith.constant 0 : i32
      %eq3A_114 = arith.cmpi eq, %jit3A_113, %eq3A : i32
      %jit3A_115 = arith.constant 1 : i32
      %select_n3A_116 = arith.select %eq3A_114, %jit3A_115, %jit3A_113 : i32
      %rem3A_117 = arith.remsi %scan3A_96, %select_n3A_116 : i32
      %ne3A_118 = arith.constant 0 : i32
      %ne3A_119 = arith.cmpi ne, %rem3A_117, %ne3A_118 : i32
      %lt3A = arith.constant 0 : i32
      %lt3A_120 = arith.cmpi slt, %rem3A_117, %lt3A : i32
      %lt3A_121 = arith.constant 0 : i32
      %lt3A_122 = arith.cmpi slt, %select_n3A_116, %lt3A_121 : i32
      %ne3A_123 = arith.xori %lt3A_120, %lt3A_122 : i1
      %and3A_124 = arith.andi %ne3A_123, %ne3A_119 : i1
      %add3A = arith.addi %rem3A_117, %select_n3A_116 : i32
      %select_n3A_125 = arith.select %and3A_124, %add3A, %rem3A_117 : i32
      %jit3A_126 = arith.constant 3 : i32
      %eq3A_127 = arith.constant 0 : i32
      %eq3A_128 = arith.cmpi eq, %jit3A_126, %eq3A_127 : i32
      %jit3A_129 = arith.constant 1 : i32
      %select_n3A_130 = arith.select %eq3A_128, %jit3A_129, %jit3A_126 : i32
      %rem3A_131 = arith.remsi %select_n3A, %select_n3A_130 : i32
      %ne3A_132 = arith.constant 0 : i32
      %ne3A_133 = arith.cmpi ne, %rem3A_131, %ne3A_132 : i32
      %lt3A_134 = arith.constant 0 : i32
      %lt3A_135 = arith.cmpi slt, %rem3A_131, %lt3A_134 : i32
      %lt3A_136 = arith.constant 0 : i32
      %lt3A_137 = arith.cmpi slt, %select_n3A_130, %lt3A_136 : i32
      %ne3A_138 = arith.xori %lt3A_135, %lt3A_137 : i1
      %and3A_139 = arith.andi %ne3A_138, %ne3A_133 : i1
      %add3A_140 = arith.addi %rem3A_131, %select_n3A_130 : i32
      %select_n3A_141 = arith.select %and3A_139, %add3A_140, %rem3A_131 : i32
      %jit3A_142 = arith.constant 4 : i32
      %eq3A_143 = arith.constant 0 : i32
      %eq3A_144 = arith.cmpi eq, %jit3A_142, %eq3A_143 : i32
      %jit3A_145 = arith.constant 1 : i32
      %select_n3A_146 = arith.select %eq3A_144, %jit3A_145, %jit3A_142 : i32
      %rem3A_147 = arith.remsi %scan3A_96, %select_n3A_146 : i32
      %ne3A_148 = arith.constant 0 : i32
      %ne3A_149 = arith.cmpi ne, %rem3A_147, %ne3A_148 : i32
      %lt3A_150 = arith.constant 0 : i32
      %lt3A_151 = arith.cmpi slt, %rem3A_147, %lt3A_150 : i32
      %lt3A_152 = arith.constant 0 : i32
      %lt3A_153 = arith.cmpi slt, %select_n3A_146, %lt3A_152 : i32
      %ne3A_154 = arith.xori %lt3A_151, %lt3A_153 : i1
      %and3A_155 = arith.andi %ne3A_154, %ne3A_149 : i1
      %add3A_156 = arith.addi %rem3A_147, %select_n3A_146 : i32
      %select_n3A_157 = arith.select %and3A_155, %add3A_156, %rem3A_147 : i32
      %sub3A_158 = arith.constant 1 : i32
      %sub3A_159 = arith.subi %scan3A_96, %sub3A_158 : i32
      %jit3A_160 = arith.constant 5 : i32
      %div3A_161 = arith.divsi %sub3A_159, %jit3A_160 : i32
      %sign3A_162 = arith.constant 0 : i32
      %sign3A_163 = arith.cmpi sgt, %sub3A_159, %sign3A_162 : i32
      %sign3A_164 = arith.extui %sign3A_163 : i1 to i32
      %sign3A_165 = arith.constant 0 : i32
      %sign3A_166 = arith.cmpi slt, %sub3A_159, %sign3A_165 : i32
      %sign3A_167 = arith.extui %sign3A_166 : i1 to i32
      %sign3A_168 = arith.subi %sign3A_164, %sign3A_167 : i32
      %sign3A_169 = arith.constant 0 : i32
      %sign3A_170 = arith.cmpi sgt, %jit3A_160, %sign3A_169 : i32
      %sign3A_171 = arith.extui %sign3A_170 : i1 to i32
      %sign3A_172 = arith.constant 0 : i32
      %sign3A_173 = arith.cmpi slt, %jit3A_160, %sign3A_172 : i32
      %sign3A_174 = arith.extui %sign3A_173 : i1 to i32
      %sign3A_175 = arith.subi %sign3A_171, %sign3A_174 : i32
      %ne3A_176 = arith.cmpi ne, %sign3A_168, %sign3A_175 : i32
      %rem3A_177 = arith.remsi %sub3A_159, %jit3A_160 : i32
      %ne3A_178 = arith.constant 0 : i32
      %ne3A_179 = arith.cmpi ne, %rem3A_177, %ne3A_178 : i32
      %and3A_180 = arith.andi %ne3A_176, %ne3A_179 : i1
      %sub3A_181 = arith.constant 1 : i32
      %sub3A_182 = arith.subi %div3A_161, %sub3A_181 : i32
      %select_n3A_183 = arith.select %and3A_180, %sub3A_182, %div3A_161 : i32
      %jit3A_184 = arith.constant 3 : i32
      %eq3A_185 = arith.constant 0 : i32
      %eq3A_186 = arith.cmpi eq, %jit3A_184, %eq3A_185 : i32
      %jit3A_187 = arith.constant 1 : i32
      %select_n3A_188 = arith.select %eq3A_186, %jit3A_187, %jit3A_184 : i32
      %rem3A_189 = arith.remsi %select_n3A_183, %select_n3A_188 : i32
      %ne3A_190 = arith.constant 0 : i32
      %ne3A_191 = arith.cmpi ne, %rem3A_189, %ne3A_190 : i32
      %lt3A_192 = arith.constant 0 : i32
      %lt3A_193 = arith.cmpi slt, %rem3A_189, %lt3A_192 : i32
      %lt3A_194 = arith.constant 0 : i32
      %lt3A_195 = arith.cmpi slt, %select_n3A_188, %lt3A_194 : i32
      %ne3A_196 = arith.xori %lt3A_193, %lt3A_195 : i1
      %and3A_197 = arith.andi %ne3A_196, %ne3A_191 : i1
      %add3A_198 = arith.addi %rem3A_189, %select_n3A_188 : i32
      %select_n3A_199 = arith.select %and3A_197, %add3A_198, %rem3A_189 : i32
      %jit3A_200 = arith.constant 5 : i32
      %eq3A_201 = arith.constant 0 : i32
      %eq3A_202 = arith.cmpi eq, %jit3A_200, %eq3A_201 : i32
      %jit3A_203 = arith.constant 1 : i32
      %select_n3A_204 = arith.select %eq3A_202, %jit3A_203, %jit3A_200 : i32
      %rem3A_205 = arith.remsi %sub3A_159, %select_n3A_204 : i32
      %ne3A_206 = arith.constant 0 : i32
      %ne3A_207 = arith.cmpi ne, %rem3A_205, %ne3A_206 : i32
      %lt3A_208 = arith.constant 0 : i32
      %lt3A_209 = arith.cmpi slt, %rem3A_205, %lt3A_208 : i32
      %lt3A_210 = arith.constant 0 : i32
      %lt3A_211 = arith.cmpi slt, %select_n3A_204, %lt3A_210 : i32
      %ne3A_212 = arith.xori %lt3A_209, %lt3A_211 : i1
      %and3A_213 = arith.andi %ne3A_212, %ne3A_207 : i1
      %add3A_214 = arith.addi %rem3A_205, %select_n3A_204 : i32
      %select_n3A_215 = arith.select %and3A_213, %add3A_214, %rem3A_205 : i32
      %jit3A_216 = arith.constant 4 : i32
      %eq3A_217 = arith.constant 0 : i32
      %eq3A_218 = arith.cmpi eq, %jit3A_216, %eq3A_217 : i32
      %jit3A_219 = arith.constant 1 : i32
      %select_n3A_220 = arith.select %eq3A_218, %jit3A_219, %jit3A_216 : i32
      %rem3A_221 = arith.remsi %sub3A_159, %select_n3A_220 : i32
      %ne3A_222 = arith.constant 0 : i32
      %ne3A_223 = arith.cmpi ne, %rem3A_221, %ne3A_222 : i32
      %lt3A_224 = arith.constant 0 : i32
      %lt3A_225 = arith.cmpi slt, %rem3A_221, %lt3A_224 : i32
      %lt3A_226 = arith.constant 0 : i32
      %lt3A_227 = arith.cmpi slt, %select_n3A_220, %lt3A_226 : i32
      %ne3A_228 = arith.xori %lt3A_225, %lt3A_227 : i1
      %and3A_229 = arith.andi %ne3A_228, %ne3A_223 : i1
      %add3A_230 = arith.addi %rem3A_221, %select_n3A_220 : i32
      %select_n3A_231 = arith.select %and3A_229, %add3A_230, %rem3A_221 : i32
      %add3A_232 = arith.constant 3 : i32
      %add3A_233 = arith.addi %scan3A_96, %add3A_232 : i32
      %jit3A_234 = arith.constant 5 : i32
      %div3A_235 = arith.divsi %add3A_233, %jit3A_234 : i32
      %sign3A_236 = arith.constant 0 : i32
      %sign3A_237 = arith.cmpi sgt, %add3A_233, %sign3A_236 : i32
      %sign3A_238 = arith.extui %sign3A_237 : i1 to i32
      %sign3A_239 = arith.constant 0 : i32
      %sign3A_240 = arith.cmpi slt, %add3A_233, %sign3A_239 : i32
      %sign3A_241 = arith.extui %sign3A_240 : i1 to i32
      %sign3A_242 = arith.subi %sign3A_238, %sign3A_241 : i32
      %sign3A_243 = arith.constant 0 : i32
      %sign3A_244 = arith.cmpi sgt, %jit3A_234, %sign3A_243 : i32
      %sign3A_245 = arith.extui %sign3A_244 : i1 to i32
      %sign3A_246 = arith.constant 0 : i32
      %sign3A_247 = arith.cmpi slt, %jit3A_234, %sign3A_246 : i32
      %sign3A_248 = arith.extui %sign3A_247 : i1 to i32
      %sign3A_249 = arith.subi %sign3A_245, %sign3A_248 : i32
      %ne3A_250 = arith.cmpi ne, %sign3A_242, %sign3A_249 : i32
      %rem3A_251 = arith.remsi %add3A_233, %jit3A_234 : i32
      %ne3A_252 = arith.constant 0 : i32
      %ne3A_253 = arith.cmpi ne, %rem3A_251, %ne3A_252 : i32
      %and3A_254 = arith.andi %ne3A_250, %ne3A_253 : i1
      %sub3A_255 = arith.constant 1 : i32
      %sub3A_256 = arith.subi %div3A_235, %sub3A_255 : i32
      %select_n3A_257 = arith.select %and3A_254, %sub3A_256, %div3A_235 : i32
      %jit3A_258 = arith.constant 3 : i32
      %eq3A_259 = arith.constant 0 : i32
      %eq3A_260 = arith.cmpi eq, %jit3A_258, %eq3A_259 : i32
      %jit3A_261 = arith.constant 1 : i32
      %select_n3A_262 = arith.select %eq3A_260, %jit3A_261, %jit3A_258 : i32
      %rem3A_263 = arith.remsi %select_n3A_257, %select_n3A_262 : i32
      %ne3A_264 = arith.constant 0 : i32
      %ne3A_265 = arith.cmpi ne, %rem3A_263, %ne3A_264 : i32
      %lt3A_266 = arith.constant 0 : i32
      %lt3A_267 = arith.cmpi slt, %rem3A_263, %lt3A_266 : i32
      %lt3A_268 = arith.constant 0 : i32
      %lt3A_269 = arith.cmpi slt, %select_n3A_262, %lt3A_268 : i32
      %ne3A_270 = arith.xori %lt3A_267, %lt3A_269 : i1
      %and3A_271 = arith.andi %ne3A_270, %ne3A_265 : i1
      %add3A_272 = arith.addi %rem3A_263, %select_n3A_262 : i32
      %select_n3A_273 = arith.select %and3A_271, %add3A_272, %rem3A_263 : i32
      %jit3A_274 = arith.constant 5 : i32
      %eq3A_275 = arith.constant 0 : i32
      %eq3A_276 = arith.cmpi eq, %jit3A_274, %eq3A_275 : i32
      %jit3A_277 = arith.constant 1 : i32
      %select_n3A_278 = arith.select %eq3A_276, %jit3A_277, %jit3A_274 : i32
      %rem3A_279 = arith.remsi %add3A_233, %select_n3A_278 : i32
      %ne3A_280 = arith.constant 0 : i32
      %ne3A_281 = arith.cmpi ne, %rem3A_279, %ne3A_280 : i32
      %lt3A_282 = arith.constant 0 : i32
      %lt3A_283 = arith.cmpi slt, %rem3A_279, %lt3A_282 : i32
      %lt3A_284 = arith.constant 0 : i32
      %lt3A_285 = arith.cmpi slt, %select_n3A_278, %lt3A_284 : i32
      %ne3A_286 = arith.xori %lt3A_283, %lt3A_285 : i1
      %and3A_287 = arith.andi %ne3A_286, %ne3A_281 : i1
      %add3A_288 = arith.addi %rem3A_279, %select_n3A_278 : i32
      %select_n3A_289 = arith.select %and3A_287, %add3A_288, %rem3A_279 : i32
      %jit3A_290 = arith.constant 4 : i32
      %eq3A_291 = arith.constant 0 : i32
      %eq3A_292 = arith.cmpi eq, %jit3A_290, %eq3A_291 : i32
      %jit3A_293 = arith.constant 1 : i32
      %select_n3A_294 = arith.select %eq3A_292, %jit3A_293, %jit3A_290 : i32
      %rem3A_295 = arith.remsi %add3A_233, %select_n3A_294 : i32
      %ne3A_296 = arith.constant 0 : i32
      %ne3A_297 = arith.cmpi ne, %rem3A_295, %ne3A_296 : i32
      %lt3A_298 = arith.constant 0 : i32
      %lt3A_299 = arith.cmpi slt, %rem3A_295, %lt3A_298 : i32
      %lt3A_300 = arith.constant 0 : i32
      %lt3A_301 = arith.cmpi slt, %select_n3A_294, %lt3A_300 : i32
      %ne3A_302 = arith.xori %lt3A_299, %lt3A_301 : i1
      %and3A_303 = arith.andi %ne3A_302, %ne3A_297 : i1
      %add3A_304 = arith.addi %rem3A_295, %select_n3A_294 : i32
      %select_n3A_305 = arith.select %and3A_303, %add3A_304, %rem3A_295 : i32
      %dma_wait3A_306 = arith.constant 0 : i32
      %dma_wait3A_307 = arith.constant 0 : i32
      %dma_wait3A_308 = tpu.memref_slice %arg9[%select_n3A_157, %dma_wait3A_306, %dma_wait3A_307] : memref<4x80x128xf32, #tpu.memory_space<vmem>> -> memref<1x80x128xf32, #tpu.memory_space<vmem>>
      %dma_wait3A_309 = tpu.memref_squeeze %dma_wait3A_308 : memref<1x80x128xf32, #tpu.memory_space<vmem>> -> memref<80x128xf32, #tpu.memory_space<vmem>>
      %dma_wait3A_310 = arith.constant 0 : i32
      %dma_wait3A_311 = tpu.memref_slice %arg7[%select_n3A_141, %select_n3A_125, %dma_wait3A_310] : memref<3x5x80xi32, #tpu.memory_space<vmem>> -> memref<1x1x80xi32, #tpu.memory_space<vmem>>
      %dma_wait3A_312 = tpu.memref_squeeze %dma_wait3A_311 : memref<1x1x80xi32, #tpu.memory_space<vmem>> -> memref<80xi32, #tpu.memory_space<vmem>>
      %dma_wait3A_313 = arith.constant 0 : i32
      %dma_wait3A_314 = arith.constant 0 : i32
      %dma_wait3A_315 = tpu.memref_slice %arg2[%dma_wait3A_313, %dma_wait3A_314] : memref<10240x128xf32, #tpu.memory_space<hbm>> -> memref<10240x128xf32, #tpu.memory_space<hbm>>
      tpu.wait_indirect_dma semaphore(%arg10 : memref<!tpu.dma_semaphore, #tpu.memory_space<semaphore_mem>>) src(%dma_wait3A_315 : memref<10240x128xf32, #tpu.memory_space<hbm>>) dst(%dma_wait3A_309 : memref<80x128xf32, #tpu.memory_space<vmem>>)
      %dma_start3A_316 = arith.constant 0 : i32
      %dma_start3A_317 = arith.constant 0 : i32
      %dma_start3A_318 = tpu.memref_slice %arg9[%select_n3A_157, %dma_start3A_316, %dma_start3A_317] : memref<4x80x128xf32, #tpu.memory_space<vmem>> -> memref<1x80x128xf32, #tpu.memory_space<vmem>>
      %dma_start3A_319 = tpu.memref_squeeze %dma_start3A_318 : memref<1x80x128xf32, #tpu.memory_space<vmem>> -> memref<80x128xf32, #tpu.memory_space<vmem>>
      %dma_start3A_320 = arith.constant 0 : i32
      %dma_start3A_321 = tpu.memref_slice %arg8[%select_n3A_141, %select_n3A_125, %dma_start3A_320] : memref<3x5x80xi32, #tpu.memory_space<vmem>> -> memref<1x1x80xi32, #tpu.memory_space<vmem>>
      %dma_start3A_322 = tpu.memref_squeeze %dma_start3A_321 : memref<1x1x80xi32, #tpu.memory_space<vmem>> -> memref<80xi32, #tpu.memory_space<vmem>>
      %dma_start3A_323 = arith.constant 0 : i32
      %dma_start3A_324 = arith.constant 0 : i32
      %dma_start3A_325 = tpu.memref_slice %arg6[%dma_start3A_323, %dma_start3A_324] : memref<10240x128xf32, #tpu.memory_space<vmem_shared>> -> memref<10240x128xf32, #tpu.memory_space<vmem_shared>>
      tpu.enqueue_indirect_dma source(%dma_start3A_319 : memref<80x128xf32, #tpu.memory_space<vmem>>) target(%dma_start3A_325 : memref<10240x128xf32, #tpu.memory_space<vmem_shared>>) offsets(%dma_start3A_322 : memref<80xi32, #tpu.memory_space<vmem>>) semaphore(%arg11 : memref<!tpu.dma_semaphore, #tpu.memory_space<semaphore_mem>>) {add = true}
      %gt3A = arith.constant 0 : i32
      %gt3A_326 = arith.cmpi sgt, %scan3A_96, %gt3A : i32
      %convert_element_type3A = arith.extui %gt3A_326 : i1 to i32
      %cond3A = arith.constant 0 : i32
      %cond3A_327 = arith.cmpi ne, %convert_element_type3A, %cond3A : i32
      scf.if %cond3A_327 {
        %dma_wait3A_353 = arith.constant 0 : i32
        %dma_wait3A_354 = arith.constant 0 : i32
        %dma_wait3A_355 = tpu.memref_slice %arg9[%select_n3A_231, %dma_wait3A_353, %dma_wait3A_354] : memref<4x80x128xf32, #tpu.memory_space<vmem>> -> memref<1x80x128xf32, #tpu.memory_space<vmem>>
        %dma_wait3A_356 = tpu.memref_squeeze %dma_wait3A_355 : memref<1x80x128xf32, #tpu.memory_space<vmem>> -> memref<80x128xf32, #tpu.memory_space<vmem>>
        %dma_wait3A_357 = arith.constant 0 : i32
        %dma_wait3A_358 = tpu.memref_slice %arg8[%select_n3A_199, %select_n3A_215, %dma_wait3A_357] : memref<3x5x80xi32, #tpu.memory_space<vmem>> -> memref<1x1x80xi32, #tpu.memory_space<vmem>>
        %dma_wait3A_359 = tpu.memref_squeeze %dma_wait3A_358 : memref<1x1x80xi32, #tpu.memory_space<vmem>> -> memref<80xi32, #tpu.memory_space<vmem>>
        %dma_wait3A_360 = arith.constant 0 : i32
        %dma_wait3A_361 = arith.constant 0 : i32
        %dma_wait3A_362 = tpu.memref_slice %arg6[%dma_wait3A_360, %dma_wait3A_361] : memref<10240x128xf32, #tpu.memory_space<vmem_shared>> -> memref<10240x128xf32, #tpu.memory_space<vmem_shared>>
        tpu.wait_indirect_dma semaphore(%arg11 : memref<!tpu.dma_semaphore, #tpu.memory_space<semaphore_mem>>) src(%dma_wait3A_356 : memref<80x128xf32, #tpu.memory_space<vmem>>) dst(%dma_wait3A_362 : memref<10240x128xf32, #tpu.memory_space<vmem_shared>>)
      } else {
      }
      %eq3A_328 = arith.constant 0 : i32
      %eq3A_329 = arith.cmpi eq, %select_n3A_125, %eq3A_328 : i32
      %add3A_330 = arith.constant 2 : i32
      %add3A_331 = arith.addi %select_n3A, %add3A_330 : i32
      %lt3A_332 = arith.constant 25 : i32
      %lt3A_333 = arith.cmpi slt, %add3A_331, %lt3A_332 : i32
      %and3A_334 = arith.andi %eq3A_329, %lt3A_333 : i1
      %convert_element_type3A_335 = arith.extui %and3A_334 : i1 to i32
      %cond3A_336 = arith.constant 0 : i32
      %cond3A_337 = arith.cmpi ne, %convert_element_type3A_335, %cond3A_336 : i32
      scf.if %cond3A_337 {
        %add3A_353 = arith.constant 2 : i32
        %add3A_354 = arith.addi %select_n3A, %add3A_353 : i32
        %add3A_355 = arith.constant 2 : i32
        %add3A_356 = arith.addi %select_n3A, %add3A_355 : i32
        %jit3A_357 = arith.constant 3 : i32
        %eq3A_358 = arith.constant 0 : i32
        %eq3A_359 = arith.cmpi eq, %jit3A_357, %eq3A_358 : i32
        %jit3A_360 = arith.constant 1 : i32
        %select_n3A_361 = arith.select %eq3A_359, %jit3A_360, %jit3A_357 : i32
        %rem3A_362 = arith.remsi %add3A_356, %select_n3A_361 : i32
        %ne3A_363 = arith.constant 0 : i32
        %ne3A_364 = arith.cmpi ne, %rem3A_362, %ne3A_363 : i32
        %lt3A_365 = arith.constant 0 : i32
        %lt3A_366 = arith.cmpi slt, %rem3A_362, %lt3A_365 : i32
        %lt3A_367 = arith.constant 0 : i32
        %lt3A_368 = arith.cmpi slt, %select_n3A_361, %lt3A_367 : i32
        %ne3A_369 = arith.xori %lt3A_366, %lt3A_368 : i1
        %and3A_370 = arith.andi %ne3A_369, %ne3A_364 : i1
        %add3A_371 = arith.addi %rem3A_362, %select_n3A_361 : i32
        %select_n3A_372 = arith.select %and3A_370, %add3A_371, %rem3A_362 : i32
        %dma_start3A_373 = arith.constant 0 : i32
        %dma_start3A_374 = arith.constant 0 : i32
        %dma_start3A_375 = tpu.memref_slice %arg7[%select_n3A_372, %dma_start3A_373, %dma_start3A_374] : memref<3x5x80xi32, #tpu.memory_space<vmem>> -> memref<1x5x80xi32, #tpu.memory_space<vmem>>
        %dma_start3A_376 = tpu.memref_squeeze %dma_start3A_375 : memref<1x5x80xi32, #tpu.memory_space<vmem>> -> memref<5x80xi32, #tpu.memory_space<vmem>>
        %dma_start3A_377 = arith.constant 0 : i32
        %dma_start3A_378 = arith.constant 0 : i32
        %dma_start3A_379 = tpu.memref_slice %arg3[%arg0, %arg1, %add3A_354, %dma_start3A_377, %dma_start3A_378] : memref<2x16x25x5x80xi32, #tpu.memory_space<hbm>> -> memref<1x1x1x5x80xi32, #tpu.memory_space<hbm>>
        %dma_start3A_380 = tpu.memref_squeeze %dma_start3A_379 : memref<1x1x1x5x80xi32, #tpu.memory_space<hbm>> -> memref<5x80xi32, #tpu.memory_space<hbm>>
        %dma_start3A_381 = arith.constant 0 : i32
        %dma_start3A_382 = arith.constant 0 : i32
        %dma_start3A_383 = tpu.memref_slice %arg7[%select_n3A_372, %dma_start3A_381, %dma_start3A_382] : memref<3x5x80xi32, #tpu.memory_space<vmem>> -> memref<1x5x80xi32, #tpu.memory_space<vmem>>
        %dma_start3A_384 = tpu.memref_squeeze %dma_start3A_383 : memref<1x5x80xi32, #tpu.memory_space<vmem>> -> memref<5x80xi32, #tpu.memory_space<vmem>>
        %dma_start3A_385 = arith.constant 0 : i32
        %dma_start3A_386 = arith.constant 0 : i32
        %dma_start3A_387 = tpu.memref_slice %arg3[%arg0, %arg1, %add3A_354, %dma_start3A_385, %dma_start3A_386] : memref<2x16x25x5x80xi32, #tpu.memory_space<hbm>> -> memref<1x1x1x5x80xi32, #tpu.memory_space<hbm>>
        %dma_start3A_388 = tpu.memref_squeeze %dma_start3A_387 : memref<1x1x1x5x80xi32, #tpu.memory_space<hbm>> -> memref<5x80xi32, #tpu.memory_space<hbm>>
        tpu.enqueue_dma source(%dma_start3A_388 : memref<5x80xi32, #tpu.memory_space<hbm>>) target(%dma_start3A_384 : memref<5x80xi32, #tpu.memory_space<vmem>>) target_semaphore(%arg12 : memref<!tpu.dma_semaphore, #tpu.memory_space<semaphore_mem>>)
        %add3A_389 = arith.constant 2 : i32
        %add3A_390 = arith.addi %select_n3A, %add3A_389 : i32
        %add3A_391 = arith.constant 2 : i32
        %add3A_392 = arith.addi %select_n3A, %add3A_391 : i32
        %jit3A_393 = arith.constant 3 : i32
        %eq3A_394 = arith.constant 0 : i32
        %eq3A_395 = arith.cmpi eq, %jit3A_393, %eq3A_394 : i32
        %jit3A_396 = arith.constant 1 : i32
        %select_n3A_397 = arith.select %eq3A_395, %jit3A_396, %jit3A_393 : i32
        %rem3A_398 = arith.remsi %add3A_392, %select_n3A_397 : i32
        %ne3A_399 = arith.constant 0 : i32
        %ne3A_400 = arith.cmpi ne, %rem3A_398, %ne3A_399 : i32
        %lt3A_401 = arith.constant 0 : i32
        %lt3A_402 = arith.cmpi slt, %rem3A_398, %lt3A_401 : i32
        %lt3A_403 = arith.constant 0 : i32
        %lt3A_404 = arith.cmpi slt, %select_n3A_397, %lt3A_403 : i32
        %ne3A_405 = arith.xori %lt3A_402, %lt3A_404 : i1
        %and3A_406 = arith.andi %ne3A_405, %ne3A_400 : i1
        %add3A_407 = arith.addi %rem3A_398, %select_n3A_397 : i32
        %select_n3A_408 = arith.select %and3A_406, %add3A_407, %rem3A_398 : i32
        %dma_start3A_409 = arith.constant 0 : i32
        %dma_start3A_410 = arith.constant 0 : i32
        %dma_start3A_411 = tpu.memref_slice %arg8[%select_n3A_408, %dma_start3A_409, %dma_start3A_410] : memref<3x5x80xi32, #tpu.memory_space<vmem>> -> memref<1x5x80xi32, #tpu.memory_space<vmem>>
        %dma_start3A_412 = tpu.memref_squeeze %dma_start3A_411 : memref<1x5x80xi32, #tpu.memory_space<vmem>> -> memref<5x80xi32, #tpu.memory_space<vmem>>
        %dma_start3A_413 = arith.constant 0 : i32
        %dma_start3A_414 = arith.constant 0 : i32
        %dma_start3A_415 = tpu.memref_slice %arg4[%arg0, %arg1, %add3A_390, %dma_start3A_413, %dma_start3A_414] : memref<2x16x25x5x80xi32, #tpu.memory_space<hbm>> -> memref<1x1x1x5x80xi32, #tpu.memory_space<hbm>>
        %dma_start3A_416 = tpu.memref_squeeze %dma_start3A_415 : memref<1x1x1x5x80xi32, #tpu.memory_space<hbm>> -> memref<5x80xi32, #tpu.memory_space<hbm>>
        %dma_start3A_417 = arith.constant 0 : i32
        %dma_start3A_418 = arith.constant 0 : i32
        %dma_start3A_419 = tpu.memref_slice %arg8[%select_n3A_408, %dma_start3A_417, %dma_start3A_418] : memref<3x5x80xi32, #tpu.memory_space<vmem>> -> memref<1x5x80xi32, #tpu.memory_space<vmem>>
        %dma_start3A_420 = tpu.memref_squeeze %dma_start3A_419 : memref<1x5x80xi32, #tpu.memory_space<vmem>> -> memref<5x80xi32, #tpu.memory_space<vmem>>
        %dma_start3A_421 = arith.constant 0 : i32
        %dma_start3A_422 = arith.constant 0 : i32
        %dma_start3A_423 = tpu.memref_slice %arg4[%arg0, %arg1, %add3A_390, %dma_start3A_421, %dma_start3A_422] : memref<2x16x25x5x80xi32, #tpu.memory_space<hbm>> -> memref<1x1x1x5x80xi32, #tpu.memory_space<hbm>>
        %dma_start3A_424 = tpu.memref_squeeze %dma_start3A_423 : memref<1x1x1x5x80xi32, #tpu.memory_space<hbm>> -> memref<5x80xi32, #tpu.memory_space<hbm>>
        tpu.enqueue_dma source(%dma_start3A_424 : memref<5x80xi32, #tpu.memory_space<hbm>>) target(%dma_start3A_420 : memref<5x80xi32, #tpu.memory_space<vmem>>) target_semaphore(%arg12 : memref<!tpu.dma_semaphore, #tpu.memory_space<semaphore_mem>>)
      } else {
      }
      %eq3A_338 = arith.constant 1 : i32
      %eq3A_339 = arith.cmpi eq, %select_n3A_125, %eq3A_338 : i32
      %add3A_340 = arith.constant 1 : i32
      %add3A_341 = arith.addi %select_n3A, %add3A_340 : i32
      %lt3A_342 = arith.constant 25 : i32
      %lt3A_343 = arith.cmpi slt, %add3A_341, %lt3A_342 : i32
      %and3A_344 = arith.andi %eq3A_339, %lt3A_343 : i1
      %convert_element_type3A_345 = arith.extui %and3A_344 : i1 to i32
      %cond3A_346 = arith.constant 0 : i32
      %cond3A_347 = arith.cmpi ne, %convert_element_type3A_345, %cond3A_346 : i32
      scf.if %cond3A_347 {
        %add3A_353 = arith.constant 1 : i32
        %add3A_354 = arith.addi %select_n3A, %add3A_353 : i32
        %add3A_355 = arith.constant 1 : i32
        %add3A_356 = arith.addi %select_n3A, %add3A_355 : i32
        %jit3A_357 = arith.constant 3 : i32
        %eq3A_358 = arith.constant 0 : i32
        %eq3A_359 = arith.cmpi eq, %jit3A_357, %eq3A_358 : i32
        %jit3A_360 = arith.constant 1 : i32
        %select_n3A_361 = arith.select %eq3A_359, %jit3A_360, %jit3A_357 : i32
        %rem3A_362 = arith.remsi %add3A_356, %select_n3A_361 : i32
        %ne3A_363 = arith.constant 0 : i32
        %ne3A_364 = arith.cmpi ne, %rem3A_362, %ne3A_363 : i32
        %lt3A_365 = arith.constant 0 : i32
        %lt3A_366 = arith.cmpi slt, %rem3A_362, %lt3A_365 : i32
        %lt3A_367 = arith.constant 0 : i32
        %lt3A_368 = arith.cmpi slt, %select_n3A_361, %lt3A_367 : i32
        %ne3A_369 = arith.xori %lt3A_366, %lt3A_368 : i1
        %and3A_370 = arith.andi %ne3A_369, %ne3A_364 : i1
        %add3A_371 = arith.addi %rem3A_362, %select_n3A_361 : i32
        %select_n3A_372 = arith.select %and3A_370, %add3A_371, %rem3A_362 : i32
        %dma_wait3A_373 = arith.constant 0 : i32
        %dma_wait3A_374 = arith.constant 0 : i32
        %dma_wait3A_375 = tpu.memref_slice %arg7[%select_n3A_372, %dma_wait3A_373, %dma_wait3A_374] : memref<3x5x80xi32, #tpu.memory_space<vmem>> -> memref<1x5x80xi32, #tpu.memory_space<vmem>>
        %dma_wait3A_376 = tpu.memref_squeeze %dma_wait3A_375 : memref<1x5x80xi32, #tpu.memory_space<vmem>> -> memref<5x80xi32, #tpu.memory_space<vmem>>
        %dma_wait3A_377 = arith.constant 0 : i32
        %dma_wait3A_378 = arith.constant 0 : i32
        %dma_wait3A_379 = tpu.memref_slice %arg3[%arg0, %arg1, %add3A_354, %dma_wait3A_377, %dma_wait3A_378] : memref<2x16x25x5x80xi32, #tpu.memory_space<hbm>> -> memref<1x1x1x5x80xi32, #tpu.memory_space<hbm>>
        %dma_wait3A_380 = tpu.memref_squeeze %dma_wait3A_379 : memref<1x1x1x5x80xi32, #tpu.memory_space<hbm>> -> memref<5x80xi32, #tpu.memory_space<hbm>>
        %dma_wait3A_381 = arith.constant 0 : i32
        %dma_wait3A_382 = arith.constant 0 : i32
        %dma_wait3A_383 = tpu.memref_slice %arg7[%select_n3A_372, %dma_wait3A_381, %dma_wait3A_382] : memref<3x5x80xi32, #tpu.memory_space<vmem>> -> memref<1x5x80xi32, #tpu.memory_space<vmem>>
        %dma_wait3A_384 = tpu.memref_squeeze %dma_wait3A_383 : memref<1x5x80xi32, #tpu.memory_space<vmem>> -> memref<5x80xi32, #tpu.memory_space<vmem>>
        %dma_wait3A_385 = arith.constant 0 : i32
        %dma_wait3A_386 = arith.constant 0 : i32
        %dma_wait3A_387 = tpu.memref_slice %arg3[%arg0, %arg1, %add3A_354, %dma_wait3A_385, %dma_wait3A_386] : memref<2x16x25x5x80xi32, #tpu.memory_space<hbm>> -> memref<1x1x1x5x80xi32, #tpu.memory_space<hbm>>
        %dma_wait3A_388 = tpu.memref_squeeze %dma_wait3A_387 : memref<1x1x1x5x80xi32, #tpu.memory_space<hbm>> -> memref<5x80xi32, #tpu.memory_space<hbm>>
        tpu.wait_dma2 semaphore(%arg12 : memref<!tpu.dma_semaphore, #tpu.memory_space<semaphore_mem>>) src(%dma_wait3A_388 : memref<5x80xi32, #tpu.memory_space<hbm>>) dst(%dma_wait3A_384 : memref<5x80xi32, #tpu.memory_space<vmem>>)
        %add3A_389 = arith.constant 1 : i32
        %add3A_390 = arith.addi %select_n3A, %add3A_389 : i32
        %add3A_391 = arith.constant 1 : i32
        %add3A_392 = arith.addi %select_n3A, %add3A_391 : i32
        %jit3A_393 = arith.constant 3 : i32
        %eq3A_394 = arith.constant 0 : i32
        %eq3A_395 = arith.cmpi eq, %jit3A_393, %eq3A_394 : i32
        %jit3A_396 = arith.constant 1 : i32
        %select_n3A_397 = arith.select %eq3A_395, %jit3A_396, %jit3A_393 : i32
        %rem3A_398 = arith.remsi %add3A_392, %select_n3A_397 : i32
        %ne3A_399 = arith.constant 0 : i32
        %ne3A_400 = arith.cmpi ne, %rem3A_398, %ne3A_399 : i32
        %lt3A_401 = arith.constant 0 : i32
        %lt3A_402 = arith.cmpi slt, %rem3A_398, %lt3A_401 : i32
        %lt3A_403 = arith.constant 0 : i32
        %lt3A_404 = arith.cmpi slt, %select_n3A_397, %lt3A_403 : i32
        %ne3A_405 = arith.xori %lt3A_402, %lt3A_404 : i1
        %and3A_406 = arith.andi %ne3A_405, %ne3A_400 : i1
        %add3A_407 = arith.addi %rem3A_398, %select_n3A_397 : i32
        %select_n3A_408 = arith.select %and3A_406, %add3A_407, %rem3A_398 : i32
        %dma_wait3A_409 = arith.constant 0 : i32
        %dma_wait3A_410 = arith.constant 0 : i32
        %dma_wait3A_411 = tpu.memref_slice %arg8[%select_n3A_408, %dma_wait3A_409, %dma_wait3A_410] : memref<3x5x80xi32, #tpu.memory_space<vmem>> -> memref<1x5x80xi32, #tpu.memory_space<vmem>>
        %dma_wait3A_412 = tpu.memref_squeeze %dma_wait3A_411 : memref<1x5x80xi32, #tpu.memory_space<vmem>> -> memref<5x80xi32, #tpu.memory_space<vmem>>
        %dma_wait3A_413 = arith.constant 0 : i32
        %dma_wait3A_414 = arith.constant 0 : i32
        %dma_wait3A_415 = tpu.memref_slice %arg4[%arg0, %arg1, %add3A_390, %dma_wait3A_413, %dma_wait3A_414] : memref<2x16x25x5x80xi32, #tpu.memory_space<hbm>> -> memref<1x1x1x5x80xi32, #tpu.memory_space<hbm>>
        %dma_wait3A_416 = tpu.memref_squeeze %dma_wait3A_415 : memref<1x1x1x5x80xi32, #tpu.memory_space<hbm>> -> memref<5x80xi32, #tpu.memory_space<hbm>>
        %dma_wait3A_417 = arith.constant 0 : i32
        %dma_wait3A_418 = arith.constant 0 : i32
        %dma_wait3A_419 = tpu.memref_slice %arg8[%select_n3A_408, %dma_wait3A_417, %dma_wait3A_418] : memref<3x5x80xi32, #tpu.memory_space<vmem>> -> memref<1x5x80xi32, #tpu.memory_space<vmem>>
        %dma_wait3A_420 = tpu.memref_squeeze %dma_wait3A_419 : memref<1x5x80xi32, #tpu.memory_space<vmem>> -> memref<5x80xi32, #tpu.memory_space<vmem>>
        %dma_wait3A_421 = arith.constant 0 : i32
        %dma_wait3A_422 = arith.constant 0 : i32
        %dma_wait3A_423 = tpu.memref_slice %arg4[%arg0, %arg1, %add3A_390, %dma_wait3A_421, %dma_wait3A_422] : memref<2x16x25x5x80xi32, #tpu.memory_space<hbm>> -> memref<1x1x1x5x80xi32, #tpu.memory_space<hbm>>
        %dma_wait3A_424 = tpu.memref_squeeze %dma_wait3A_423 : memref<1x1x1x5x80xi32, #tpu.memory_space<hbm>> -> memref<5x80xi32, #tpu.memory_space<hbm>>
        tpu.wait_dma2 semaphore(%arg12 : memref<!tpu.dma_semaphore, #tpu.memory_space<semaphore_mem>>) src(%dma_wait3A_424 : memref<5x80xi32, #tpu.memory_space<hbm>>) dst(%dma_wait3A_420 : memref<5x80xi32, #tpu.memory_space<vmem>>)
      } else {
      }
      %lt3A_348 = arith.constant 125 : i32
      %lt3A_349 = arith.cmpi slt, %add3A_233, %lt3A_348 : i32
      %convert_element_type3A_350 = arith.extui %lt3A_349 : i1 to i32
      %cond3A_351 = arith.constant 0 : i32
      %cond3A_352 = arith.cmpi ne, %convert_element_type3A_350, %cond3A_351 : i32
      scf.if %cond3A_352 {
        %dma_start3A_353 = arith.constant 0 : i32
        %dma_start3A_354 = arith.constant 0 : i32
        %dma_start3A_355 = tpu.memref_slice %arg9[%select_n3A_305, %dma_start3A_353, %dma_start3A_354] : memref<4x80x128xf32, #tpu.memory_space<vmem>> -> memref<1x80x128xf32, #tpu.memory_space<vmem>>
        %dma_start3A_356 = tpu.memref_squeeze %dma_start3A_355 : memref<1x80x128xf32, #tpu.memory_space<vmem>> -> memref<80x128xf32, #tpu.memory_space<vmem>>
        %dma_start3A_357 = arith.constant 0 : i32
        %dma_start3A_358 = tpu.memref_slice %arg7[%select_n3A_273, %select_n3A_289, %dma_start3A_357] : memref<3x5x80xi32, #tpu.memory_space<vmem>> -> memref<1x1x80xi32, #tpu.memory_space<vmem>>
        %dma_start3A_359 = tpu.memref_squeeze %dma_start3A_358 : memref<1x1x80xi32, #tpu.memory_space<vmem>> -> memref<80xi32, #tpu.memory_space<vmem>>
        %dma_start3A_360 = arith.constant 0 : i32
        %dma_start3A_361 = arith.constant 0 : i32
        %dma_start3A_362 = tpu.memref_slice %arg2[%dma_start3A_360, %dma_start3A_361] : memref<10240x128xf32, #tpu.memory_space<hbm>> -> memref<10240x128xf32, #tpu.memory_space<hbm>>
        tpu.enqueue_indirect_dma source(%dma_start3A_362 : memref<10240x128xf32, #tpu.memory_space<hbm>>) target(%dma_start3A_356 : memref<80x128xf32, #tpu.memory_space<vmem>>) offsets(%dma_start3A_359 : memref<80xi32, #tpu.memory_space<vmem>>) semaphore(%arg10 : memref<!tpu.dma_semaphore, #tpu.memory_space<semaphore_mem>>)
      } else {
      }
    }
    %scan3A_82 = arith.constant 125 : i32
    %dma_wait3A = arith.constant 0 : i32
    %dma_wait3A_83 = arith.constant 0 : i32
    %dma_wait3A_84 = arith.constant 4 : i32
    %dma_wait3A_85 = arith.constant 0 : i32
    %dma_wait3A_86 = arith.constant 0 : i32
    %dma_wait3A_87 = tpu.memref_slice %arg9[%dma_wait3A, %dma_wait3A_85, %dma_wait3A_86] : memref<4x80x128xf32, #tpu.memory_space<vmem>> -> memref<1x80x128xf32, #tpu.memory_space<vmem>>
    %dma_wait3A_88 = tpu.memref_squeeze %dma_wait3A_87 : memref<1x80x128xf32, #tpu.memory_space<vmem>> -> memref<80x128xf32, #tpu.memory_space<vmem>>
    %dma_wait3A_89 = arith.constant 0 : i32
    %dma_wait3A_90 = tpu.memref_slice %arg8[%dma_wait3A_83, %dma_wait3A_84, %dma_wait3A_89] : memref<3x5x80xi32, #tpu.memory_space<vmem>> -> memref<1x1x80xi32, #tpu.memory_space<vmem>>
    %dma_wait3A_91 = tpu.memref_squeeze %dma_wait3A_90 : memref<1x1x80xi32, #tpu.memory_space<vmem>> -> memref<80xi32, #tpu.memory_space<vmem>>
    %dma_wait3A_92 = arith.constant 0 : i32
    %dma_wait3A_93 = arith.constant 0 : i32
    %dma_wait3A_94 = tpu.memref_slice %arg6[%dma_wait3A_92, %dma_wait3A_93] : memref<10240x128xf32, #tpu.memory_space<vmem_shared>> -> memref<10240x128xf32, #tpu.memory_space<vmem_shared>>
    tpu.wait_indirect_dma semaphore(%arg11 : memref<!tpu.dma_semaphore, #tpu.memory_space<semaphore_mem>>) src(%dma_wait3A_88 : memref<80x128xf32, #tpu.memory_space<vmem>>) dst(%dma_wait3A_94 : memref<10240x128xf32, #tpu.memory_space<vmem_shared>>)
    %barrier3A_95 = arith.constant 0 : index
    tpu.barrier barrier_id(%barrier3A_95)
    "tpu.region"() ({
      %run_scoped3A_96 = tpu.sem_alloc : memref<!tpu.dma_semaphore, #tpu.memory_space<semaphore_mem>>
      %dma_start3A_97 = arith.constant 0 : i32
      %dma_start3A_98 = tpu.memref_slice %arg5[%arg0, %mul3A_0, %dma_start3A_97] : memref<2x10240x128xf32, #tpu.memory_space<hbm>> -> memref<1x640x128xf32, #tpu.memory_space<hbm>>
      %dma_start3A_99 = tpu.memref_squeeze %dma_start3A_98 : memref<1x640x128xf32, #tpu.memory_space<hbm>> -> memref<640x128xf32, #tpu.memory_space<hbm>>
      %dma_start3A_100 = arith.constant 0 : i32
      %dma_start3A_101 = tpu.memref_slice %arg6[%mul3A_0, %dma_start3A_100] : memref<10240x128xf32, #tpu.memory_space<vmem_shared>> -> memref<640x128xf32, #tpu.memory_space<vmem_shared>>
      tpu.enqueue_dma source(%dma_start3A_101 : memref<640x128xf32, #tpu.memory_space<vmem_shared>>) target(%dma_start3A_99 : memref<640x128xf32, #tpu.memory_space<hbm>>) target_semaphore(%run_scoped3A_96 : memref<!tpu.dma_semaphore, #tpu.memory_space<semaphore_mem>>)
      %dma_wait3A_102 = arith.constant 0 : i32
      %dma_wait3A_103 = tpu.memref_slice %arg5[%arg0, %mul3A_0, %dma_wait3A_102] : memref<2x10240x128xf32, #tpu.memory_space<hbm>> -> memref<1x640x128xf32, #tpu.memory_space<hbm>>
      %dma_wait3A_104 = tpu.memref_squeeze %dma_wait3A_103 : memref<1x640x128xf32, #tpu.memory_space<hbm>> -> memref<640x128xf32, #tpu.memory_space<hbm>>
      %dma_wait3A_105 = arith.constant 0 : i32
      %dma_wait3A_106 = tpu.memref_slice %arg6[%mul3A_0, %dma_wait3A_105] : memref<10240x128xf32, #tpu.memory_space<vmem_shared>> -> memref<640x128xf32, #tpu.memory_space<vmem_shared>>
      tpu.wait_dma2 semaphore(%run_scoped3A_96 : memref<!tpu.dma_semaphore, #tpu.memory_space<semaphore_mem>>) src(%dma_wait3A_106 : memref<640x128xf32, #tpu.memory_space<vmem_shared>>) dst(%dma_wait3A_104 : memref<640x128xf32, #tpu.memory_space<hbm>>)
      tpu.yield
    }) : () -> ()
    return
  }
}

#map = affine_map<(d0, d1) -> (0, 0)>
#map1 = affine_map<(d0, d1) -> (0, 0, 0, 0, 0)>
#map2 = affine_map<(d0, d1) -> (0, 0, 0)>
module attributes {stable_mosaic.version = 14 : i64} {
  func.func @_sc_aggregate(%arg0: i32, %arg1: i32, %arg2: memref<10240x128xf32, #tpu.memory_space<hbm>>, %arg3: memref<2x16x25x5x80xi32, #tpu.memory_space<hbm>>, %arg4: memref<2x16x25x5x80xi32, #tpu.memory_space<hbm>>, %arg5: memref<2x10240x128xf32, #tpu.memory_space<hbm>>, %arg6: memref<10240x128xf32, #tpu.memory_space<vmem_shared>>, %arg7: memref<3x5x80xi32, #tpu.memory_space<vmem>>, %arg8: memref<3x5x80xi32, #tpu.memory_space<vmem>>, %arg9: memref<4x80x128xf32, #tpu.memory_space<vmem>>, %arg10: memref<!tpu.dma_semaphore, #tpu.memory_space<semaphore_mem>>, %arg11: memref<!tpu.dma_semaphore, #tpu.memory_space<semaphore_mem>>, %arg12: memref<!tpu.dma_semaphore, #tpu.memory_space<semaphore_mem>>) attributes {dimension_semantics = [#tpu.dimension_semantics<core_parallel>, #tpu.dimension_semantics<subcore_parallel>], iteration_bounds = array<i64: 2, 16>, scalar_prefetch = 0 : i64, scratch_operands = 7 : i64, tpu.core_type = #tpu.core_type<sc_vector_subcore>, window_params = [{transform_indices = #map}, {transform_indices = #map1}, {transform_indices = #map1}, {transform_indices = #map2}]} {
    %mul3A = arith.constant 640 : i32
    %mul3A_0 = arith.muli %arg1, %mul3A : i32
    %run_scoped3A = arith.constant 0 : i32
    %run_scoped3A_1 = arith.constant 0 : i32
    "tpu.region"() ({
      %run_scoped3A_96 = tpu.sem_alloc : memref<!tpu.dma_semaphore, #tpu.memory_space<semaphore_mem>>
      %dma_start3A_97 = arith.constant 0 : i32
      %dma_start3A_98 = arith.constant 0 : i32
      %dma_start3A_99 = tpu.memref_slice %arg7[%run_scoped3A_1, %dma_start3A_97, %dma_start3A_98] : memref<3x5x80xi32, #tpu.memory_space<vmem>> -> memref<1x5x80xi32, #tpu.memory_space<vmem>>
      %dma_start3A_100 = tpu.memref_squeeze %dma_start3A_99 : memref<1x5x80xi32, #tpu.memory_space<vmem>> -> memref<5x80xi32, #tpu.memory_space<vmem>>
      %dma_start3A_101 = arith.constant 0 : i32
      %dma_start3A_102 = arith.constant 0 : i32
      %dma_start3A_103 = tpu.memref_slice %arg3[%arg0, %arg1, %run_scoped3A, %dma_start3A_101, %dma_start3A_102] : memref<2x16x25x5x80xi32, #tpu.memory_space<hbm>> -> memref<1x1x1x5x80xi32, #tpu.memory_space<hbm>>
      %dma_start3A_104 = tpu.memref_squeeze %dma_start3A_103 : memref<1x1x1x5x80xi32, #tpu.memory_space<hbm>> -> memref<5x80xi32, #tpu.memory_space<hbm>>
      %dma_start3A_105 = arith.constant 0 : i32
      %dma_start3A_106 = arith.constant 0 : i32
      %dma_start3A_107 = tpu.memref_slice %arg7[%run_scoped3A_1, %dma_start3A_105, %dma_start3A_106] : memref<3x5x80xi32, #tpu.memory_space<vmem>> -> memref<1x5x80xi32, #tpu.memory_space<vmem>>
      %dma_start3A_108 = tpu.memref_squeeze %dma_start3A_107 : memref<1x5x80xi32, #tpu.memory_space<vmem>> -> memref<5x80xi32, #tpu.memory_space<vmem>>
      %dma_start3A_109 = arith.constant 0 : i32
      %dma_start3A_110 = arith.constant 0 : i32
      %dma_start3A_111 = tpu.memref_slice %arg3[%arg0, %arg1, %run_scoped3A, %dma_start3A_109, %dma_start3A_110] : memref<2x16x25x5x80xi32, #tpu.memory_space<hbm>> -> memref<1x1x1x5x80xi32, #tpu.memory_space<hbm>>
      %dma_start3A_112 = tpu.memref_squeeze %dma_start3A_111 : memref<1x1x1x5x80xi32, #tpu.memory_space<hbm>> -> memref<5x80xi32, #tpu.memory_space<hbm>>
      tpu.enqueue_dma source(%dma_start3A_112 : memref<5x80xi32, #tpu.memory_space<hbm>>) target(%dma_start3A_108 : memref<5x80xi32, #tpu.memory_space<vmem>>) target_semaphore(%run_scoped3A_96 : memref<!tpu.dma_semaphore, #tpu.memory_space<semaphore_mem>>)
      %dma_wait3A_113 = arith.constant 0 : i32
      %dma_wait3A_114 = arith.constant 0 : i32
      %dma_wait3A_115 = tpu.memref_slice %arg7[%run_scoped3A_1, %dma_wait3A_113, %dma_wait3A_114] : memref<3x5x80xi32, #tpu.memory_space<vmem>> -> memref<1x5x80xi32, #tpu.memory_space<vmem>>
      %dma_wait3A_116 = tpu.memref_squeeze %dma_wait3A_115 : memref<1x5x80xi32, #tpu.memory_space<vmem>> -> memref<5x80xi32, #tpu.memory_space<vmem>>
      %dma_wait3A_117 = arith.constant 0 : i32
      %dma_wait3A_118 = arith.constant 0 : i32
      %dma_wait3A_119 = tpu.memref_slice %arg3[%arg0, %arg1, %run_scoped3A, %dma_wait3A_117, %dma_wait3A_118] : memref<2x16x25x5x80xi32, #tpu.memory_space<hbm>> -> memref<1x1x1x5x80xi32, #tpu.memory_space<hbm>>
      %dma_wait3A_120 = tpu.memref_squeeze %dma_wait3A_119 : memref<1x1x1x5x80xi32, #tpu.memory_space<hbm>> -> memref<5x80xi32, #tpu.memory_space<hbm>>
      %dma_wait3A_121 = arith.constant 0 : i32
      %dma_wait3A_122 = arith.constant 0 : i32
      %dma_wait3A_123 = tpu.memref_slice %arg7[%run_scoped3A_1, %dma_wait3A_121, %dma_wait3A_122] : memref<3x5x80xi32, #tpu.memory_space<vmem>> -> memref<1x5x80xi32, #tpu.memory_space<vmem>>
      %dma_wait3A_124 = tpu.memref_squeeze %dma_wait3A_123 : memref<1x5x80xi32, #tpu.memory_space<vmem>> -> memref<5x80xi32, #tpu.memory_space<vmem>>
      %dma_wait3A_125 = arith.constant 0 : i32
      %dma_wait3A_126 = arith.constant 0 : i32
      %dma_wait3A_127 = tpu.memref_slice %arg3[%arg0, %arg1, %run_scoped3A, %dma_wait3A_125, %dma_wait3A_126] : memref<2x16x25x5x80xi32, #tpu.memory_space<hbm>> -> memref<1x1x1x5x80xi32, #tpu.memory_space<hbm>>
      %dma_wait3A_128 = tpu.memref_squeeze %dma_wait3A_127 : memref<1x1x1x5x80xi32, #tpu.memory_space<hbm>> -> memref<5x80xi32, #tpu.memory_space<hbm>>
      tpu.wait_dma2 semaphore(%run_scoped3A_96 : memref<!tpu.dma_semaphore, #tpu.memory_space<semaphore_mem>>) src(%dma_wait3A_128 : memref<5x80xi32, #tpu.memory_space<hbm>>) dst(%dma_wait3A_124 : memref<5x80xi32, #tpu.memory_space<vmem>>)
      tpu.yield
    }) : () -> ()
    %run_scoped3A_2 = arith.constant 0 : i32
    %run_scoped3A_3 = arith.constant 0 : i32
    "tpu.region"() ({
      %run_scoped3A_96 = tpu.sem_alloc : memref<!tpu.dma_semaphore, #tpu.memory_space<semaphore_mem>>
      %dma_start3A_97 = arith.constant 0 : i32
      %dma_start3A_98 = arith.constant 0 : i32
      %dma_start3A_99 = tpu.memref_slice %arg8[%run_scoped3A_3, %dma_start3A_97, %dma_start3A_98] : memref<3x5x80xi32, #tpu.memory_space<vmem>> -> memref<1x5x80xi32, #tpu.memory_space<vmem>>
      %dma_start3A_100 = tpu.memref_squeeze %dma_start3A_99 : memref<1x5x80xi32, #tpu.memory_space<vmem>> -> memref<5x80xi32, #tpu.memory_space<vmem>>
      %dma_start3A_101 = arith.constant 0 : i32
      %dma_start3A_102 = arith.constant 0 : i32
      %dma_start3A_103 = tpu.memref_slice %arg4[%arg0, %arg1, %run_scoped3A_2, %dma_start3A_101, %dma_start3A_102] : memref<2x16x25x5x80xi32, #tpu.memory_space<hbm>> -> memref<1x1x1x5x80xi32, #tpu.memory_space<hbm>>
      %dma_start3A_104 = tpu.memref_squeeze %dma_start3A_103 : memref<1x1x1x5x80xi32, #tpu.memory_space<hbm>> -> memref<5x80xi32, #tpu.memory_space<hbm>>
      %dma_start3A_105 = arith.constant 0 : i32
      %dma_start3A_106 = arith.constant 0 : i32
      %dma_start3A_107 = tpu.memref_slice %arg8[%run_scoped3A_3, %dma_start3A_105, %dma_start3A_106] : memref<3x5x80xi32, #tpu.memory_space<vmem>> -> memref<1x5x80xi32, #tpu.memory_space<vmem>>
      %dma_start3A_108 = tpu.memref_squeeze %dma_start3A_107 : memref<1x5x80xi32, #tpu.memory_space<vmem>> -> memref<5x80xi32, #tpu.memory_space<vmem>>
      %dma_start3A_109 = arith.constant 0 : i32
      %dma_start3A_110 = arith.constant 0 : i32
      %dma_start3A_111 = tpu.memref_slice %arg4[%arg0, %arg1, %run_scoped3A_2, %dma_start3A_109, %dma_start3A_110] : memref<2x16x25x5x80xi32, #tpu.memory_space<hbm>> -> memref<1x1x1x5x80xi32, #tpu.memory_space<hbm>>
      %dma_start3A_112 = tpu.memref_squeeze %dma_start3A_111 : memref<1x1x1x5x80xi32, #tpu.memory_space<hbm>> -> memref<5x80xi32, #tpu.memory_space<hbm>>
      tpu.enqueue_dma source(%dma_start3A_112 : memref<5x80xi32, #tpu.memory_space<hbm>>) target(%dma_start3A_108 : memref<5x80xi32, #tpu.memory_space<vmem>>) target_semaphore(%run_scoped3A_96 : memref<!tpu.dma_semaphore, #tpu.memory_space<semaphore_mem>>)
      %dma_wait3A_113 = arith.constant 0 : i32
      %dma_wait3A_114 = arith.constant 0 : i32
      %dma_wait3A_115 = tpu.memref_slice %arg8[%run_scoped3A_3, %dma_wait3A_113, %dma_wait3A_114] : memref<3x5x80xi32, #tpu.memory_space<vmem>> -> memref<1x5x80xi32, #tpu.memory_space<vmem>>
      %dma_wait3A_116 = tpu.memref_squeeze %dma_wait3A_115 : memref<1x5x80xi32, #tpu.memory_space<vmem>> -> memref<5x80xi32, #tpu.memory_space<vmem>>
      %dma_wait3A_117 = arith.constant 0 : i32
      %dma_wait3A_118 = arith.constant 0 : i32
      %dma_wait3A_119 = tpu.memref_slice %arg4[%arg0, %arg1, %run_scoped3A_2, %dma_wait3A_117, %dma_wait3A_118] : memref<2x16x25x5x80xi32, #tpu.memory_space<hbm>> -> memref<1x1x1x5x80xi32, #tpu.memory_space<hbm>>
      %dma_wait3A_120 = tpu.memref_squeeze %dma_wait3A_119 : memref<1x1x1x5x80xi32, #tpu.memory_space<hbm>> -> memref<5x80xi32, #tpu.memory_space<hbm>>
      %dma_wait3A_121 = arith.constant 0 : i32
      %dma_wait3A_122 = arith.constant 0 : i32
      %dma_wait3A_123 = tpu.memref_slice %arg8[%run_scoped3A_3, %dma_wait3A_121, %dma_wait3A_122] : memref<3x5x80xi32, #tpu.memory_space<vmem>> -> memref<1x5x80xi32, #tpu.memory_space<vmem>>
      %dma_wait3A_124 = tpu.memref_squeeze %dma_wait3A_123 : memref<1x5x80xi32, #tpu.memory_space<vmem>> -> memref<5x80xi32, #tpu.memory_space<vmem>>
      %dma_wait3A_125 = arith.constant 0 : i32
      %dma_wait3A_126 = arith.constant 0 : i32
      %dma_wait3A_127 = tpu.memref_slice %arg4[%arg0, %arg1, %run_scoped3A_2, %dma_wait3A_125, %dma_wait3A_126] : memref<2x16x25x5x80xi32, #tpu.memory_space<hbm>> -> memref<1x1x1x5x80xi32, #tpu.memory_space<hbm>>
      %dma_wait3A_128 = tpu.memref_squeeze %dma_wait3A_127 : memref<1x1x1x5x80xi32, #tpu.memory_space<hbm>> -> memref<5x80xi32, #tpu.memory_space<hbm>>
      tpu.wait_dma2 semaphore(%run_scoped3A_96 : memref<!tpu.dma_semaphore, #tpu.memory_space<semaphore_mem>>) src(%dma_wait3A_128 : memref<5x80xi32, #tpu.memory_space<hbm>>) dst(%dma_wait3A_124 : memref<5x80xi32, #tpu.memory_space<vmem>>)
      tpu.yield
    }) : () -> ()
    %dma_start3A = arith.constant 1 : i32
    %dma_start3A_4 = arith.constant 1 : i32
    %dma_start3A_5 = arith.constant 0 : i32
    %dma_start3A_6 = arith.constant 0 : i32
    %dma_start3A_7 = tpu.memref_slice %arg7[%dma_start3A_4, %dma_start3A_5, %dma_start3A_6] : memref<3x5x80xi32, #tpu.memory_space<vmem>> -> memref<1x5x80xi32, #tpu.memory_space<vmem>>
    %dma_start3A_8 = tpu.memref_squeeze %dma_start3A_7 : memref<1x5x80xi32, #tpu.memory_space<vmem>> -> memref<5x80xi32, #tpu.memory_space<vmem>>
    %dma_start3A_9 = arith.constant 0 : i32
    %dma_start3A_10 = arith.constant 0 : i32
    %dma_start3A_11 = tpu.memref_slice %arg3[%arg0, %arg1, %dma_start3A, %dma_start3A_9, %dma_start3A_10] : memref<2x16x25x5x80xi32, #tpu.memory_space<hbm>> -> memref<1x1x1x5x80xi32, #tpu.memory_space<hbm>>
    %dma_start3A_12 = tpu.memref_squeeze %dma_start3A_11 : memref<1x1x1x5x80xi32, #tpu.memory_space<hbm>> -> memref<5x80xi32, #tpu.memory_space<hbm>>
    %dma_start3A_13 = arith.constant 0 : i32
    %dma_start3A_14 = arith.constant 0 : i32
    %dma_start3A_15 = tpu.memref_slice %arg7[%dma_start3A_4, %dma_start3A_13, %dma_start3A_14] : memref<3x5x80xi32, #tpu.memory_space<vmem>> -> memref<1x5x80xi32, #tpu.memory_space<vmem>>
    %dma_start3A_16 = tpu.memref_squeeze %dma_start3A_15 : memref<1x5x80xi32, #tpu.memory_space<vmem>> -> memref<5x80xi32, #tpu.memory_space<vmem>>
    %dma_start3A_17 = arith.constant 0 : i32
    %dma_start3A_18 = arith.constant 0 : i32
    %dma_start3A_19 = tpu.memref_slice %arg3[%arg0, %arg1, %dma_start3A, %dma_start3A_17, %dma_start3A_18] : memref<2x16x25x5x80xi32, #tpu.memory_space<hbm>> -> memref<1x1x1x5x80xi32, #tpu.memory_space<hbm>>
    %dma_start3A_20 = tpu.memref_squeeze %dma_start3A_19 : memref<1x1x1x5x80xi32, #tpu.memory_space<hbm>> -> memref<5x80xi32, #tpu.memory_space<hbm>>
    tpu.enqueue_dma source(%dma_start3A_20 : memref<5x80xi32, #tpu.memory_space<hbm>>) target(%dma_start3A_16 : memref<5x80xi32, #tpu.memory_space<vmem>>) target_semaphore(%arg12 : memref<!tpu.dma_semaphore, #tpu.memory_space<semaphore_mem>>)
    %dma_start3A_21 = arith.constant 1 : i32
    %dma_start3A_22 = arith.constant 1 : i32
    %dma_start3A_23 = arith.constant 0 : i32
    %dma_start3A_24 = arith.constant 0 : i32
    %dma_start3A_25 = tpu.memref_slice %arg8[%dma_start3A_22, %dma_start3A_23, %dma_start3A_24] : memref<3x5x80xi32, #tpu.memory_space<vmem>> -> memref<1x5x80xi32, #tpu.memory_space<vmem>>
    %dma_start3A_26 = tpu.memref_squeeze %dma_start3A_25 : memref<1x5x80xi32, #tpu.memory_space<vmem>> -> memref<5x80xi32, #tpu.memory_space<vmem>>
    %dma_start3A_27 = arith.constant 0 : i32
    %dma_start3A_28 = arith.constant 0 : i32
    %dma_start3A_29 = tpu.memref_slice %arg4[%arg0, %arg1, %dma_start3A_21, %dma_start3A_27, %dma_start3A_28] : memref<2x16x25x5x80xi32, #tpu.memory_space<hbm>> -> memref<1x1x1x5x80xi32, #tpu.memory_space<hbm>>
    %dma_start3A_30 = tpu.memref_squeeze %dma_start3A_29 : memref<1x1x1x5x80xi32, #tpu.memory_space<hbm>> -> memref<5x80xi32, #tpu.memory_space<hbm>>
    %dma_start3A_31 = arith.constant 0 : i32
    %dma_start3A_32 = arith.constant 0 : i32
    %dma_start3A_33 = tpu.memref_slice %arg8[%dma_start3A_22, %dma_start3A_31, %dma_start3A_32] : memref<3x5x80xi32, #tpu.memory_space<vmem>> -> memref<1x5x80xi32, #tpu.memory_space<vmem>>
    %dma_start3A_34 = tpu.memref_squeeze %dma_start3A_33 : memref<1x5x80xi32, #tpu.memory_space<vmem>> -> memref<5x80xi32, #tpu.memory_space<vmem>>
    %dma_start3A_35 = arith.constant 0 : i32
    %dma_start3A_36 = arith.constant 0 : i32
    %dma_start3A_37 = tpu.memref_slice %arg4[%arg0, %arg1, %dma_start3A_21, %dma_start3A_35, %dma_start3A_36] : memref<2x16x25x5x80xi32, #tpu.memory_space<hbm>> -> memref<1x1x1x5x80xi32, #tpu.memory_space<hbm>>
    %dma_start3A_38 = tpu.memref_squeeze %dma_start3A_37 : memref<1x1x1x5x80xi32, #tpu.memory_space<hbm>> -> memref<5x80xi32, #tpu.memory_space<hbm>>
    tpu.enqueue_dma source(%dma_start3A_38 : memref<5x80xi32, #tpu.memory_space<hbm>>) target(%dma_start3A_34 : memref<5x80xi32, #tpu.memory_space<vmem>>) target_semaphore(%arg12 : memref<!tpu.dma_semaphore, #tpu.memory_space<semaphore_mem>>)
    "tpu.region"() ({
      %run_scoped3A_96 = tpu.sem_alloc : memref<!tpu.dma_semaphore, #tpu.memory_space<semaphore_mem>>
      %dma_start3A_97 = arith.constant 0 : i32
      %dma_start3A_98 = tpu.memref_slice %arg6[%mul3A_0, %dma_start3A_97] : memref<10240x128xf32, #tpu.memory_space<vmem_shared>> -> memref<640x128xf32, #tpu.memory_space<vmem_shared>>
      %dma_start3A_99 = arith.constant 0 : i32
      %dma_start3A_100 = tpu.memref_slice %arg2[%mul3A_0, %dma_start3A_99] : memref<10240x128xf32, #tpu.memory_space<hbm>> -> memref<640x128xf32, #tpu.memory_space<hbm>>
      tpu.enqueue_dma source(%dma_start3A_100 : memref<640x128xf32, #tpu.memory_space<hbm>>) target(%dma_start3A_98 : memref<640x128xf32, #tpu.memory_space<vmem_shared>>) target_semaphore(%run_scoped3A_96 : memref<!tpu.dma_semaphore, #tpu.memory_space<semaphore_mem>>)
      %dma_wait3A_101 = arith.constant 0 : i32
      %dma_wait3A_102 = tpu.memref_slice %arg6[%mul3A_0, %dma_wait3A_101] : memref<10240x128xf32, #tpu.memory_space<vmem_shared>> -> memref<640x128xf32, #tpu.memory_space<vmem_shared>>
      %dma_wait3A_103 = arith.constant 0 : i32
      %dma_wait3A_104 = tpu.memref_slice %arg2[%mul3A_0, %dma_wait3A_103] : memref<10240x128xf32, #tpu.memory_space<hbm>> -> memref<640x128xf32, #tpu.memory_space<hbm>>
      tpu.wait_dma2 semaphore(%run_scoped3A_96 : memref<!tpu.dma_semaphore, #tpu.memory_space<semaphore_mem>>) src(%dma_wait3A_104 : memref<640x128xf32, #tpu.memory_space<hbm>>) dst(%dma_wait3A_102 : memref<640x128xf32, #tpu.memory_space<vmem_shared>>)
      tpu.yield
    }) : () -> ()
    %barrier3A = arith.constant 0 : index
    tpu.barrier barrier_id(%barrier3A)
    %dma_start3A_39 = arith.constant 0 : i32
    %dma_start3A_40 = arith.constant 0 : i32
    %dma_start3A_41 = arith.constant 0 : i32
    %dma_start3A_42 = arith.constant 0 : i32
    %dma_start3A_43 = arith.constant 0 : i32
    %dma_start3A_44 = tpu.memref_slice %arg9[%dma_start3A_41, %dma_start3A_42, %dma_start3A_43] : memref<4x80x128xf32, #tpu.memory_space<vmem>> -> memref<1x80x128xf32, #tpu.memory_space<vmem>>
    %dma_start3A_45 = tpu.memref_squeeze %dma_start3A_44 : memref<1x80x128xf32, #tpu.memory_space<vmem>> -> memref<80x128xf32, #tpu.memory_space<vmem>>
    %dma_start3A_46 = arith.constant 0 : i32
    %dma_start3A_47 = tpu.memref_slice %arg7[%dma_start3A_39, %dma_start3A_40, %dma_start3A_46] : memref<3x5x80xi32, #tpu.memory_space<vmem>> -> memref<1x1x80xi32, #tpu.memory_space<vmem>>
    %dma_start3A_48 = tpu.memref_squeeze %dma_start3A_47 : memref<1x1x80xi32, #tpu.memory_space<vmem>> -> memref<80xi32, #tpu.memory_space<vmem>>
    %dma_start3A_49 = arith.constant 0 : i32
    %dma_start3A_50 = arith.constant 0 : i32
    %dma_start3A_51 = tpu.memref_slice %arg2[%dma_start3A_49, %dma_start3A_50] : memref<10240x128xf32, #tpu.memory_space<hbm>> -> memref<10240x128xf32, #tpu.memory_space<hbm>>
    tpu.enqueue_indirect_dma source(%dma_start3A_51 : memref<10240x128xf32, #tpu.memory_space<hbm>>) target(%dma_start3A_45 : memref<80x128xf32, #tpu.memory_space<vmem>>) offsets(%dma_start3A_48 : memref<80xi32, #tpu.memory_space<vmem>>) semaphore(%arg10 : memref<!tpu.dma_semaphore, #tpu.memory_space<semaphore_mem>>)
    %dma_start3A_52 = arith.constant 0 : i32
    %dma_start3A_53 = arith.constant 1 : i32
    %dma_start3A_54 = arith.constant 1 : i32
    %dma_start3A_55 = arith.constant 0 : i32
    %dma_start3A_56 = arith.constant 0 : i32
    %dma_start3A_57 = tpu.memref_slice %arg9[%dma_start3A_54, %dma_start3A_55, %dma_start3A_56] : memref<4x80x128xf32, #tpu.memory_space<vmem>> -> memref<1x80x128xf32, #tpu.memory_space<vmem>>
    %dma_start3A_58 = tpu.memref_squeeze %dma_start3A_57 : memref<1x80x128xf32, #tpu.memory_space<vmem>> -> memref<80x128xf32, #tpu.memory_space<vmem>>
    %dma_start3A_59 = arith.constant 0 : i32
    %dma_start3A_60 = tpu.memref_slice %arg7[%dma_start3A_52, %dma_start3A_53, %dma_start3A_59] : memref<3x5x80xi32, #tpu.memory_space<vmem>> -> memref<1x1x80xi32, #tpu.memory_space<vmem>>
    %dma_start3A_61 = tpu.memref_squeeze %dma_start3A_60 : memref<1x1x80xi32, #tpu.memory_space<vmem>> -> memref<80xi32, #tpu.memory_space<vmem>>
    %dma_start3A_62 = arith.constant 0 : i32
    %dma_start3A_63 = arith.constant 0 : i32
    %dma_start3A_64 = tpu.memref_slice %arg2[%dma_start3A_62, %dma_start3A_63] : memref<10240x128xf32, #tpu.memory_space<hbm>> -> memref<10240x128xf32, #tpu.memory_space<hbm>>
    tpu.enqueue_indirect_dma source(%dma_start3A_64 : memref<10240x128xf32, #tpu.memory_space<hbm>>) target(%dma_start3A_58 : memref<80x128xf32, #tpu.memory_space<vmem>>) offsets(%dma_start3A_61 : memref<80xi32, #tpu.memory_space<vmem>>) semaphore(%arg10 : memref<!tpu.dma_semaphore, #tpu.memory_space<semaphore_mem>>)
    %dma_start3A_65 = arith.constant 0 : i32
    %dma_start3A_66 = arith.constant 2 : i32
    %dma_start3A_67 = arith.constant 2 : i32
    %dma_start3A_68 = arith.constant 0 : i32
    %dma_start3A_69 = arith.constant 0 : i32
    %dma_start3A_70 = tpu.memref_slice %arg9[%dma_start3A_67, %dma_start3A_68, %dma_start3A_69] : memref<4x80x128xf32, #tpu.memory_space<vmem>> -> memref<1x80x128xf32, #tpu.memory_space<vmem>>
    %dma_start3A_71 = tpu.memref_squeeze %dma_start3A_70 : memref<1x80x128xf32, #tpu.memory_space<vmem>> -> memref<80x128xf32, #tpu.memory_space<vmem>>
    %dma_start3A_72 = arith.constant 0 : i32
    %dma_start3A_73 = tpu.memref_slice %arg7[%dma_start3A_65, %dma_start3A_66, %dma_start3A_72] : memref<3x5x80xi32, #tpu.memory_space<vmem>> -> memref<1x1x80xi32, #tpu.memory_space<vmem>>
    %dma_start3A_74 = tpu.memref_squeeze %dma_start3A_73 : memref<1x1x80xi32, #tpu.memory_space<vmem>> -> memref<80xi32, #tpu.memory_space<vmem>>
    %dma_start3A_75 = arith.constant 0 : i32
    %dma_start3A_76 = arith.constant 0 : i32
    %dma_start3A_77 = tpu.memref_slice %arg2[%dma_start3A_75, %dma_start3A_76] : memref<10240x128xf32, #tpu.memory_space<hbm>> -> memref<10240x128xf32, #tpu.memory_space<hbm>>
    tpu.enqueue_indirect_dma source(%dma_start3A_77 : memref<10240x128xf32, #tpu.memory_space<hbm>>) target(%dma_start3A_71 : memref<80x128xf32, #tpu.memory_space<vmem>>) offsets(%dma_start3A_74 : memref<80xi32, #tpu.memory_space<vmem>>) semaphore(%arg10 : memref<!tpu.dma_semaphore, #tpu.memory_space<semaphore_mem>>)
    %scan3A = arith.constant 0 : i32
    %scan3A_78 = arith.constant 0 : i32
    %scan3A_79 = arith.constant 125 : i32
    %scan3A_80 = arith.addi %scan3A_78, %scan3A_79 : i32
    %scan3A_81 = arith.constant 1 : i32
    scf.for %scan3A_96 = %scan3A_78 to %scan3A_80 step %scan3A_81  : i32 {
      %jit3A = arith.constant 5 : i32
      %div3A = arith.divsi %scan3A_96, %jit3A : i32
      %sign3A = arith.constant 0 : i32
      %sign3A_97 = arith.cmpi sgt, %scan3A_96, %sign3A : i32
      %sign3A_98 = arith.extui %sign3A_97 : i1 to i32
      %sign3A_99 = arith.constant 0 : i32
      %sign3A_100 = arith.cmpi slt, %scan3A_96, %sign3A_99 : i32
      %sign3A_101 = arith.extui %sign3A_100 : i1 to i32
      %sign3A_102 = arith.subi %sign3A_98, %sign3A_101 : i32
      %sign3A_103 = arith.constant 0 : i32
      %sign3A_104 = arith.cmpi sgt, %jit3A, %sign3A_103 : i32
      %sign3A_105 = arith.extui %sign3A_104 : i1 to i32
      %sign3A_106 = arith.constant 0 : i32
      %sign3A_107 = arith.cmpi slt, %jit3A, %sign3A_106 : i32
      %sign3A_108 = arith.extui %sign3A_107 : i1 to i32
      %sign3A_109 = arith.subi %sign3A_105, %sign3A_108 : i32
      %ne3A = arith.cmpi ne, %sign3A_102, %sign3A_109 : i32
      %rem3A = arith.remsi %scan3A_96, %jit3A : i32
      %ne3A_110 = arith.constant 0 : i32
      %ne3A_111 = arith.cmpi ne, %rem3A, %ne3A_110 : i32
      %and3A = arith.andi %ne3A, %ne3A_111 : i1
      %sub3A = arith.constant 1 : i32
      %sub3A_112 = arith.subi %div3A, %sub3A : i32
      %select_n3A = arith.select %and3A, %sub3A_112, %div3A : i32
      %jit3A_113 = arith.constant 5 : i32
      %eq3A = arith.constant 0 : i32
      %eq3A_114 = arith.cmpi eq, %jit3A_113, %eq3A : i32
      %jit3A_115 = arith.constant 1 : i32
      %select_n3A_116 = arith.select %eq3A_114, %jit3A_115, %jit3A_113 : i32
      %rem3A_117 = arith.remsi %scan3A_96, %select_n3A_116 : i32
      %ne3A_118 = arith.constant 0 : i32
      %ne3A_119 = arith.cmpi ne, %rem3A_117, %ne3A_118 : i32
      %lt3A = arith.constant 0 : i32
      %lt3A_120 = arith.cmpi slt, %rem3A_117, %lt3A : i32
      %lt3A_121 = arith.constant 0 : i32
      %lt3A_122 = arith.cmpi slt, %select_n3A_116, %lt3A_121 : i32
      %ne3A_123 = arith.xori %lt3A_120, %lt3A_122 : i1
      %and3A_124 = arith.andi %ne3A_123, %ne3A_119 : i1
      %add3A = arith.addi %rem3A_117, %select_n3A_116 : i32
      %select_n3A_125 = arith.select %and3A_124, %add3A, %rem3A_117 : i32
      %jit3A_126 = arith.constant 3 : i32
      %eq3A_127 = arith.constant 0 : i32
      %eq3A_128 = arith.cmpi eq, %jit3A_126, %eq3A_127 : i32
      %jit3A_129 = arith.constant 1 : i32
      %select_n3A_130 = arith.select %eq3A_128, %jit3A_129, %jit3A_126 : i32
      %rem3A_131 = arith.remsi %select_n3A, %select_n3A_130 : i32
      %ne3A_132 = arith.constant 0 : i32
      %ne3A_133 = arith.cmpi ne, %rem3A_131, %ne3A_132 : i32
      %lt3A_134 = arith.constant 0 : i32
      %lt3A_135 = arith.cmpi slt, %rem3A_131, %lt3A_134 : i32
      %lt3A_136 = arith.constant 0 : i32
      %lt3A_137 = arith.cmpi slt, %select_n3A_130, %lt3A_136 : i32
      %ne3A_138 = arith.xori %lt3A_135, %lt3A_137 : i1
      %and3A_139 = arith.andi %ne3A_138, %ne3A_133 : i1
      %add3A_140 = arith.addi %rem3A_131, %select_n3A_130 : i32
      %select_n3A_141 = arith.select %and3A_139, %add3A_140, %rem3A_131 : i32
      %jit3A_142 = arith.constant 4 : i32
      %eq3A_143 = arith.constant 0 : i32
      %eq3A_144 = arith.cmpi eq, %jit3A_142, %eq3A_143 : i32
      %jit3A_145 = arith.constant 1 : i32
      %select_n3A_146 = arith.select %eq3A_144, %jit3A_145, %jit3A_142 : i32
      %rem3A_147 = arith.remsi %scan3A_96, %select_n3A_146 : i32
      %ne3A_148 = arith.constant 0 : i32
      %ne3A_149 = arith.cmpi ne, %rem3A_147, %ne3A_148 : i32
      %lt3A_150 = arith.constant 0 : i32
      %lt3A_151 = arith.cmpi slt, %rem3A_147, %lt3A_150 : i32
      %lt3A_152 = arith.constant 0 : i32
      %lt3A_153 = arith.cmpi slt, %select_n3A_146, %lt3A_152 : i32
      %ne3A_154 = arith.xori %lt3A_151, %lt3A_153 : i1
      %and3A_155 = arith.andi %ne3A_154, %ne3A_149 : i1
      %add3A_156 = arith.addi %rem3A_147, %select_n3A_146 : i32
      %select_n3A_157 = arith.select %and3A_155, %add3A_156, %rem3A_147 : i32
      %sub3A_158 = arith.constant 1 : i32
      %sub3A_159 = arith.subi %scan3A_96, %sub3A_158 : i32
      %jit3A_160 = arith.constant 5 : i32
      %div3A_161 = arith.divsi %sub3A_159, %jit3A_160 : i32
      %sign3A_162 = arith.constant 0 : i32
      %sign3A_163 = arith.cmpi sgt, %sub3A_159, %sign3A_162 : i32
      %sign3A_164 = arith.extui %sign3A_163 : i1 to i32
      %sign3A_165 = arith.constant 0 : i32
      %sign3A_166 = arith.cmpi slt, %sub3A_159, %sign3A_165 : i32
      %sign3A_167 = arith.extui %sign3A_166 : i1 to i32
      %sign3A_168 = arith.subi %sign3A_164, %sign3A_167 : i32
      %sign3A_169 = arith.constant 0 : i32
      %sign3A_170 = arith.cmpi sgt, %jit3A_160, %sign3A_169 : i32
      %sign3A_171 = arith.extui %sign3A_170 : i1 to i32
      %sign3A_172 = arith.constant 0 : i32
      %sign3A_173 = arith.cmpi slt, %jit3A_160, %sign3A_172 : i32
      %sign3A_174 = arith.extui %sign3A_173 : i1 to i32
      %sign3A_175 = arith.subi %sign3A_171, %sign3A_174 : i32
      %ne3A_176 = arith.cmpi ne, %sign3A_168, %sign3A_175 : i32
      %rem3A_177 = arith.remsi %sub3A_159, %jit3A_160 : i32
      %ne3A_178 = arith.constant 0 : i32
      %ne3A_179 = arith.cmpi ne, %rem3A_177, %ne3A_178 : i32
      %and3A_180 = arith.andi %ne3A_176, %ne3A_179 : i1
      %sub3A_181 = arith.constant 1 : i32
      %sub3A_182 = arith.subi %div3A_161, %sub3A_181 : i32
      %select_n3A_183 = arith.select %and3A_180, %sub3A_182, %div3A_161 : i32
      %jit3A_184 = arith.constant 3 : i32
      %eq3A_185 = arith.constant 0 : i32
      %eq3A_186 = arith.cmpi eq, %jit3A_184, %eq3A_185 : i32
      %jit3A_187 = arith.constant 1 : i32
      %select_n3A_188 = arith.select %eq3A_186, %jit3A_187, %jit3A_184 : i32
      %rem3A_189 = arith.remsi %select_n3A_183, %select_n3A_188 : i32
      %ne3A_190 = arith.constant 0 : i32
      %ne3A_191 = arith.cmpi ne, %rem3A_189, %ne3A_190 : i32
      %lt3A_192 = arith.constant 0 : i32
      %lt3A_193 = arith.cmpi slt, %rem3A_189, %lt3A_192 : i32
      %lt3A_194 = arith.constant 0 : i32
      %lt3A_195 = arith.cmpi slt, %select_n3A_188, %lt3A_194 : i32
      %ne3A_196 = arith.xori %lt3A_193, %lt3A_195 : i1
      %and3A_197 = arith.andi %ne3A_196, %ne3A_191 : i1
      %add3A_198 = arith.addi %rem3A_189, %select_n3A_188 : i32
      %select_n3A_199 = arith.select %and3A_197, %add3A_198, %rem3A_189 : i32
      %jit3A_200 = arith.constant 5 : i32
      %eq3A_201 = arith.constant 0 : i32
      %eq3A_202 = arith.cmpi eq, %jit3A_200, %eq3A_201 : i32
      %jit3A_203 = arith.constant 1 : i32
      %select_n3A_204 = arith.select %eq3A_202, %jit3A_203, %jit3A_200 : i32
      %rem3A_205 = arith.remsi %sub3A_159, %select_n3A_204 : i32
      %ne3A_206 = arith.constant 0 : i32
      %ne3A_207 = arith.cmpi ne, %rem3A_205, %ne3A_206 : i32
      %lt3A_208 = arith.constant 0 : i32
      %lt3A_209 = arith.cmpi slt, %rem3A_205, %lt3A_208 : i32
      %lt3A_210 = arith.constant 0 : i32
      %lt3A_211 = arith.cmpi slt, %select_n3A_204, %lt3A_210 : i32
      %ne3A_212 = arith.xori %lt3A_209, %lt3A_211 : i1
      %and3A_213 = arith.andi %ne3A_212, %ne3A_207 : i1
      %add3A_214 = arith.addi %rem3A_205, %select_n3A_204 : i32
      %select_n3A_215 = arith.select %and3A_213, %add3A_214, %rem3A_205 : i32
      %jit3A_216 = arith.constant 4 : i32
      %eq3A_217 = arith.constant 0 : i32
      %eq3A_218 = arith.cmpi eq, %jit3A_216, %eq3A_217 : i32
      %jit3A_219 = arith.constant 1 : i32
      %select_n3A_220 = arith.select %eq3A_218, %jit3A_219, %jit3A_216 : i32
      %rem3A_221 = arith.remsi %sub3A_159, %select_n3A_220 : i32
      %ne3A_222 = arith.constant 0 : i32
      %ne3A_223 = arith.cmpi ne, %rem3A_221, %ne3A_222 : i32
      %lt3A_224 = arith.constant 0 : i32
      %lt3A_225 = arith.cmpi slt, %rem3A_221, %lt3A_224 : i32
      %lt3A_226 = arith.constant 0 : i32
      %lt3A_227 = arith.cmpi slt, %select_n3A_220, %lt3A_226 : i32
      %ne3A_228 = arith.xori %lt3A_225, %lt3A_227 : i1
      %and3A_229 = arith.andi %ne3A_228, %ne3A_223 : i1
      %add3A_230 = arith.addi %rem3A_221, %select_n3A_220 : i32
      %select_n3A_231 = arith.select %and3A_229, %add3A_230, %rem3A_221 : i32
      %add3A_232 = arith.constant 3 : i32
      %add3A_233 = arith.addi %scan3A_96, %add3A_232 : i32
      %jit3A_234 = arith.constant 5 : i32
      %div3A_235 = arith.divsi %add3A_233, %jit3A_234 : i32
      %sign3A_236 = arith.constant 0 : i32
      %sign3A_237 = arith.cmpi sgt, %add3A_233, %sign3A_236 : i32
      %sign3A_238 = arith.extui %sign3A_237 : i1 to i32
      %sign3A_239 = arith.constant 0 : i32
      %sign3A_240 = arith.cmpi slt, %add3A_233, %sign3A_239 : i32
      %sign3A_241 = arith.extui %sign3A_240 : i1 to i32
      %sign3A_242 = arith.subi %sign3A_238, %sign3A_241 : i32
      %sign3A_243 = arith.constant 0 : i32
      %sign3A_244 = arith.cmpi sgt, %jit3A_234, %sign3A_243 : i32
      %sign3A_245 = arith.extui %sign3A_244 : i1 to i32
      %sign3A_246 = arith.constant 0 : i32
      %sign3A_247 = arith.cmpi slt, %jit3A_234, %sign3A_246 : i32
      %sign3A_248 = arith.extui %sign3A_247 : i1 to i32
      %sign3A_249 = arith.subi %sign3A_245, %sign3A_248 : i32
      %ne3A_250 = arith.cmpi ne, %sign3A_242, %sign3A_249 : i32
      %rem3A_251 = arith.remsi %add3A_233, %jit3A_234 : i32
      %ne3A_252 = arith.constant 0 : i32
      %ne3A_253 = arith.cmpi ne, %rem3A_251, %ne3A_252 : i32
      %and3A_254 = arith.andi %ne3A_250, %ne3A_253 : i1
      %sub3A_255 = arith.constant 1 : i32
      %sub3A_256 = arith.subi %div3A_235, %sub3A_255 : i32
      %select_n3A_257 = arith.select %and3A_254, %sub3A_256, %div3A_235 : i32
      %jit3A_258 = arith.constant 3 : i32
      %eq3A_259 = arith.constant 0 : i32
      %eq3A_260 = arith.cmpi eq, %jit3A_258, %eq3A_259 : i32
      %jit3A_261 = arith.constant 1 : i32
      %select_n3A_262 = arith.select %eq3A_260, %jit3A_261, %jit3A_258 : i32
      %rem3A_263 = arith.remsi %select_n3A_257, %select_n3A_262 : i32
      %ne3A_264 = arith.constant 0 : i32
      %ne3A_265 = arith.cmpi ne, %rem3A_263, %ne3A_264 : i32
      %lt3A_266 = arith.constant 0 : i32
      %lt3A_267 = arith.cmpi slt, %rem3A_263, %lt3A_266 : i32
      %lt3A_268 = arith.constant 0 : i32
      %lt3A_269 = arith.cmpi slt, %select_n3A_262, %lt3A_268 : i32
      %ne3A_270 = arith.xori %lt3A_267, %lt3A_269 : i1
      %and3A_271 = arith.andi %ne3A_270, %ne3A_265 : i1
      %add3A_272 = arith.addi %rem3A_263, %select_n3A_262 : i32
      %select_n3A_273 = arith.select %and3A_271, %add3A_272, %rem3A_263 : i32
      %jit3A_274 = arith.constant 5 : i32
      %eq3A_275 = arith.constant 0 : i32
      %eq3A_276 = arith.cmpi eq, %jit3A_274, %eq3A_275 : i32
      %jit3A_277 = arith.constant 1 : i32
      %select_n3A_278 = arith.select %eq3A_276, %jit3A_277, %jit3A_274 : i32
      %rem3A_279 = arith.remsi %add3A_233, %select_n3A_278 : i32
      %ne3A_280 = arith.constant 0 : i32
      %ne3A_281 = arith.cmpi ne, %rem3A_279, %ne3A_280 : i32
      %lt3A_282 = arith.constant 0 : i32
      %lt3A_283 = arith.cmpi slt, %rem3A_279, %lt3A_282 : i32
      %lt3A_284 = arith.constant 0 : i32
      %lt3A_285 = arith.cmpi slt, %select_n3A_278, %lt3A_284 : i32
      %ne3A_286 = arith.xori %lt3A_283, %lt3A_285 : i1
      %and3A_287 = arith.andi %ne3A_286, %ne3A_281 : i1
      %add3A_288 = arith.addi %rem3A_279, %select_n3A_278 : i32
      %select_n3A_289 = arith.select %and3A_287, %add3A_288, %rem3A_279 : i32
      %jit3A_290 = arith.constant 4 : i32
      %eq3A_291 = arith.constant 0 : i32
      %eq3A_292 = arith.cmpi eq, %jit3A_290, %eq3A_291 : i32
      %jit3A_293 = arith.constant 1 : i32
      %select_n3A_294 = arith.select %eq3A_292, %jit3A_293, %jit3A_290 : i32
      %rem3A_295 = arith.remsi %add3A_233, %select_n3A_294 : i32
      %ne3A_296 = arith.constant 0 : i32
      %ne3A_297 = arith.cmpi ne, %rem3A_295, %ne3A_296 : i32
      %lt3A_298 = arith.constant 0 : i32
      %lt3A_299 = arith.cmpi slt, %rem3A_295, %lt3A_298 : i32
      %lt3A_300 = arith.constant 0 : i32
      %lt3A_301 = arith.cmpi slt, %select_n3A_294, %lt3A_300 : i32
      %ne3A_302 = arith.xori %lt3A_299, %lt3A_301 : i1
      %and3A_303 = arith.andi %ne3A_302, %ne3A_297 : i1
      %add3A_304 = arith.addi %rem3A_295, %select_n3A_294 : i32
      %select_n3A_305 = arith.select %and3A_303, %add3A_304, %rem3A_295 : i32
      %dma_wait3A_306 = arith.constant 0 : i32
      %dma_wait3A_307 = arith.constant 0 : i32
      %dma_wait3A_308 = tpu.memref_slice %arg9[%select_n3A_157, %dma_wait3A_306, %dma_wait3A_307] : memref<4x80x128xf32, #tpu.memory_space<vmem>> -> memref<1x80x128xf32, #tpu.memory_space<vmem>>
      %dma_wait3A_309 = tpu.memref_squeeze %dma_wait3A_308 : memref<1x80x128xf32, #tpu.memory_space<vmem>> -> memref<80x128xf32, #tpu.memory_space<vmem>>
      %dma_wait3A_310 = arith.constant 0 : i32
      %dma_wait3A_311 = tpu.memref_slice %arg7[%select_n3A_141, %select_n3A_125, %dma_wait3A_310] : memref<3x5x80xi32, #tpu.memory_space<vmem>> -> memref<1x1x80xi32, #tpu.memory_space<vmem>>
      %dma_wait3A_312 = tpu.memref_squeeze %dma_wait3A_311 : memref<1x1x80xi32, #tpu.memory_space<vmem>> -> memref<80xi32, #tpu.memory_space<vmem>>
      %dma_wait3A_313 = arith.constant 0 : i32
      %dma_wait3A_314 = arith.constant 0 : i32
      %dma_wait3A_315 = tpu.memref_slice %arg2[%dma_wait3A_313, %dma_wait3A_314] : memref<10240x128xf32, #tpu.memory_space<hbm>> -> memref<10240x128xf32, #tpu.memory_space<hbm>>
      tpu.wait_indirect_dma semaphore(%arg10 : memref<!tpu.dma_semaphore, #tpu.memory_space<semaphore_mem>>) src(%dma_wait3A_315 : memref<10240x128xf32, #tpu.memory_space<hbm>>) dst(%dma_wait3A_309 : memref<80x128xf32, #tpu.memory_space<vmem>>)
      %dma_start3A_316 = arith.constant 0 : i32
      %dma_start3A_317 = arith.constant 0 : i32
      %dma_start3A_318 = tpu.memref_slice %arg9[%select_n3A_157, %dma_start3A_316, %dma_start3A_317] : memref<4x80x128xf32, #tpu.memory_space<vmem>> -> memref<1x80x128xf32, #tpu.memory_space<vmem>>
      %dma_start3A_319 = tpu.memref_squeeze %dma_start3A_318 : memref<1x80x128xf32, #tpu.memory_space<vmem>> -> memref<80x128xf32, #tpu.memory_space<vmem>>
      %dma_start3A_320 = arith.constant 0 : i32
      %dma_start3A_321 = tpu.memref_slice %arg8[%select_n3A_141, %select_n3A_125, %dma_start3A_320] : memref<3x5x80xi32, #tpu.memory_space<vmem>> -> memref<1x1x80xi32, #tpu.memory_space<vmem>>
      %dma_start3A_322 = tpu.memref_squeeze %dma_start3A_321 : memref<1x1x80xi32, #tpu.memory_space<vmem>> -> memref<80xi32, #tpu.memory_space<vmem>>
      %dma_start3A_323 = arith.constant 0 : i32
      %dma_start3A_324 = arith.constant 0 : i32
      %dma_start3A_325 = tpu.memref_slice %arg6[%dma_start3A_323, %dma_start3A_324] : memref<10240x128xf32, #tpu.memory_space<vmem_shared>> -> memref<10240x128xf32, #tpu.memory_space<vmem_shared>>
      tpu.enqueue_indirect_dma source(%dma_start3A_319 : memref<80x128xf32, #tpu.memory_space<vmem>>) target(%dma_start3A_325 : memref<10240x128xf32, #tpu.memory_space<vmem_shared>>) offsets(%dma_start3A_322 : memref<80xi32, #tpu.memory_space<vmem>>) semaphore(%arg11 : memref<!tpu.dma_semaphore, #tpu.memory_space<semaphore_mem>>) {add = true}
      %gt3A = arith.constant 0 : i32
      %gt3A_326 = arith.cmpi sgt, %scan3A_96, %gt3A : i32
      %convert_element_type3A = arith.extui %gt3A_326 : i1 to i32
      %cond3A = arith.constant 0 : i32
      %cond3A_327 = arith.cmpi ne, %convert_element_type3A, %cond3A : i32
      scf.if %cond3A_327 {
        %dma_wait3A_353 = arith.constant 0 : i32
        %dma_wait3A_354 = arith.constant 0 : i32
        %dma_wait3A_355 = tpu.memref_slice %arg9[%select_n3A_231, %dma_wait3A_353, %dma_wait3A_354] : memref<4x80x128xf32, #tpu.memory_space<vmem>> -> memref<1x80x128xf32, #tpu.memory_space<vmem>>
        %dma_wait3A_356 = tpu.memref_squeeze %dma_wait3A_355 : memref<1x80x128xf32, #tpu.memory_space<vmem>> -> memref<80x128xf32, #tpu.memory_space<vmem>>
        %dma_wait3A_357 = arith.constant 0 : i32
        %dma_wait3A_358 = tpu.memref_slice %arg8[%select_n3A_199, %select_n3A_215, %dma_wait3A_357] : memref<3x5x80xi32, #tpu.memory_space<vmem>> -> memref<1x1x80xi32, #tpu.memory_space<vmem>>
        %dma_wait3A_359 = tpu.memref_squeeze %dma_wait3A_358 : memref<1x1x80xi32, #tpu.memory_space<vmem>> -> memref<80xi32, #tpu.memory_space<vmem>>
        %dma_wait3A_360 = arith.constant 0 : i32
        %dma_wait3A_361 = arith.constant 0 : i32
        %dma_wait3A_362 = tpu.memref_slice %arg6[%dma_wait3A_360, %dma_wait3A_361] : memref<10240x128xf32, #tpu.memory_space<vmem_shared>> -> memref<10240x128xf32, #tpu.memory_space<vmem_shared>>
        tpu.wait_indirect_dma semaphore(%arg11 : memref<!tpu.dma_semaphore, #tpu.memory_space<semaphore_mem>>) src(%dma_wait3A_356 : memref<80x128xf32, #tpu.memory_space<vmem>>) dst(%dma_wait3A_362 : memref<10240x128xf32, #tpu.memory_space<vmem_shared>>)
      } else {
      }
      %eq3A_328 = arith.constant 0 : i32
      %eq3A_329 = arith.cmpi eq, %select_n3A_125, %eq3A_328 : i32
      %add3A_330 = arith.constant 2 : i32
      %add3A_331 = arith.addi %select_n3A, %add3A_330 : i32
      %lt3A_332 = arith.constant 25 : i32
      %lt3A_333 = arith.cmpi slt, %add3A_331, %lt3A_332 : i32
      %and3A_334 = arith.andi %eq3A_329, %lt3A_333 : i1
      %convert_element_type3A_335 = arith.extui %and3A_334 : i1 to i32
      %cond3A_336 = arith.constant 0 : i32
      %cond3A_337 = arith.cmpi ne, %convert_element_type3A_335, %cond3A_336 : i32
      scf.if %cond3A_337 {
        %add3A_353 = arith.constant 2 : i32
        %add3A_354 = arith.addi %select_n3A, %add3A_353 : i32
        %add3A_355 = arith.constant 2 : i32
        %add3A_356 = arith.addi %select_n3A, %add3A_355 : i32
        %jit3A_357 = arith.constant 3 : i32
        %eq3A_358 = arith.constant 0 : i32
        %eq3A_359 = arith.cmpi eq, %jit3A_357, %eq3A_358 : i32
        %jit3A_360 = arith.constant 1 : i32
        %select_n3A_361 = arith.select %eq3A_359, %jit3A_360, %jit3A_357 : i32
        %rem3A_362 = arith.remsi %add3A_356, %select_n3A_361 : i32
        %ne3A_363 = arith.constant 0 : i32
        %ne3A_364 = arith.cmpi ne, %rem3A_362, %ne3A_363 : i32
        %lt3A_365 = arith.constant 0 : i32
        %lt3A_366 = arith.cmpi slt, %rem3A_362, %lt3A_365 : i32
        %lt3A_367 = arith.constant 0 : i32
        %lt3A_368 = arith.cmpi slt, %select_n3A_361, %lt3A_367 : i32
        %ne3A_369 = arith.xori %lt3A_366, %lt3A_368 : i1
        %and3A_370 = arith.andi %ne3A_369, %ne3A_364 : i1
        %add3A_371 = arith.addi %rem3A_362, %select_n3A_361 : i32
        %select_n3A_372 = arith.select %and3A_370, %add3A_371, %rem3A_362 : i32
        %dma_start3A_373 = arith.constant 0 : i32
        %dma_start3A_374 = arith.constant 0 : i32
        %dma_start3A_375 = tpu.memref_slice %arg7[%select_n3A_372, %dma_start3A_373, %dma_start3A_374] : memref<3x5x80xi32, #tpu.memory_space<vmem>> -> memref<1x5x80xi32, #tpu.memory_space<vmem>>
        %dma_start3A_376 = tpu.memref_squeeze %dma_start3A_375 : memref<1x5x80xi32, #tpu.memory_space<vmem>> -> memref<5x80xi32, #tpu.memory_space<vmem>>
        %dma_start3A_377 = arith.constant 0 : i32
        %dma_start3A_378 = arith.constant 0 : i32
        %dma_start3A_379 = tpu.memref_slice %arg3[%arg0, %arg1, %add3A_354, %dma_start3A_377, %dma_start3A_378] : memref<2x16x25x5x80xi32, #tpu.memory_space<hbm>> -> memref<1x1x1x5x80xi32, #tpu.memory_space<hbm>>
        %dma_start3A_380 = tpu.memref_squeeze %dma_start3A_379 : memref<1x1x1x5x80xi32, #tpu.memory_space<hbm>> -> memref<5x80xi32, #tpu.memory_space<hbm>>
        %dma_start3A_381 = arith.constant 0 : i32
        %dma_start3A_382 = arith.constant 0 : i32
        %dma_start3A_383 = tpu.memref_slice %arg7[%select_n3A_372, %dma_start3A_381, %dma_start3A_382] : memref<3x5x80xi32, #tpu.memory_space<vmem>> -> memref<1x5x80xi32, #tpu.memory_space<vmem>>
        %dma_start3A_384 = tpu.memref_squeeze %dma_start3A_383 : memref<1x5x80xi32, #tpu.memory_space<vmem>> -> memref<5x80xi32, #tpu.memory_space<vmem>>
        %dma_start3A_385 = arith.constant 0 : i32
        %dma_start3A_386 = arith.constant 0 : i32
        %dma_start3A_387 = tpu.memref_slice %arg3[%arg0, %arg1, %add3A_354, %dma_start3A_385, %dma_start3A_386] : memref<2x16x25x5x80xi32, #tpu.memory_space<hbm>> -> memref<1x1x1x5x80xi32, #tpu.memory_space<hbm>>
        %dma_start3A_388 = tpu.memref_squeeze %dma_start3A_387 : memref<1x1x1x5x80xi32, #tpu.memory_space<hbm>> -> memref<5x80xi32, #tpu.memory_space<hbm>>
        tpu.enqueue_dma source(%dma_start3A_388 : memref<5x80xi32, #tpu.memory_space<hbm>>) target(%dma_start3A_384 : memref<5x80xi32, #tpu.memory_space<vmem>>) target_semaphore(%arg12 : memref<!tpu.dma_semaphore, #tpu.memory_space<semaphore_mem>>)
        %add3A_389 = arith.constant 2 : i32
        %add3A_390 = arith.addi %select_n3A, %add3A_389 : i32
        %add3A_391 = arith.constant 2 : i32
        %add3A_392 = arith.addi %select_n3A, %add3A_391 : i32
        %jit3A_393 = arith.constant 3 : i32
        %eq3A_394 = arith.constant 0 : i32
        %eq3A_395 = arith.cmpi eq, %jit3A_393, %eq3A_394 : i32
        %jit3A_396 = arith.constant 1 : i32
        %select_n3A_397 = arith.select %eq3A_395, %jit3A_396, %jit3A_393 : i32
        %rem3A_398 = arith.remsi %add3A_392, %select_n3A_397 : i32
        %ne3A_399 = arith.constant 0 : i32
        %ne3A_400 = arith.cmpi ne, %rem3A_398, %ne3A_399 : i32
        %lt3A_401 = arith.constant 0 : i32
        %lt3A_402 = arith.cmpi slt, %rem3A_398, %lt3A_401 : i32
        %lt3A_403 = arith.constant 0 : i32
        %lt3A_404 = arith.cmpi slt, %select_n3A_397, %lt3A_403 : i32
        %ne3A_405 = arith.xori %lt3A_402, %lt3A_404 : i1
        %and3A_406 = arith.andi %ne3A_405, %ne3A_400 : i1
        %add3A_407 = arith.addi %rem3A_398, %select_n3A_397 : i32
        %select_n3A_408 = arith.select %and3A_406, %add3A_407, %rem3A_398 : i32
        %dma_start3A_409 = arith.constant 0 : i32
        %dma_start3A_410 = arith.constant 0 : i32
        %dma_start3A_411 = tpu.memref_slice %arg8[%select_n3A_408, %dma_start3A_409, %dma_start3A_410] : memref<3x5x80xi32, #tpu.memory_space<vmem>> -> memref<1x5x80xi32, #tpu.memory_space<vmem>>
        %dma_start3A_412 = tpu.memref_squeeze %dma_start3A_411 : memref<1x5x80xi32, #tpu.memory_space<vmem>> -> memref<5x80xi32, #tpu.memory_space<vmem>>
        %dma_start3A_413 = arith.constant 0 : i32
        %dma_start3A_414 = arith.constant 0 : i32
        %dma_start3A_415 = tpu.memref_slice %arg4[%arg0, %arg1, %add3A_390, %dma_start3A_413, %dma_start3A_414] : memref<2x16x25x5x80xi32, #tpu.memory_space<hbm>> -> memref<1x1x1x5x80xi32, #tpu.memory_space<hbm>>
        %dma_start3A_416 = tpu.memref_squeeze %dma_start3A_415 : memref<1x1x1x5x80xi32, #tpu.memory_space<hbm>> -> memref<5x80xi32, #tpu.memory_space<hbm>>
        %dma_start3A_417 = arith.constant 0 : i32
        %dma_start3A_418 = arith.constant 0 : i32
        %dma_start3A_419 = tpu.memref_slice %arg8[%select_n3A_408, %dma_start3A_417, %dma_start3A_418] : memref<3x5x80xi32, #tpu.memory_space<vmem>> -> memref<1x5x80xi32, #tpu.memory_space<vmem>>
        %dma_start3A_420 = tpu.memref_squeeze %dma_start3A_419 : memref<1x5x80xi32, #tpu.memory_space<vmem>> -> memref<5x80xi32, #tpu.memory_space<vmem>>
        %dma_start3A_421 = arith.constant 0 : i32
        %dma_start3A_422 = arith.constant 0 : i32
        %dma_start3A_423 = tpu.memref_slice %arg4[%arg0, %arg1, %add3A_390, %dma_start3A_421, %dma_start3A_422] : memref<2x16x25x5x80xi32, #tpu.memory_space<hbm>> -> memref<1x1x1x5x80xi32, #tpu.memory_space<hbm>>
        %dma_start3A_424 = tpu.memref_squeeze %dma_start3A_423 : memref<1x1x1x5x80xi32, #tpu.memory_space<hbm>> -> memref<5x80xi32, #tpu.memory_space<hbm>>
        tpu.enqueue_dma source(%dma_start3A_424 : memref<5x80xi32, #tpu.memory_space<hbm>>) target(%dma_start3A_420 : memref<5x80xi32, #tpu.memory_space<vmem>>) target_semaphore(%arg12 : memref<!tpu.dma_semaphore, #tpu.memory_space<semaphore_mem>>)
      } else {
      }
      %eq3A_338 = arith.constant 1 : i32
      %eq3A_339 = arith.cmpi eq, %select_n3A_125, %eq3A_338 : i32
      %add3A_340 = arith.constant 1 : i32
      %add3A_341 = arith.addi %select_n3A, %add3A_340 : i32
      %lt3A_342 = arith.constant 25 : i32
      %lt3A_343 = arith.cmpi slt, %add3A_341, %lt3A_342 : i32
      %and3A_344 = arith.andi %eq3A_339, %lt3A_343 : i1
      %convert_element_type3A_345 = arith.extui %and3A_344 : i1 to i32
      %cond3A_346 = arith.constant 0 : i32
      %cond3A_347 = arith.cmpi ne, %convert_element_type3A_345, %cond3A_346 : i32
      scf.if %cond3A_347 {
        %add3A_353 = arith.constant 1 : i32
        %add3A_354 = arith.addi %select_n3A, %add3A_353 : i32
        %add3A_355 = arith.constant 1 : i32
        %add3A_356 = arith.addi %select_n3A, %add3A_355 : i32
        %jit3A_357 = arith.constant 3 : i32
        %eq3A_358 = arith.constant 0 : i32
        %eq3A_359 = arith.cmpi eq, %jit3A_357, %eq3A_358 : i32
        %jit3A_360 = arith.constant 1 : i32
        %select_n3A_361 = arith.select %eq3A_359, %jit3A_360, %jit3A_357 : i32
        %rem3A_362 = arith.remsi %add3A_356, %select_n3A_361 : i32
        %ne3A_363 = arith.constant 0 : i32
        %ne3A_364 = arith.cmpi ne, %rem3A_362, %ne3A_363 : i32
        %lt3A_365 = arith.constant 0 : i32
        %lt3A_366 = arith.cmpi slt, %rem3A_362, %lt3A_365 : i32
        %lt3A_367 = arith.constant 0 : i32
        %lt3A_368 = arith.cmpi slt, %select_n3A_361, %lt3A_367 : i32
        %ne3A_369 = arith.xori %lt3A_366, %lt3A_368 : i1
        %and3A_370 = arith.andi %ne3A_369, %ne3A_364 : i1
        %add3A_371 = arith.addi %rem3A_362, %select_n3A_361 : i32
        %select_n3A_372 = arith.select %and3A_370, %add3A_371, %rem3A_362 : i32
        %dma_wait3A_373 = arith.constant 0 : i32
        %dma_wait3A_374 = arith.constant 0 : i32
        %dma_wait3A_375 = tpu.memref_slice %arg7[%select_n3A_372, %dma_wait3A_373, %dma_wait3A_374] : memref<3x5x80xi32, #tpu.memory_space<vmem>> -> memref<1x5x80xi32, #tpu.memory_space<vmem>>
        %dma_wait3A_376 = tpu.memref_squeeze %dma_wait3A_375 : memref<1x5x80xi32, #tpu.memory_space<vmem>> -> memref<5x80xi32, #tpu.memory_space<vmem>>
        %dma_wait3A_377 = arith.constant 0 : i32
        %dma_wait3A_378 = arith.constant 0 : i32
        %dma_wait3A_379 = tpu.memref_slice %arg3[%arg0, %arg1, %add3A_354, %dma_wait3A_377, %dma_wait3A_378] : memref<2x16x25x5x80xi32, #tpu.memory_space<hbm>> -> memref<1x1x1x5x80xi32, #tpu.memory_space<hbm>>
        %dma_wait3A_380 = tpu.memref_squeeze %dma_wait3A_379 : memref<1x1x1x5x80xi32, #tpu.memory_space<hbm>> -> memref<5x80xi32, #tpu.memory_space<hbm>>
        %dma_wait3A_381 = arith.constant 0 : i32
        %dma_wait3A_382 = arith.constant 0 : i32
        %dma_wait3A_383 = tpu.memref_slice %arg7[%select_n3A_372, %dma_wait3A_381, %dma_wait3A_382] : memref<3x5x80xi32, #tpu.memory_space<vmem>> -> memref<1x5x80xi32, #tpu.memory_space<vmem>>
        %dma_wait3A_384 = tpu.memref_squeeze %dma_wait3A_383 : memref<1x5x80xi32, #tpu.memory_space<vmem>> -> memref<5x80xi32, #tpu.memory_space<vmem>>
        %dma_wait3A_385 = arith.constant 0 : i32
        %dma_wait3A_386 = arith.constant 0 : i32
        %dma_wait3A_387 = tpu.memref_slice %arg3[%arg0, %arg1, %add3A_354, %dma_wait3A_385, %dma_wait3A_386] : memref<2x16x25x5x80xi32, #tpu.memory_space<hbm>> -> memref<1x1x1x5x80xi32, #tpu.memory_space<hbm>>
        %dma_wait3A_388 = tpu.memref_squeeze %dma_wait3A_387 : memref<1x1x1x5x80xi32, #tpu.memory_space<hbm>> -> memref<5x80xi32, #tpu.memory_space<hbm>>
        tpu.wait_dma2 semaphore(%arg12 : memref<!tpu.dma_semaphore, #tpu.memory_space<semaphore_mem>>) src(%dma_wait3A_388 : memref<5x80xi32, #tpu.memory_space<hbm>>) dst(%dma_wait3A_384 : memref<5x80xi32, #tpu.memory_space<vmem>>)
        %add3A_389 = arith.constant 1 : i32
        %add3A_390 = arith.addi %select_n3A, %add3A_389 : i32
        %add3A_391 = arith.constant 1 : i32
        %add3A_392 = arith.addi %select_n3A, %add3A_391 : i32
        %jit3A_393 = arith.constant 3 : i32
        %eq3A_394 = arith.constant 0 : i32
        %eq3A_395 = arith.cmpi eq, %jit3A_393, %eq3A_394 : i32
        %jit3A_396 = arith.constant 1 : i32
        %select_n3A_397 = arith.select %eq3A_395, %jit3A_396, %jit3A_393 : i32
        %rem3A_398 = arith.remsi %add3A_392, %select_n3A_397 : i32
        %ne3A_399 = arith.constant 0 : i32
        %ne3A_400 = arith.cmpi ne, %rem3A_398, %ne3A_399 : i32
        %lt3A_401 = arith.constant 0 : i32
        %lt3A_402 = arith.cmpi slt, %rem3A_398, %lt3A_401 : i32
        %lt3A_403 = arith.constant 0 : i32
        %lt3A_404 = arith.cmpi slt, %select_n3A_397, %lt3A_403 : i32
        %ne3A_405 = arith.xori %lt3A_402, %lt3A_404 : i1
        %and3A_406 = arith.andi %ne3A_405, %ne3A_400 : i1
        %add3A_407 = arith.addi %rem3A_398, %select_n3A_397 : i32
        %select_n3A_408 = arith.select %and3A_406, %add3A_407, %rem3A_398 : i32
        %dma_wait3A_409 = arith.constant 0 : i32
        %dma_wait3A_410 = arith.constant 0 : i32
        %dma_wait3A_411 = tpu.memref_slice %arg8[%select_n3A_408, %dma_wait3A_409, %dma_wait3A_410] : memref<3x5x80xi32, #tpu.memory_space<vmem>> -> memref<1x5x80xi32, #tpu.memory_space<vmem>>
        %dma_wait3A_412 = tpu.memref_squeeze %dma_wait3A_411 : memref<1x5x80xi32, #tpu.memory_space<vmem>> -> memref<5x80xi32, #tpu.memory_space<vmem>>
        %dma_wait3A_413 = arith.constant 0 : i32
        %dma_wait3A_414 = arith.constant 0 : i32
        %dma_wait3A_415 = tpu.memref_slice %arg4[%arg0, %arg1, %add3A_390, %dma_wait3A_413, %dma_wait3A_414] : memref<2x16x25x5x80xi32, #tpu.memory_space<hbm>> -> memref<1x1x1x5x80xi32, #tpu.memory_space<hbm>>
        %dma_wait3A_416 = tpu.memref_squeeze %dma_wait3A_415 : memref<1x1x1x5x80xi32, #tpu.memory_space<hbm>> -> memref<5x80xi32, #tpu.memory_space<hbm>>
        %dma_wait3A_417 = arith.constant 0 : i32
        %dma_wait3A_418 = arith.constant 0 : i32
        %dma_wait3A_419 = tpu.memref_slice %arg8[%select_n3A_408, %dma_wait3A_417, %dma_wait3A_418] : memref<3x5x80xi32, #tpu.memory_space<vmem>> -> memref<1x5x80xi32, #tpu.memory_space<vmem>>
        %dma_wait3A_420 = tpu.memref_squeeze %dma_wait3A_419 : memref<1x5x80xi32, #tpu.memory_space<vmem>> -> memref<5x80xi32, #tpu.memory_space<vmem>>
        %dma_wait3A_421 = arith.constant 0 : i32
        %dma_wait3A_422 = arith.constant 0 : i32
        %dma_wait3A_423 = tpu.memref_slice %arg4[%arg0, %arg1, %add3A_390, %dma_wait3A_421, %dma_wait3A_422] : memref<2x16x25x5x80xi32, #tpu.memory_space<hbm>> -> memref<1x1x1x5x80xi32, #tpu.memory_space<hbm>>
        %dma_wait3A_424 = tpu.memref_squeeze %dma_wait3A_423 : memref<1x1x1x5x80xi32, #tpu.memory_space<hbm>> -> memref<5x80xi32, #tpu.memory_space<hbm>>
        tpu.wait_dma2 semaphore(%arg12 : memref<!tpu.dma_semaphore, #tpu.memory_space<semaphore_mem>>) src(%dma_wait3A_424 : memref<5x80xi32, #tpu.memory_space<hbm>>) dst(%dma_wait3A_420 : memref<5x80xi32, #tpu.memory_space<vmem>>)
      } else {
      }
      %lt3A_348 = arith.constant 125 : i32
      %lt3A_349 = arith.cmpi slt, %add3A_233, %lt3A_348 : i32
      %convert_element_type3A_350 = arith.extui %lt3A_349 : i1 to i32
      %cond3A_351 = arith.constant 0 : i32
      %cond3A_352 = arith.cmpi ne, %convert_element_type3A_350, %cond3A_351 : i32
      scf.if %cond3A_352 {
        %dma_start3A_353 = arith.constant 0 : i32
        %dma_start3A_354 = arith.constant 0 : i32
        %dma_start3A_355 = tpu.memref_slice %arg9[%select_n3A_305, %dma_start3A_353, %dma_start3A_354] : memref<4x80x128xf32, #tpu.memory_space<vmem>> -> memref<1x80x128xf32, #tpu.memory_space<vmem>>
        %dma_start3A_356 = tpu.memref_squeeze %dma_start3A_355 : memref<1x80x128xf32, #tpu.memory_space<vmem>> -> memref<80x128xf32, #tpu.memory_space<vmem>>
        %dma_start3A_357 = arith.constant 0 : i32
        %dma_start3A_358 = tpu.memref_slice %arg7[%select_n3A_273, %select_n3A_289, %dma_start3A_357] : memref<3x5x80xi32, #tpu.memory_space<vmem>> -> memref<1x1x80xi32, #tpu.memory_space<vmem>>
        %dma_start3A_359 = tpu.memref_squeeze %dma_start3A_358 : memref<1x1x80xi32, #tpu.memory_space<vmem>> -> memref<80xi32, #tpu.memory_space<vmem>>
        %dma_start3A_360 = arith.constant 0 : i32
        %dma_start3A_361 = arith.constant 0 : i32
        %dma_start3A_362 = tpu.memref_slice %arg2[%dma_start3A_360, %dma_start3A_361] : memref<10240x128xf32, #tpu.memory_space<hbm>> -> memref<10240x128xf32, #tpu.memory_space<hbm>>
        tpu.enqueue_indirect_dma source(%dma_start3A_362 : memref<10240x128xf32, #tpu.memory_space<hbm>>) target(%dma_start3A_356 : memref<80x128xf32, #tpu.memory_space<vmem>>) offsets(%dma_start3A_359 : memref<80xi32, #tpu.memory_space<vmem>>) semaphore(%arg10 : memref<!tpu.dma_semaphore, #tpu.memory_space<semaphore_mem>>)
      } else {
      }
    }
    %scan3A_82 = arith.constant 125 : i32
    %dma_wait3A = arith.constant 0 : i32
    %dma_wait3A_83 = arith.constant 0 : i32
    %dma_wait3A_84 = arith.constant 4 : i32
    %dma_wait3A_85 = arith.constant 0 : i32
    %dma_wait3A_86 = arith.constant 0 : i32
    %dma_wait3A_87 = tpu.memref_slice %arg9[%dma_wait3A, %dma_wait3A_85, %dma_wait3A_86] : memref<4x80x128xf32, #tpu.memory_space<vmem>> -> memref<1x80x128xf32, #tpu.memory_space<vmem>>
    %dma_wait3A_88 = tpu.memref_squeeze %dma_wait3A_87 : memref<1x80x128xf32, #tpu.memory_space<vmem>> -> memref<80x128xf32, #tpu.memory_space<vmem>>
    %dma_wait3A_89 = arith.constant 0 : i32
    %dma_wait3A_90 = tpu.memref_slice %arg8[%dma_wait3A_83, %dma_wait3A_84, %dma_wait3A_89] : memref<3x5x80xi32, #tpu.memory_space<vmem>> -> memref<1x1x80xi32, #tpu.memory_space<vmem>>
    %dma_wait3A_91 = tpu.memref_squeeze %dma_wait3A_90 : memref<1x1x80xi32, #tpu.memory_space<vmem>> -> memref<80xi32, #tpu.memory_space<vmem>>
    %dma_wait3A_92 = arith.constant 0 : i32
    %dma_wait3A_93 = arith.constant 0 : i32
    %dma_wait3A_94 = tpu.memref_slice %arg6[%dma_wait3A_92, %dma_wait3A_93] : memref<10240x128xf32, #tpu.memory_space<vmem_shared>> -> memref<10240x128xf32, #tpu.memory_space<vmem_shared>>
    tpu.wait_indirect_dma semaphore(%arg11 : memref<!tpu.dma_semaphore, #tpu.memory_space<semaphore_mem>>) src(%dma_wait3A_88 : memref<80x128xf32, #tpu.memory_space<vmem>>) dst(%dma_wait3A_94 : memref<10240x128xf32, #tpu.memory_space<vmem_shared>>)
    %barrier3A_95 = arith.constant 0 : index
    tpu.barrier barrier_id(%barrier3A_95)
    "tpu.region"() ({
      %run_scoped3A_96 = tpu.sem_alloc : memref<!tpu.dma_semaphore, #tpu.memory_space<semaphore_mem>>
      %dma_start3A_97 = arith.constant 0 : i32
      %dma_start3A_98 = tpu.memref_slice %arg5[%arg0, %mul3A_0, %dma_start3A_97] : memref<2x10240x128xf32, #tpu.memory_space<hbm>> -> memref<1x640x128xf32, #tpu.memory_space<hbm>>
      %dma_start3A_99 = tpu.memref_squeeze %dma_start3A_98 : memref<1x640x128xf32, #tpu.memory_space<hbm>> -> memref<640x128xf32, #tpu.memory_space<hbm>>
      %dma_start3A_100 = arith.constant 0 : i32
      %dma_start3A_101 = tpu.memref_slice %arg6[%mul3A_0, %dma_start3A_100] : memref<10240x128xf32, #tpu.memory_space<vmem_shared>> -> memref<640x128xf32, #tpu.memory_space<vmem_shared>>
      tpu.enqueue_dma source(%dma_start3A_101 : memref<640x128xf32, #tpu.memory_space<vmem_shared>>) target(%dma_start3A_99 : memref<640x128xf32, #tpu.memory_space<hbm>>) target_semaphore(%run_scoped3A_96 : memref<!tpu.dma_semaphore, #tpu.memory_space<semaphore_mem>>)
      %dma_wait3A_102 = arith.constant 0 : i32
      %dma_wait3A_103 = tpu.memref_slice %arg5[%arg0, %mul3A_0, %dma_wait3A_102] : memref<2x10240x128xf32, #tpu.memory_space<hbm>> -> memref<1x640x128xf32, #tpu.memory_space<hbm>>
      %dma_wait3A_104 = tpu.memref_squeeze %dma_wait3A_103 : memref<1x640x128xf32, #tpu.memory_space<hbm>> -> memref<640x128xf32, #tpu.memory_space<hbm>>
      %dma_wait3A_105 = arith.constant 0 : i32
      %dma_wait3A_106 = tpu.memref_slice %arg6[%mul3A_0, %dma_wait3A_105] : memref<10240x128xf32, #tpu.memory_space<vmem_shared>> -> memref<640x128xf32, #tpu.memory_space<vmem_shared>>
      tpu.wait_dma2 semaphore(%run_scoped3A_96 : memref<!tpu.dma_semaphore, #tpu.memory_space<semaphore_mem>>) src(%dma_wait3A_106 : memref<640x128xf32, #tpu.memory_space<vmem_shared>>) dst(%dma_wait3A_104 : memref<640x128xf32, #tpu.memory_space<hbm>>)
      tpu.yield
    }) : () -> ()
    return
  }
}

module attributes {stable_mosaic.version = 14 : i64} {
  func.func @_tc1_body(%arg0: memref<10000x128xf32, #tpu.memory_space<vmem>>, %arg1: memref<128x128xf32, #tpu.memory_space<vmem>>, %arg2: memref<2x10240xf32, #tpu.memory_space<vmem>>, %arg3: memref<10240x128xf32, #tpu.memory_space<vmem>>) attributes {dimension_semantics = [], scalar_prefetch = 0 : i64, scratch_operands = 0 : i64, tpu.core_type = #tpu.core_type<tc>} {
    %get3A = arith.constant 0 : index
    %get3A_0 = arith.constant 0 : index
    %get3A_1 = vector.load %arg0[%get3A, %get3A_0] : memref<10000x128xf32, #tpu.memory_space<vmem>>, vector<10000x128xf32>
    %get3A_2 = arith.constant 0 : index
    %get3A_3 = arith.constant 0 : index
    %get3A_4 = vector.load %arg1[%get3A_2, %get3A_3] : memref<128x128xf32, #tpu.memory_space<vmem>>, vector<128x128xf32>
    %dot_general3A = arith.constant dense<0.000000e+00> : vector<10000x128xf32>
    %dot_general3A_5 = tpu.matmul %get3A_1, %get3A_4, %dot_general3A {dimension_numbers = #tpu.dot_dimension_numbers<[1], [0], [0], [1], [0, 0, 1, 1], [], []>, transpose_lhs_hint = false} : vector<10000x128xf32>, vector<128x128xf32>, vector<10000x128xf32> -> vector<10000x128xf32>
    %get3A_6 = arith.constant 0 : index
    %get3A_7 = arith.constant 0 : index
    %get3A_8 = vector.load %arg2[%get3A_6, %get3A_7] : memref<2x10240xf32, #tpu.memory_space<vmem>>, vector<2x10240xf32>
    %slice3A = vector.extract_strided_slice %get3A_8 {offsets = [0, 0], sizes = [1, 10240], strides = [1, 1]} : vector<2x10240xf32> to vector<1x10240xf32>
    %slice3A_9 = vector.extract_strided_slice %get3A_8 {offsets = [1, 0], sizes = [1, 10240], strides = [1, 1]} : vector<2x10240xf32> to vector<1x10240xf32>
    %add3A = arith.addf %slice3A, %slice3A_9 : vector<1x10240xf32>
    %add3A_10 = arith.constant 1.000000e+00 : f32
    %add3A_11 = vector.broadcast %add3A_10 : f32 to vector<1x10240xf32>
    %add3A_12 = arith.addf %add3A, %add3A_11 : vector<1x10240xf32>
    %rsqrt3A = math.rsqrt %add3A_12 : vector<1x10240xf32>
    %transpose3A = tpu.transpose %rsqrt3A, [1, 0] : vector<1x10240xf32> -> vector<10240x1xf32>
    %slice3A_13 = vector.extract_strided_slice %transpose3A {offsets = [0, 0], sizes = [10000, 1], strides = [1, 1]} : vector<10240x1xf32> to vector<10000x1xf32>
    %mul3A = vector.broadcast %slice3A_13 : vector<10000x1xf32> to vector<10000x128xf32>
    %mul3A_14 = arith.mulf %dot_general3A_5, %mul3A : vector<10000x128xf32>
    %swap3A = arith.constant 0 : index
    %swap3A_15 = arith.constant 0 : index
    %swap3A_16 = vector.load %arg3[%swap3A, %swap3A_15] : memref<10240x128xf32, #tpu.memory_space<vmem>>, vector<10000x128xf32>
    tpu.vector_store %arg3[%swap3A, %swap3A_15], %mul3A_14 {strides = array<i32>} : memref<10240x128xf32, #tpu.memory_space<vmem>>, vector<10000x128xf32>,
    %broadcast_in_dim3A = arith.constant 0.000000e+00 : f32
    %broadcast_in_dim3A_17 = vector.broadcast %broadcast_in_dim3A : f32 to vector<240x128xf32>
    %swap3A_18 = arith.constant 10000 : index
    %swap3A_19 = arith.constant 0 : index
    %swap3A_20 = vector.load %arg3[%swap3A_18, %swap3A_19] : memref<10240x128xf32, #tpu.memory_space<vmem>>, vector<240x128xf32>
    tpu.vector_store %arg3[%swap3A_18, %swap3A_19], %broadcast_in_dim3A_17 {strides = array<i32>} : memref<10240x128xf32, #tpu.memory_space<vmem>>, vector<240x128xf32>,
    return
  }
}

module attributes {stable_mosaic.version = 14 : i64} {
  func.func @_tc_mid_body(%arg0: memref<2x10240x128xf32, #tpu.memory_space<vmem>>, %arg1: memref<10240x128xf32, #tpu.memory_space<vmem>>, %arg2: memref<2x10240xf32, #tpu.memory_space<vmem>>, %arg3: memref<128xf32, #tpu.memory_space<vmem>>, %arg4: memref<128xf32, #tpu.memory_space<vmem>>, %arg5: memref<128xf32, #tpu.memory_space<vmem>>, %arg6: memref<128x128xf32, #tpu.memory_space<vmem>>, %arg7: memref<10240x128xf32, #tpu.memory_space<vmem>>) attributes {dimension_semantics = [], scalar_prefetch = 0 : i64, scratch_operands = 0 : i64, tpu.core_type = #tpu.core_type<tc>} {
    %get3A = arith.constant 0 : index
    %get3A_0 = arith.constant 0 : index
    %get3A_1 = vector.load %arg2[%get3A, %get3A_0] : memref<2x10240xf32, #tpu.memory_space<vmem>>, vector<2x10240xf32>
    %slice3A = vector.extract_strided_slice %get3A_1 {offsets = [0, 0], sizes = [1, 10240], strides = [1, 1]} : vector<2x10240xf32> to vector<1x10240xf32>
    %slice3A_2 = vector.extract_strided_slice %get3A_1 {offsets = [1, 0], sizes = [1, 10240], strides = [1, 1]} : vector<2x10240xf32> to vector<1x10240xf32>
    %add3A = arith.addf %slice3A, %slice3A_2 : vector<1x10240xf32>
    %add3A_3 = arith.constant 1.000000e+00 : f32
    %add3A_4 = vector.broadcast %add3A_3 : f32 to vector<1x10240xf32>
    %add3A_5 = arith.addf %add3A, %add3A_4 : vector<1x10240xf32>
    %rsqrt3A = math.rsqrt %add3A_5 : vector<1x10240xf32>
    %transpose3A = tpu.transpose %rsqrt3A, [1, 0] : vector<1x10240xf32> -> vector<10240x1xf32>
    %get3A_6 = arith.constant 0 : index
    %get3A_7 = arith.constant 0 : index
    %get3A_8 = arith.constant 0 : index
    %get3A_9 = vector.load %arg0[%get3A_6, %get3A_7, %get3A_8] : memref<2x10240x128xf32, #tpu.memory_space<vmem>>, vector<1x10240x128xf32>
    %get3A_10 = vector.shape_cast %get3A_9 : vector<1x10240x128xf32> to vector<10240x128xf32>
    %get3A_11 = arith.constant 1 : index
    %get3A_12 = arith.constant 0 : index
    %get3A_13 = arith.constant 0 : index
    %get3A_14 = vector.load %arg0[%get3A_11, %get3A_12, %get3A_13] : memref<2x10240x128xf32, #tpu.memory_space<vmem>>, vector<1x10240x128xf32>
    %get3A_15 = vector.shape_cast %get3A_14 : vector<1x10240x128xf32> to vector<10240x128xf32>
    %add3A_16 = arith.addf %get3A_10, %get3A_15 : vector<10240x128xf32>
    %get3A_17 = arith.constant 0 : index
    %get3A_18 = arith.constant 0 : index
    %get3A_19 = vector.load %arg1[%get3A_17, %get3A_18] : memref<10240x128xf32, #tpu.memory_space<vmem>>, vector<10240x128xf32>
    %sub3A = arith.subf %add3A_16, %get3A_19 : vector<10240x128xf32>
    %mul3A = vector.broadcast %transpose3A : vector<10240x1xf32> to vector<10240x128xf32>
    %mul3A_20 = arith.mulf %sub3A, %mul3A : vector<10240x128xf32>
    %get3A_21 = arith.constant 0 : index
    %get3A_22 = vector.load %arg3[%get3A_21] : memref<128xf32, #tpu.memory_space<vmem>>, vector<128xf32>
    %broadcast_in_dim3A = vector.shape_cast %get3A_22 : vector<128xf32> to vector<1x128xf32>
    %add3A_23 = vector.broadcast %broadcast_in_dim3A : vector<1x128xf32> to vector<10240x128xf32>
    %add3A_24 = arith.addf %mul3A_20, %add3A_23 : vector<10240x128xf32>
    %iota3A = tpu.iota {dimensions = array<i32: 0>} : vector<10240x1xi32>
    %lt3A = arith.constant 10000 : i32
    %lt3A_25 = vector.broadcast %lt3A : i32 to vector<10240x1xi32>
    %lt3A_26 = arith.cmpi slt, %iota3A, %lt3A_25 : vector<10240x1xi32>
    %convert_element_type3A = arith.extui %lt3A_26 : vector<10240x1xi1> to vector<10240x1xi32>
    %convert_element_type3A_27 = arith.sitofp %convert_element_type3A : vector<10240x1xi32> to vector<10240x1xf32>
    %mul3A_28 = vector.broadcast %convert_element_type3A_27 : vector<10240x1xf32> to vector<10240x128xf32>
    %mul3A_29 = arith.mulf %add3A_24, %mul3A_28 : vector<10240x128xf32>
    %reduce_sum3A = arith.constant dense<0.000000e+00> : vector<128xf32>
    %reduce_sum3A_30 = vector.multi_reduction <add>, %mul3A_29, %reduce_sum3A [0] : vector<10240x128xf32> to vector<128xf32>
    %broadcast_in_dim3A_31 = vector.shape_cast %reduce_sum3A_30 : vector<128xf32> to vector<1x128xf32>
    %div3A = arith.constant 1.000000e+04 : f32
    %div3A_32 = vector.broadcast %div3A : f32 to vector<1x128xf32>
    %div3A_33 = arith.divf %broadcast_in_dim3A_31, %div3A_32 : vector<1x128xf32>
    %mul3A_34 = arith.mulf %mul3A_29, %add3A_24 : vector<10240x128xf32>
    %reduce_sum3A_35 = arith.constant dense<0.000000e+00> : vector<128xf32>
    %reduce_sum3A_36 = vector.multi_reduction <add>, %mul3A_34, %reduce_sum3A_35 [0] : vector<10240x128xf32> to vector<128xf32>
    %broadcast_in_dim3A_37 = vector.shape_cast %reduce_sum3A_36 : vector<128xf32> to vector<1x128xf32>
    %div3A_38 = arith.constant 1.000000e+04 : f32
    %div3A_39 = vector.broadcast %div3A_38 : f32 to vector<1x128xf32>
    %div3A_40 = arith.divf %broadcast_in_dim3A_37, %div3A_39 : vector<1x128xf32>
    %mul3A_41 = arith.mulf %div3A_33, %div3A_33 : vector<1x128xf32>
    %sub3A_42 = arith.subf %div3A_40, %mul3A_41 : vector<1x128xf32>
    %add3A_43 = arith.constant 9.99999974E-6 : f32
    %add3A_44 = vector.broadcast %add3A_43 : f32 to vector<1x128xf32>
    %add3A_45 = arith.addf %sub3A_42, %add3A_44 : vector<1x128xf32>
    %rsqrt3A_46 = math.rsqrt %add3A_45 : vector<1x128xf32>
    %sub3A_47 = vector.broadcast %div3A_33 : vector<1x128xf32> to vector<10240x128xf32>
    %sub3A_48 = arith.subf %add3A_24, %sub3A_47 : vector<10240x128xf32>
    %mul3A_49 = vector.broadcast %rsqrt3A_46 : vector<1x128xf32> to vector<10240x128xf32>
    %mul3A_50 = arith.mulf %sub3A_48, %mul3A_49 : vector<10240x128xf32>
    %get3A_51 = arith.constant 0 : index
    %get3A_52 = vector.load %arg4[%get3A_51] : memref<128xf32, #tpu.memory_space<vmem>>, vector<128xf32>
    %broadcast_in_dim3A_53 = vector.shape_cast %get3A_52 : vector<128xf32> to vector<1x128xf32>
    %mul3A_54 = vector.broadcast %broadcast_in_dim3A_53 : vector<1x128xf32> to vector<10240x128xf32>
    %mul3A_55 = arith.mulf %mul3A_50, %mul3A_54 : vector<10240x128xf32>
    %get3A_56 = arith.constant 0 : index
    %get3A_57 = vector.load %arg5[%get3A_56] : memref<128xf32, #tpu.memory_space<vmem>>, vector<128xf32>
    %broadcast_in_dim3A_58 = vector.shape_cast %get3A_57 : vector<128xf32> to vector<1x128xf32>
    %add3A_59 = vector.broadcast %broadcast_in_dim3A_58 : vector<1x128xf32> to vector<10240x128xf32>
    %add3A_60 = arith.addf %mul3A_55, %add3A_59 : vector<10240x128xf32>
    %max3A = arith.constant 0.000000e+00 : f32
    %max3A_61 = vector.broadcast %max3A : f32 to vector<10240x128xf32>
    %max3A_62 = arith.maximumf %add3A_60, %max3A_61 : vector<10240x128xf32>
    %get3A_63 = arith.constant 0 : index
    %get3A_64 = arith.constant 0 : index
    %get3A_65 = vector.load %arg6[%get3A_63, %get3A_64] : memref<128x128xf32, #tpu.memory_space<vmem>>, vector<128x128xf32>
    %dot_general3A = arith.constant dense<0.000000e+00> : vector<10240x128xf32>
    %dot_general3A_66 = tpu.matmul %max3A_62, %get3A_65, %dot_general3A {dimension_numbers = #tpu.dot_dimension_numbers<[1], [0], [0], [1], [0, 0, 1, 1], [], []>, transpose_lhs_hint = false} : vector<10240x128xf32>, vector<128x128xf32>, vector<10240x128xf32> -> vector<10240x128xf32>
    %mul3A_67 = vector.broadcast %transpose3A : vector<10240x1xf32> to vector<10240x128xf32>
    %mul3A_68 = arith.mulf %dot_general3A_66, %mul3A_67 : vector<10240x128xf32>
    %swap3A = arith.constant 0 : index
    %swap3A_69 = arith.constant 0 : index
    %swap3A_70 = vector.load %arg7[%swap3A, %swap3A_69] : memref<10240x128xf32, #tpu.memory_space<vmem>>, vector<10240x128xf32>
    tpu.vector_store %arg7[%swap3A, %swap3A_69], %mul3A_68 {strides = array<i32>} : memref<10240x128xf32, #tpu.memory_space<vmem>>, vector<10240x128xf32>,
    return
  }
}

module attributes {stable_mosaic.version = 14 : i64} {
  func.func @_tc4_body(%arg0: memref<2x10240x128xf32, #tpu.memory_space<vmem>>, %arg1: memref<10240x128xf32, #tpu.memory_space<vmem>>, %arg2: memref<2x10240xf32, #tpu.memory_space<vmem>>, %arg3: memref<128xf32, #tpu.memory_space<vmem>>, %arg4: memref<1x10000xi32, #tpu.memory_space<vmem>>, %arg5: memref<128x128xf32, #tpu.memory_space<vmem>>, %arg6: memref<128xf32, #tpu.memory_space<vmem>>, %arg7: memref<64x128xf32, #tpu.memory_space<vmem>>) attributes {dimension_semantics = [], scalar_prefetch = 0 : i64, scratch_operands = 0 : i64, tpu.core_type = #tpu.core_type<tc>} {
    %get3A = arith.constant 0 : index
    %get3A_0 = arith.constant 0 : index
    %get3A_1 = arith.constant 0 : index
    %get3A_2 = vector.load %arg0[%get3A, %get3A_0, %get3A_1] : memref<2x10240x128xf32, #tpu.memory_space<vmem>>, vector<1x10240x128xf32>
    %get3A_3 = vector.shape_cast %get3A_2 : vector<1x10240x128xf32> to vector<10240x128xf32>
    %get3A_4 = arith.constant 1 : index
    %get3A_5 = arith.constant 0 : index
    %get3A_6 = arith.constant 0 : index
    %get3A_7 = vector.load %arg0[%get3A_4, %get3A_5, %get3A_6] : memref<2x10240x128xf32, #tpu.memory_space<vmem>>, vector<1x10240x128xf32>
    %get3A_8 = vector.shape_cast %get3A_7 : vector<1x10240x128xf32> to vector<10240x128xf32>
    %add3A = arith.addf %get3A_3, %get3A_8 : vector<10240x128xf32>
    %get3A_9 = arith.constant 0 : index
    %get3A_10 = arith.constant 0 : index
    %get3A_11 = vector.load %arg1[%get3A_9, %get3A_10] : memref<10240x128xf32, #tpu.memory_space<vmem>>, vector<10240x128xf32>
    %sub3A = arith.subf %add3A, %get3A_11 : vector<10240x128xf32>
    %get3A_12 = arith.constant 0 : index
    %get3A_13 = arith.constant 0 : index
    %get3A_14 = vector.load %arg2[%get3A_12, %get3A_13] : memref<2x10240xf32, #tpu.memory_space<vmem>>, vector<2x10240xf32>
    %slice3A = vector.extract_strided_slice %get3A_14 {offsets = [0, 0], sizes = [1, 10240], strides = [1, 1]} : vector<2x10240xf32> to vector<1x10240xf32>
    %slice3A_15 = vector.extract_strided_slice %get3A_14 {offsets = [1, 0], sizes = [1, 10240], strides = [1, 1]} : vector<2x10240xf32> to vector<1x10240xf32>
    %add3A_16 = arith.addf %slice3A, %slice3A_15 : vector<1x10240xf32>
    %add3A_17 = arith.constant 1.000000e+00 : f32
    %add3A_18 = vector.broadcast %add3A_17 : f32 to vector<1x10240xf32>
    %add3A_19 = arith.addf %add3A_16, %add3A_18 : vector<1x10240xf32>
    %rsqrt3A = math.rsqrt %add3A_19 : vector<1x10240xf32>
    %transpose3A = tpu.transpose %rsqrt3A, [1, 0] : vector<1x10240xf32> -> vector<10240x1xf32>
    %mul3A = vector.broadcast %transpose3A : vector<10240x1xf32> to vector<10240x128xf32>
    %mul3A_20 = arith.mulf %sub3A, %mul3A : vector<10240x128xf32>
    %get3A_21 = arith.constant 0 : index
    %get3A_22 = vector.load %arg3[%get3A_21] : memref<128xf32, #tpu.memory_space<vmem>>, vector<128xf32>
    %broadcast_in_dim3A = vector.shape_cast %get3A_22 : vector<128xf32> to vector<1x128xf32>
    %add3A_23 = vector.broadcast %broadcast_in_dim3A : vector<1x128xf32> to vector<10240x128xf32>
    %add3A_24 = arith.addf %mul3A_20, %add3A_23 : vector<10240x128xf32>
    %get3A_25 = arith.constant 0 : index
    %get3A_26 = arith.constant 0 : index
    %get3A_27 = vector.load %arg4[%get3A_25, %get3A_26] : memref<1x10000xi32, #tpu.memory_space<vmem>>, vector<1x10000xi32>
    %transpose3A_28 = tpu.transpose %get3A_27, [1, 0] : vector<1x10000xi32> -> vector<10000x1xi32>
    %iota3A = tpu.iota {dimensions = array<i32: 1>} : vector<10000x64xi32>
    %eq3A = vector.broadcast %transpose3A_28 : vector<10000x1xi32> to vector<10000x64xi32>
    %eq3A_29 = arith.cmpi eq, %eq3A, %iota3A : vector<10000x64xi32>
    %convert_element_type3A = arith.extui %eq3A_29 : vector<10000x64xi1> to vector<10000x64xi32>
    %convert_element_type3A_30 = arith.sitofp %convert_element_type3A : vector<10000x64xi32> to vector<10000x64xf32>
    %slice3A_31 = vector.extract_strided_slice %add3A_24 {offsets = [0, 0], sizes = [10000, 128], strides = [1, 1]} : vector<10240x128xf32> to vector<10000x128xf32>
    %dot_general3A = arith.constant dense<0.000000e+00> : vector<64x128xf32>
    %dot_general3A_32 = tpu.matmul %convert_element_type3A_30, %slice3A_31, %dot_general3A {dimension_numbers = #tpu.dot_dimension_numbers<[0], [0], [1], [1], [0, 1, 1, 1], [], []>, transpose_lhs_hint = false} : vector<10000x64xf32>, vector<10000x128xf32>, vector<64x128xf32> -> vector<64x128xf32>
    %broadcast_in_dim3A_33 = arith.constant 1.000000e+00 : f32
    %broadcast_in_dim3A_34 = vector.broadcast %broadcast_in_dim3A_33 : f32 to vector<10000x1xf32>
    %dot_general3A_35 = arith.constant dense<0.000000e+00> : vector<64x1xf32>
    %dot_general3A_36 = tpu.matmul %convert_element_type3A_30, %broadcast_in_dim3A_34, %dot_general3A_35 {dimension_numbers = #tpu.dot_dimension_numbers<[0], [0], [1], [1], [0, 1, 1, 1], [], []>, transpose_lhs_hint = false} : vector<10000x64xf32>, vector<10000x1xf32>, vector<64x1xf32> -> vector<64x1xf32>
    %max3A = arith.constant 1.000000e+00 : f32
    %max3A_37 = vector.broadcast %max3A : f32 to vector<64x1xf32>
    %max3A_38 = arith.maximumf %dot_general3A_36, %max3A_37 : vector<64x1xf32>
    %div3A = vector.broadcast %max3A_38 : vector<64x1xf32> to vector<64x128xf32>
    %div3A_39 = arith.divf %dot_general3A_32, %div3A : vector<64x128xf32>
    %get3A_40 = arith.constant 0 : index
    %get3A_41 = arith.constant 0 : index
    %get3A_42 = vector.load %arg5[%get3A_40, %get3A_41] : memref<128x128xf32, #tpu.memory_space<vmem>>, vector<128x128xf32>
    %dot_general3A_43 = arith.constant dense<0.000000e+00> : vector<64x128xf32>
    %dot_general3A_44 = tpu.matmul %div3A_39, %get3A_42, %dot_general3A_43 {dimension_numbers = #tpu.dot_dimension_numbers<[1], [0], [0], [1], [0, 0, 1, 1], [], []>, transpose_lhs_hint = false} : vector<64x128xf32>, vector<128x128xf32>, vector<64x128xf32> -> vector<64x128xf32>
    %get3A_45 = arith.constant 0 : index
    %get3A_46 = vector.load %arg6[%get3A_45] : memref<128xf32, #tpu.memory_space<vmem>>, vector<128xf32>
    %broadcast_in_dim3A_47 = vector.shape_cast %get3A_46 : vector<128xf32> to vector<1x128xf32>
    %add3A_48 = vector.broadcast %broadcast_in_dim3A_47 : vector<1x128xf32> to vector<64x128xf32>
    %add3A_49 = arith.addf %dot_general3A_44, %add3A_48 : vector<64x128xf32>
    %swap3A = arith.constant 0 : index
    %swap3A_50 = arith.constant 0 : index
    %swap3A_51 = vector.load %arg7[%swap3A, %swap3A_50] : memref<64x128xf32, #tpu.memory_space<vmem>>, vector<64x128xf32>
    tpu.vector_store %arg7[%swap3A, %swap3A_50], %add3A_49 {strides = array<i32>} : memref<64x128xf32, #tpu.memory_space<vmem>>, vector<64x128xf32>,
    return
  }
}

</mosaic_0001>

<sc_bundles>
// kernel: kernel.11.cloned.1.call-start
scs
__scs_entry_jumppad:
0x0: {  	(pc) =	sbr.rel $0x88, $3  }
0x1: {  	(tag) =	ssettag $0x0;
	lr =	simm.s32 $0x1  }
0x2: {  	[smem:$0x3F96] =	sst lr;
	_ =	strace $0xD0000000  }
0x3: {  	_ = 	snop  }
0x4: {  	_ = 	snop  }
0x5: {  	_ = 	snop  }
0x6: {  	_ = 	snop  }
0x7: {  	_ = 	snop  }
__scs_overlays_trampoline_lowered:
0x8: {  	[smem:$0x3FA5] =	sst s0  }
0x9: {  	[smem:$0x3FA6] =	sst s1  }
0xa: {  	[smem:$0x3FA7] =	sst s2  }
0xb: {  	[smem:$0x3FA8] =	sst s3  }
0xc: {  	[smem:$0x3FA9] =	sst s4  }
0xd: {  	[smem:$0x3FAA] =	sst s5  }
0xe: {  	[smem:$0x3FAB] =	sst s6  }
0xf: {  	[smem:$0x3FAC] =	sst s7  }
0x10: {  	[smem:$0x3FAD] =	sst s8  }
0x11: {  	[smem:$0x3FAE] =	sst s9;
	s0 =	simm.s32 @!p0 $0x0  }
0x12: {  	s1 =	sld [smem:$0x3F94];
	s0 =	simm.s32 @p0 $0x1  }
0x13: {  	[smem:$0x3FAF] =	sst s0;
	s0 =	simm.s32 @!p1 $0x0  }
0x14: {  	s2 =	sld [smem:$0x3F93];
	s0 =	simm.s32 @p1 $0x1  }
0x15: {  	[smem:$0x3FB0] =	sst s0;
	s0 =	simm.s32 @!p2 $0x0  }
0x16: {  	s3 =	sld [smem:$0x3FDB];
	s0 =	simm.s32 @p2 $0x1  }
0x17: {  	s4 =	simm.s32 $0x1BF5;
	[smem:$0x3FB2] =	sst s0  }
0x18: {  	s0 =	sld [smem:$0x3F95];
	_ =	swait.ge [sflag:s4], $0x0  }
0x19: {  	s7 =	sld [smem:$0x3F96]  }
0x1a: {  	s8 =	sadd.s32 $0xFFFFE003, lr  }
0x1b: {  	s9 =	sadd.s32 $0xFFFFFEF7, lr;
	s5 =	simm.s32 $0xFFFFFFFF;
	p2 =	slt.u32 s8, $0xFFFFF086  }
0x1c: {  	p1 =	slt.u32 s9, $0xF7A;
	s5 =	simm.s32 @!p2 $0x0  }
0x1d: {  	s5 =	simm.s32 @p1 $0x1;
	p0 =	seq.s32 s7, s2  }
0x1e: {  	s7 =	smul.u32 @!p0 $0xF7A, s2;
	p2 =	seq.s32 @!p0 s5, $0x0  }
0x1f: {  	s9 =	smul.u32 $0xF7A, s1;
	s8 =	simm.s32 @!p0 $0x1BF5;
	p2 =	por !p2, p0  }
0x20: {  	[sflag:s8] =	ssyncset.s32 @!p0 $0xFFFFF086;
	s6 =	sadd.s32 @!p0 s3, s7;
	s7 =	simm.s32 @!p0 $0x108  }
0x21: {  	s3 =	sadd.s32 s3, s9;
	s6 =	sadd.s32 @!p0 $0x88, s6;
	s7 =	simm.s32 @p2 $0x1082  }
0x22: {  	[simem:s7], [sflag:s8] =	dma.local @!p0 [hbm:s6], $0xF7A  }
0x23: {  	s9 =	sor.u32 $0xD0000000, s2;
	s6 =	simm.s32 $0x108;
	_ =	swait.ge @!p0 [sflag:s8], $0x0  }
0x24: {  	s3 =	sadd.s32 $0x88, s3;
	s6 =	simm.s32 @!p1 $0x1082;
	[sflag:s4] =	ssyncset.s32 $0xFFFFF086  }
0x25: {  	[simem:s6], [sflag:s4] =	dma.local [hbm:s3], $0xF7A  }
0x26: {  	[smem:$0x3F96] =	sst s1;
	(tag) =	ssettag s2;
	_ =	strace s9  }
0x27: {  	s1 =	sld [smem:$0x3FA6]  }
0x28: {  	s2 =	sld [smem:$0x3FA7]  }
0x29: {  	s4 =	sld [smem:$0x3FA9]  }
0x2a: {  	p0 =	seq.s32 s5, $0x0;
	s5 =	sld [smem:$0x3FAA]  }
0x2b: {  	s6 =	sld [smem:$0x3FAB]  }
0x2c: {  	s7 =	sld [smem:$0x3FAC]  }
0x2d: {  	s3 =	simm.s32 $0x108;
	s8 =	sld [smem:$0x3FAD]  }
0x2e: {  	s3 =	simm.s32 @!p0 $0x1082;
	s9 =	sld [smem:$0x3FAE]  }
0x2f: {  	lr =	sadd.s32 s0, s3;
	s0 =	sld [smem:$0x3FA5]  }
0x30: {  	s3 =	sld [smem:$0x3FA8]  }
0x31: {  	[smem:$0x3FB1] =	sst s10  }
0x32: {  	s10 =	sld [smem:$0x3FAF];
	_ =	sdelay $0x3  }
0x33: {  	p0 =	seq.s32 s10, $0x1;
	s10 =	sld [smem:$0x3FB1];
	_ =	sdelay $0x3  }
0x34: {  	[smem:$0x3FB1] =	sst s10  }
0x35: {  	s10 =	sld [smem:$0x3FB0];
	_ =	sdelay $0x3  }
0x36: {  	p1 =	seq.s32 s10, $0x1;
	s10 =	sld [smem:$0x3FB1];
	_ =	sdelay $0x3  }
0x37: {  	[smem:$0x3FB1] =	sst s10  }
0x38: {  	s10 =	sld [smem:$0x3FB2]  }
0x39: {  	_ = 	snop;
	(pc) =	sbr.ind lr, $3  }
0x3a: {  	_ = 	snop  }
0x3b: {  	_ = 	snop  }
0x3c: {  	p2 =	seq.s32 s10, $0x1;
	s10 =	sld [smem:$0x3FB1]  }
0x3d: {  	_ =	shalt  }
0x3e: {  	_ =	shalt  }
0x3f: {  	_ =	shalt  }
0x40: {  	_ =	shalt  }
0x41: {  	_ =	shalt  }
0x42: {  	_ =	shalt  }
0x43: {  	_ =	shalt  }
0x44: {  	_ =	shalt  }
0x45: {  	_ =	shalt  }
0x46: {  	_ =	shalt  }
0x47: {  	_ =	shalt  }
0x48: {  	_ =	shalt  }
0x49: {  	_ =	shalt  }
0x4a: {  	_ =	shalt  }
0x4b: {  	_ =	shalt  }
0x4c: {  	_ =	shalt  }
0x4d: {  	_ =	shalt  }
0x4e: {  	_ =	shalt  }
0x4f: {  	_ =	shalt  }
0x50: {  	_ =	shalt  }
0x51: {  	_ =	shalt  }
0x52: {  	_ =	shalt  }
0x53: {  	_ =	shalt  }
0x54: {  	_ =	shalt  }
0x55: {  	_ =	shalt  }
0x56: {  	_ =	shalt  }
0x57: {  	_ =	shalt  }
0x58: {  	_ =	shalt  }
0x59: {  	_ =	shalt  }
0x5a: {  	_ =	shalt  }
0x5b: {  	_ =	shalt  }
0x5c: {  	_ =	shalt  }
0x5d: {  	_ =	shalt  }
0x5e: {  	_ =	shalt  }
0x5f: {  	_ =	shalt  }
0x60: {  	_ =	shalt  }
0x61: {  	_ =	shalt  }
0x62: {  	_ =	shalt  }
0x63: {  	_ =	shalt  }
0x64: {  	_ =	shalt  }
0x65: {  	_ =	shalt  }
0x66: {  	_ =	shalt  }
0x67: {  	_ =	shalt  }
0x68: {  	_ =	shalt  }
0x69: {  	_ =	shalt  }
0x6a: {  	_ =	shalt  }
0x6b: {  	_ =	shalt  }
0x6c: {  	_ =	shalt  }
0x6d: {  	_ =	shalt  }
0x6e: {  	_ =	shalt  }
0x6f: {  	_ =	shalt  }
0x70: {  	_ =	shalt  }
0x71: {  	_ =	shalt  }
0x72: {  	_ =	shalt  }
0x73: {  	_ =	shalt  }
0x74: {  	_ =	shalt  }
0x75: {  	_ =	shalt  }
0x76: {  	_ =	shalt  }
0x77: {  	_ =	shalt  }
0x78: {  	_ =	shalt  }
0x79: {  	_ =	shalt  }
0x7a: {  	_ =	shalt  }
0x7b: {  	_ =	shalt  }
0x7c: {  	_ =	shalt  }
0x7d: {  	_ =	shalt  }
0x7e: {  	_ =	shalt  }
0x7f: {  	_ =	shalt  }
0x80: {  	_ =	shalt  }
0x81: {  	_ =	shalt  }
0x82: {  	_ =	shalt  }
0x83: {  	_ =	shalt  }
0x84: {  	_ =	shalt  }
0x85: {  	_ =	shalt  }
0x86: {  	_ =	shalt  }
0x87: {  	_ =	shalt  }
.Lfunc_end0:
.L_simem_size_0:
called_computation.1_lowered:
.L_overlay_start_0:
0x88: {  	s2 =	sld [smem:$0x3FD9]  }
0x89: {  	s3 =	sld [smem:$0x3FFE];
	_ =	sdelay $0x1  }
0x8a: {  	s1 =	srdreg.scid  }
0x8b: {  	s0 =	sand.u32 $0x1, s1  }
0x8c: {  	s16 =	sshll.u32 s0, $0xA;
	s2 =	sadd.s32 s3, s2  }
0x8d: {  	s2 =	sadd.s32 s2, s16  }
0x8e: {  	[smem:$0x3FBD] =	sst s2  }
0x8f: {  	_ = 	snop  }
0x90: {  	(tm) =	ssettm $0x1  }
0x91: {  	s17 =	sld [smem:$0x3FFB];
	_ =	sdelay $0x3  }
0x92: {  	_ =	strace s17  }
0x93: {  	s2 =	sld [smem:$0x3FFC];
	_ =	sdelay $0x3  }
0x94: {  	_ =	strace s2  }
0x95: {  	s2 =	sld [smem:$0x3FFD];
	_ =	sdelay $0x3  }
0x96: {  	_ =	strace s2  }
0x97: {  	_ =	strace $0x8FFFFFFF  }
0x98: {  	s18 =	sld [smem:$0x3FDB];
	_ =	sdelay $0x1  }
0x99: {  	s19 =	simm.s32 $_scs_section_size  }
0x9a: {  	s4 =	simm.s32 $_size__tile_overlayer_lowered;
	s5 =	simm.s32 $_tile_overlayer_lowered  }
0x9b: {  	s22 =	simm.s32 $0x1BFF;
	s21 =	sshll.u32 s5, $0x1;
	s2 =	sadd.s32 s19, s18  }
0x9c: {  	s6 =	simm.s32 $0x0;
	s20 =	sshll.u32 s4, $0x1;
	s4 =	sadd.s32 s21, s2  }
0x9d: {  	[timem:s6], [sflag:s22] =	dma.local [hbm:s4], s20  }
0x9e: {  	_ =	swait.ge [sflag:s22], s20  }
0x9f: {  	s3 =	ssub.s32 $0x0, s20;
	[sflag:s22] =	ssyncset.done $0x0  }
0xa0: {  	[sflag:s22] =	ssyncadd.s32 s3;
	_ =	sdelay $0x1  }
0xa1: {  	s23 =	simm.s32 $0x1B8B  }
0xa2: {  	_ =	swait.ge [sflag:s23], $0x1  }
0xa3: {  	[sflag:s23] =	ssyncset.done $0x0  }
0xa4: {  	s25 =	simm.s32 $0x1B8E;
	s24 =	sld [smem:$0x3FFE];
	[sflag:s23] =	ssyncadd.s32 $0xFFFFFFFF  }
0xa5: {  	s26 =	simm.s32 $execute0_lowered;
	[smem:$0x3FD2] =	sst s25  }
0xa6: {  	s4 =	sshll.u32 s26, $0x1;
	_ =	strace $0x80000049;
	[dreg:$0x1] =	wrdreg $0xFFFFFFFF  }
0xa7: {  	s28 =	simm.s32 $_size_execute0_lowered;
	s2 =	sadd.s32 s2, s4;
	[dreg:$0x0] =	wrdreg $0x0  }
0xa8: {  	s4 =	sshll.u32 s28, $0x1;
	[dreg:$0x2] =	wrdreg s2  }
0xa9: {  	[dreg:$0x3] =	wrdreg s4  }
0xaa: {  	[dreg:$0x4] =	wrdreg $0xC0  }
0xab: {  	_ =	task [dreg:s6], $0x5FFFF  }
0xac: {  	[dreg:$0x1] =	wrdreg $0xFFFFFFFF  }
0xad: {  	[dreg:$0x0] =	wrdreg $0x60  }
0xae: {  	[dreg:$0x2] =	wrdreg s24  }
0xaf: {  	[dreg:$0x3] =	wrdreg $0x0  }
0xb0: {  	[dreg:$0x4] =	wrdreg $0x9  }
0xb1: {  	_ =	task.clear_ibuf [dreg:s6], $0x5FFFF;
	_ =	strace $0x90000049  }
0xb2: {  	s29 =	simm.s32 $0x9;
	_ =	strace $0x8000004B  }
0xb3: {  	_ =	swait.ge [sflag:s29], $0x1  }
0xb4: {  	[sflag:s29] =	ssyncadd.s32 $0xFFFFFFFF  }
0xb5: {  	_ =	strace $0x9000004B  }
0xb6: {  	_ =	sfence  }
0xb7: {  	s30 =	sld [smem:$0x0];
	_ =	sdelay $0x2  }
0xb8: {  	s31 =	sshll.u32 s1, $0xD;
	s1 =	sshrl.u32 s1, $0x2  }
0xb9: {  	s3 =	sand.u32 $0x4000, s31;
	s1 =	sadd.s32 s1, s30  }
0xba: {  	s0 =	sor.u32 s3, s0;
	s1 =	sshll.u32 s1, $0x11  }
0xbb: {  	s0 =	sor.u32 s1, s0  }
0xbc: {  	s0 =	sadd.s32 $0x8F2B, s0  }
0xbd: {  	[sflag:s0] =	ssyncadd.remote.s32 $0x1  }
0xbe: {  	_ =	sfence.sel $0xFFFF  }
0xbf: {  	[dreg:$0x0] =	wrdreg $0xFFFFFFFF;
	(pc) =	sbr.abs _section_cstart, $3  }
0xc0: {  	[dreg:$0x1] =	wrdreg $0xFFFFFFFF  }
0xc1: {  	_ =	task.clear_ibuf [dreg:s6], $0x2FFFF;
	_ =	strace $0x9FFFFFFF  }
0xc2: {  	(tm) =	ssettm $0x7FFFFFFF  }
0xc3: {  	_ =	shalt  }
tec
execute0_lowered:
.L_overlay_start_1:
0x0: {  	(tag) =	ssettag $0x1  }
0x1: {  	s0 =	rddreg [dreg:$0x0]  }
0x2: {  	s2 =	rddreg [dreg:$0x1];
	s1 =	srdreg.scid  }
0x3: {  	s18 =	stileid.u32;
	s3 =	simm.s32 $0x0;
	s15 =	simm.s32 $0x14000  }
0x4: {  	s16 =	simm.s32 $0x4;
	s22 =	simm.s32 $0x50;
	s28 =	simm.s32 $0x1A800  }
0x5: {  	s29 =	simm.s32 $0x1;
	s30 =	simm.s32 $0x2;
	s12 =	smul.u32 $0x14000, s18  }
0x6: {  	s31 =	simm.s32 $0x3;
	s1 =	sand.u32 $0x1, s1;
	s9 =	smul.u32 $0x6400, s18  }
0x7: {  	[smem:$0x7FF] =	sst s3;
	s4 =	sadd.s32 $0x35600, s0;
	s11 =	smul.u32 $0x50000, s18  }
0x8: {  	s6 =	sadd.s32 $0x2C00, s0;
	s26 =	sshll.u32 s18, $0x6;
	s5 =	smul.u32 $0x140000, s1  }
0x9: {  	_ =	strace $0x8000004A;
	s7 =	smul.u32 $0x64000, s1;
	s1 =	ssub.s32 $0x2, s1  }
0xa: {  	s20 =	sor.u32 $0x1C04, s26;
	s26 =	simm.s32 $0x14100;
	s25 =	sshrl.u32 s1, $0x1  }
0xb: {  	s14 =	sshrl.u32 s11, $0x2;
	s8 =	sadd.s32 s12, s5;
	s5 =	sadd.s32 $0x1C600, s0  }
0xc: {  	s7 =	sadd.s32 s9, s7;
	s1 =	ssub.s32 s1, s25;
	s17 =	sadd.s32 s14, s2  }
.Ltmp0:
0xd: {  	s12 =	sshrl.u32 s12, $0x3;
	s8 =	sshrl.u32 s8, $0x3;
	(pc) =	sbr.rel .LBB2_1-.Ltmp0, $4  }
0xe: {  	s9 =	sshrl.u32 s7, $0x3;
	s12 =	sadd.s32 s4, s12;
	s14 =	smax.u32 s1, $0x1  }
0xf: {  	s21 =	sshrl.u32 s17, $0x3;
	s0 =	sadd.s32 s8, s0;
	s13 =	sadd.s32 $0x80, s9  }
0x10: {  	s8 =	sadd.s32 s5, s9;
	s9 =	sadd.s32 s6, s9;
	s10 =	sadd.s32 s5, s13  }
0x11: {  	s11 =	sadd.s32 s6, s13;
	s13 =	sadd.s32 $0x5D600, s0;
	s0 =	simm.s32 $0x0  }
.LBB2_9:
0x12: {  	_ =	swait.ge [sflag:s30], $0x2800  }
0x13: {  	s0 =	sadd.s32 $0x1, s0;
	[sflag:s30] =	ssyncset.done $0x0  }
0x14: {  	p0 =	sne.s32 s0, s14;
	[sflag:s30] =	ssyncadd.s32 $0xFFFFD800  }
.Ltmp1:
0x15: {  	[bflag:$0x0] =	sbarrier.arrive $0xFFFF;
	(pc) =	sbr.rel @!p0 .LBB2_10-.Ltmp1, $4  }
0x16: {  	[hbm:s13], [sflag:s20] =	dma.local [spmem:s21], $0x2800  }
0x17: {  	_ =	swait.ge [sflag:s16], $0x2800  }
0x18: {  	[sflag:s16] =	ssyncset.done $0x0  }
0x19: {  	[sflag:s16] =	ssyncadd.s32 $0xFFFFD800  }
.LBB2_1:
0x1a: {  	[tilespmem:s15], [sflag:$0x4] =	stream.linear.gather [hbm4b:s8+s3], $0x280, $0x38;
	[tilespmem:$0x1F800] =	vst v63  }
0x1b: {  	_ =	swait.ge [sflag:s16], $0x280  }
0x1c: {  	[sflag:s16] =	ssyncset.done $0x0  }
0x1d: {  	s1 =	simm.s32 $0x14C00;
	[sflag:s16] =	ssyncadd.s32 $0xFFFFFD80  }
0x1e: {  	[tilespmem:s1], [sflag:$0x4] =	stream.linear.gather [hbm4b:s9+s3], $0x280, $0x38;
	[tilespmem:$0x1F800] =	vst v63  }
0x1f: {  	_ =	swait.ge [sflag:s16], $0x280  }
0x20: {  	[sflag:s16] =	ssyncset.done $0x0  }
0x21: {  	s19 =	simm.s32 $0x14400;
	[sflag:s16] =	ssyncadd.s32 $0xFFFFFD80  }
0x22: {  	[tilespmem:s19], [sflag:$0x3] =	stream.linear.gather [hbm4b:s10+s3], $0x280, $0x38;
	[tilespmem:$0x1F800] =	vst v63  }
0x23: {  	s23 =	simm.s32 $0x15000  }
0x24: {  	[tilespmem:s23], [sflag:$0x3] =	stream.linear.gather [hbm4b:s11+s3], $0x280, $0x38;
	[tilespmem:$0x1F800] =	vst v63  }
0x25: {  	[spmem:s21], [sflag:s20] =	dma.local [hbm:s12], $0x2800  }
0x26: {  	_ =	swait.ge [sflag:s16], $0x2800  }
0x27: {  	[sflag:s16] =	ssyncset.done $0x0  }
0x28: {  	[sflag:s16] =	ssyncadd.s32 $0xFFFFD800  }
0x29: {  	s24 =	simm.s32 $0x15800;
	[bflag:$0x0] =	sbarrier.arrive $0xFFFF  }
0x2a: {  	[tilespmem:s24], [sflag:$0x1] =	stream.indirect.gather [hbm4b:s4+s22], $0x80, s15, s22, $0xb8;
	[tilespmem:$0x1F800] =	vst v63  }
0x2b: {  	s25 =	simm.s32 $0x14080;
	s17 =	simm.s32 $0x18000  }
0x2c: {  	[tilespmem:s17], [sflag:$0x1] =	stream.indirect.gather [hbm4b:s4+s22], $0x80, s25, s22, $0xb8;
	[tilespmem:$0x1F800] =	vst v63  }
0x2d: {  	s1 =	simm.s32 $0x0  }
0x2e: {  	[tilespmem:s28], [sflag:$0x1] =	stream.indirect.gather [hbm4b:s4+s22], $0x80, s26, s22, $0xb8;
	[tilespmem:$0x1F800] =	vst v63  }
.LBB2_2:
0x2f: {  	s17 =	smul.u32 $0xCD, s1;
	_ =	sdelay $0x1  }
0x30: {  	s18 =	sshrl.u32 s17, $0xA  }
0x31: {  	s18 =	sand.u32 $0x3F, s18  }
0x32: {  	s19 =	smul.u32 $0x56, s18;
	_ =	sdelay $0x1  }
0x33: {  	s23 =	smul.u32 $0x5, s18;
	s19 =	sshrl.u32 s19, $0x8  }
0x34: {  	s24 =	smul.u32 $0x3, s19  }
0x35: {  	_ =	swait.ge [sflag:s29], $0x2800  }
0x36: {  	s19 =	ssub.s32 s1, s23;
	s23 =	ssub.s32 s18, s24;
	s24 =	sand.u32 $0x3, s1  }
0x37: {  	s25 =	sand.u32 $0xFF, s19;
	s23 =	sand.u32 $0xFF, s23;
	s24 =	smul.u32 $0xA000, s24  }
0x38: {  	p1 =	sgt.u32 s1, $0x72;
	s25 =	sshll.u32 s25, $0x7;
	s23 =	sshll.u32 s23, $0xA  }
0x39: {  	[sflag:s29] =	ssyncset.done $0x0;
	s24 =	sshrl.u32 s24, $0x2;
	s23 =	sor.u32 s25, s23  }
0x3a: {  	[sflag:s29] =	ssyncadd.s32 $0xFFFFD800;
	s24 =	sadd.s32 $0x15800, s24;
	s23 =	sadd.s32 $0x14C00, s23  }
0x3b: {  	[spmem:s2] =	stream.indirect.scatter.add.f32 [tilespmem:s24], [sflag:$0x2], $0x80, s23, s22, $0xb8;
	[tilespmem:$0x1F800] =	vst v63  }
0x3c: {  	s24 =	sand.u32 @!p1 $0xFF, s19  }
0x3d: {  	p2 =	sne.s32 @!p1 s24, $0x0  }
0x3e: {  	p1 =	por p1, p2  }
.Ltmp2:
0x3f: {  	p0 =	seq.s32 s1, $0x0;
	(pc) =	sbr.rel @p1 .LBB2_4-.Ltmp2, $4  }
0x40: {  	s23 =	simm.s32 @!p0 $0x2  }
0x41: {  	_ =	swait.ge @!p0 [sflag:s23], $0x2800  }
0x42: {  	[sflag:s23] =	ssyncset.done @!p0 $0x0  }
0x43: {  	[sflag:s23] =	ssyncadd.s32 @!p0 $0xFFFFD800  }
0x44: {  	s18 =	sadd.s32 $0x2, s18  }
0x45: {  	s19 =	smul.u32 $0x56, s18;
	_ =	sdelay $0x1  }
0x46: {  	s19 =	sshrl.u32 s19, $0x8  }
0x47: {  	s19 =	smul.u32 $0x3, s19;
	_ =	sdelay $0x1  }
0x48: {  	s23 =	sshll.u32 s18, $0xA;
	s18 =	ssub.s32 s18, s19  }
0x49: {  	s24 =	sadd.s32 s7, s23;
	s18 =	sand.u32 $0xFF, s18  }
.Ltmp3:
0x4a: {  	s19 =	sshrl.u32 s24, $0x3;
	s18 =	sshll.u32 s18, $0xA;
	(pc) =	sbr.rel .LBB2_7-.Ltmp3, $4  }
0x4b: {  	s24 =	sadd.s32 s5, s19;
	s25 =	sor.u32 $0x14000, s18  }
0x4c: {  	[tilespmem:s25], [sflag:$0x3] =	stream.linear.gather [hbm4b:s24+s3], $0x280, $0x38;
	[tilespmem:$0x1F800] =	vst v63  }
0x4d: {  	s19 =	sadd.s32 s6, s19;
	s18 =	sadd.s32 $0x14C00, s18  }
0x4e: {  	[tilespmem:s18], [sflag:$0x3] =	stream.linear.gather [hbm4b:s19+s3], $0x280, $0x38;
	[tilespmem:$0x1F800] =	vst v63  }
.LBB2_4:
0x4f: {  	p0 =	sgt.u32 s1, $0x77  }
0x50: {  	s18 =	sand.u32 @!p0 $0xFF, s19  }
0x51: {  	p1 =	sne.s32 @!p0 s18, $0x1  }
0x52: {  	p0 =	por p0, p1  }
.Ltmp4:
0x53: {  	_ = 	snop;
	(pc) =	sbr.rel @p0 .LBB2_6-.Ltmp4, $1  }
0x54: {  	_ =	sdelay $0x3  }
0x55: {  	_ =	swait.ge [sflag:s31], $0x280  }
0x56: {  	[sflag:s31] =	ssyncset.done $0x0  }
0x57: {  	[sflag:s31] =	ssyncadd.s32 $0xFFFFFD80  }
0x58: {  	_ =	swait.ge [sflag:s31], $0x280  }
0x59: {  	[sflag:s31] =	ssyncset.done $0x0  }
0x5a: {  	[sflag:s31] =	ssyncadd.s32 $0xFFFFFD80  }
.LBB2_7:
0x5b: {  	s17 =	sadd.s32 $0x267, s17  }
0x5c: {  	s17 =	sshrl.u32 s17, $0xA  }
0x5d: {  	s17 =	sand.u32 $0x3F, s17  }
0x5e: {  	s18 =	smul.u32 $0x56, s17;
	_ =	sdelay $0x1  }
0x5f: {  	s19 =	smul.u32 $0x5, s17;
	s18 =	sshrl.u32 s18, $0x8  }
0x60: {  	s18 =	smul.u32 $0x3, s18  }
0x61: {  	s23 =	sadd.s32 $0x3, s1  }
0x62: {  	s25 =	sand.u32 $0x3, s23;
	s19 =	ssub.s32 s23, s19;
	s17 =	ssub.s32 s17, s18  }
0x63: {  	s19 =	sand.u32 $0xFF, s19;
	s18 =	smul.u32 $0xA000, s25;
	s17 =	sand.u32 $0xFF, s17  }
0x64: {  	s19 =	sshll.u32 s19, $0x7;
	s17 =	sshll.u32 s17, $0xA  }
0x65: {  	s18 =	sshrl.u32 s18, $0x2;
	s17 =	sadd.s32 s19, s17  }
0x66: {  	s18 =	sadd.s32 $0x15800, s18;
	s17 =	sadd.s32 $0x14000, s17  }
0x67: {  	[tilespmem:s18], [sflag:$0x1] =	stream.indirect.gather [hbm4b:s4+s22], $0x80, s17, s22, $0xb8;
	[tilespmem:$0x1F800] =	vst v63  }
.LBB2_8:
0x68: {  	s1 =	sadd.s32 $0x1, s1  }
0x69: {  	p0 =	sne.s32 s1, $0x7D  }
.Ltmp5:
0x6a: {  	_ = 	snop;
	(pc) =	sbr.rel @p0 .LBB2_2-.Ltmp5, $4  }
.Ltmp6:
0x6b: {  	_ = 	snop;
	(pc) =	sbr.rel @!p0 .LBB2_9-.Ltmp6, $4  }
0x6c: {  	_ = 	snop  }
0x6d: {  	_ = 	snop  }
0x6e: {  	_ = 	snop  }
0x6f: {  	_ = 	snop  }
.LBB2_6:
0x70: {  	p0 =	sgt.u32 s1, $0x79  }
.Ltmp7:
0x71: {  	_ = 	snop;
	(pc) =	sbr.rel @p0 .LBB2_8-.Ltmp7, $4  }
.Ltmp8:
0x72: {  	_ = 	snop;
	(pc) =	sbr.rel @!p0 .LBB2_7-.Ltmp8, $4  }
0x73: {  	_ = 	snop  }
0x74: {  	_ = 	snop  }
0x75: {  	_ = 	snop  }
0x76: {  	_ = 	snop  }
.LBB2_10:
0x77: {  	_ =	sfence.sel $0x180000  }
0x78: {  	[bflag:$0x0] =	sbarrier.arrive $0xFFFF  }
0x79: {  	_ =	strace $0x9000004A  }
0x7a: {  	s0 =	stileid.u32;
	[bflag:$0x2] =	sbarrier.arrive $0xFFFF  }
0x7b: {  	p0 =	sne.s32 s0, $0x0;
	s0 =	rddreg [dreg:$0x2]  }
0x7c: {  	s0 =	sadd.s32 @!p0 $0x100000, s0  }
0x7d: {  	[sflag:s0] =	ssyncadd.tile.s32 @!p0 $0x1;
	_ =	shalt  }
.Lfunc_end2:
_tile_overlayer_lowered:
.L_overlay_start_2:
0x7e: {  	(tag) =	ssettag $0x2  }
0x7f: {  	s0 =	rddreg [dreg:$0x0];
	s2 =	stileid.u32  }
0x80: {  	s1 =	rddreg [dreg:$0x1];
	p0 =	sne.s32 s2, $0x0  }
0x81: {  	s3 =	rddreg [dreg:$0x2];
	[bflag:$0x3] =	sbarrier.arrive $0xFFFF;
	s2 =	simm.s32 @!p0 $0x1C04  }
0x82: {  	[timem:s3], [sflag:s2] =	dma.local @!p0 [hbm:s0], s1  }
0x83: {  	s0 =	simm.s32 @!p0 $0x4  }
0x84: {  	_ =	swait.ge @!p0 [sflag:s0], s1  }
0x85: {  	s1 =	ssub.s32 @!p0 $0x0, s1;
	[sflag:s0] =	ssyncset.done @!p0 $0x0  }
0x86: {  	[sflag:s0] =	ssyncadd.s32 @!p0 s1  }
0x87: {  	[bflag:$0x3] =	sbarrier.arrive $0xFFFF  }
0x88: {  	_ =	shalt  }

// kernel: kernel.14.cloned.1.call-start
scs
__scs_entry_jumppad:
0x0: {  	(pc) =	sbr.rel $0x88, $3  }
0x1: {  	(tag) =	ssettag $0x0;
	lr =	simm.s32 $0x1  }
0x2: {  	[smem:$0x3F96] =	sst lr;
	_ =	strace $0xD0000000  }
0x3: {  	_ = 	snop  }
0x4: {  	_ = 	snop  }
0x5: {  	_ = 	snop  }
0x6: {  	_ = 	snop  }
0x7: {  	_ = 	snop  }
__scs_overlays_trampoline_lowered:
0x8: {  	[smem:$0x3FA5] =	sst s0  }
0x9: {  	[smem:$0x3FA6] =	sst s1  }
0xa: {  	[smem:$0x3FA7] =	sst s2  }
0xb: {  	[smem:$0x3FA8] =	sst s3  }
0xc: {  	[smem:$0x3FA9] =	sst s4  }
0xd: {  	[smem:$0x3FAA] =	sst s5  }
0xe: {  	[smem:$0x3FAB] =	sst s6  }
0xf: {  	[smem:$0x3FAC] =	sst s7  }
0x10: {  	[smem:$0x3FAD] =	sst s8  }
0x11: {  	[smem:$0x3FAE] =	sst s9;
	s0 =	simm.s32 @!p0 $0x0  }
0x12: {  	s1 =	sld [smem:$0x3F94];
	s0 =	simm.s32 @p0 $0x1  }
0x13: {  	[smem:$0x3FAF] =	sst s0;
	s0 =	simm.s32 @!p1 $0x0  }
0x14: {  	s2 =	sld [smem:$0x3F93];
	s0 =	simm.s32 @p1 $0x1  }
0x15: {  	[smem:$0x3FB0] =	sst s0;
	s0 =	simm.s32 @!p2 $0x0  }
0x16: {  	s3 =	sld [smem:$0x3FDB];
	s0 =	simm.s32 @p2 $0x1  }
0x17: {  	s4 =	simm.s32 $0x1BF5;
	[smem:$0x3FB2] =	sst s0  }
0x18: {  	s0 =	sld [smem:$0x3F95];
	_ =	swait.ge [sflag:s4], $0x0  }
0x19: {  	s7 =	sld [smem:$0x3F96]  }
0x1a: {  	s8 =	sadd.s32 $0xFFFFE003, lr  }
0x1b: {  	s9 =	sadd.s32 $0xFFFFFEF7, lr;
	s5 =	simm.s32 $0xFFFFFFFF;
	p2 =	slt.u32 s8, $0xFFFFF086  }
0x1c: {  	p1 =	slt.u32 s9, $0xF7A;
	s5 =	simm.s32 @!p2 $0x0  }
0x1d: {  	s5 =	simm.s32 @p1 $0x1;
	p0 =	seq.s32 s7, s2  }
0x1e: {  	s7 =	smul.u32 @!p0 $0xF7A, s2;
	p2 =	seq.s32 @!p0 s5, $0x0  }
0x1f: {  	s9 =	smul.u32 $0xF7A, s1;
	s8 =	simm.s32 @!p0 $0x1BF5;
	p2 =	por !p2, p0  }
0x20: {  	[sflag:s8] =	ssyncset.s32 @!p0 $0xFFFFF086;
	s6 =	sadd.s32 @!p0 s3, s7;
	s7 =	simm.s32 @!p0 $0x108  }
0x21: {  	s3 =	sadd.s32 s3, s9;
	s6 =	sadd.s32 @!p0 $0x88, s6;
	s7 =	simm.s32 @p2 $0x1082  }
0x22: {  	[simem:s7], [sflag:s8] =	dma.local @!p0 [hbm:s6], $0xF7A  }
0x23: {  	s9 =	sor.u32 $0xD0000000, s2;
	s6 =	simm.s32 $0x108;
	_ =	swait.ge @!p0 [sflag:s8], $0x0  }
0x24: {  	s3 =	sadd.s32 $0x88, s3;
	s6 =	simm.s32 @!p1 $0x1082;
	[sflag:s4] =	ssyncset.s32 $0xFFFFF086  }
0x25: {  	[simem:s6], [sflag:s4] =	dma.local [hbm:s3], $0xF7A  }
0x26: {  	[smem:$0x3F96] =	sst s1;
	(tag) =	ssettag s2;
	_ =	strace s9  }
0x27: {  	s1 =	sld [smem:$0x3FA6]  }
0x28: {  	s2 =	sld [smem:$0x3FA7]  }
0x29: {  	s4 =	sld [smem:$0x3FA9]  }
0x2a: {  	p0 =	seq.s32 s5, $0x0;
	s5 =	sld [smem:$0x3FAA]  }
0x2b: {  	s6 =	sld [smem:$0x3FAB]  }
0x2c: {  	s7 =	sld [smem:$0x3FAC]  }
0x2d: {  	s3 =	simm.s32 $0x108;
	s8 =	sld [smem:$0x3FAD]  }
0x2e: {  	s3 =	simm.s32 @!p0 $0x1082;
	s9 =	sld [smem:$0x3FAE]  }
0x2f: {  	lr =	sadd.s32 s0, s3;
	s0 =	sld [smem:$0x3FA5]  }
0x30: {  	s3 =	sld [smem:$0x3FA8]  }
0x31: {  	[smem:$0x3FB1] =	sst s10  }
0x32: {  	s10 =	sld [smem:$0x3FAF];
	_ =	sdelay $0x3  }
0x33: {  	p0 =	seq.s32 s10, $0x1;
	s10 =	sld [smem:$0x3FB1];
	_ =	sdelay $0x3  }
0x34: {  	[smem:$0x3FB1] =	sst s10  }
0x35: {  	s10 =	sld [smem:$0x3FB0];
	_ =	sdelay $0x3  }
0x36: {  	p1 =	seq.s32 s10, $0x1;
	s10 =	sld [smem:$0x3FB1];
	_ =	sdelay $0x3  }
0x37: {  	[smem:$0x3FB1] =	sst s10  }
0x38: {  	s10 =	sld [smem:$0x3FB2]  }
0x39: {  	_ = 	snop;
	(pc) =	sbr.ind lr, $3  }
0x3a: {  	_ = 	snop  }
0x3b: {  	_ = 	snop  }
0x3c: {  	p2 =	seq.s32 s10, $0x1;
	s10 =	sld [smem:$0x3FB1]  }
0x3d: {  	_ =	shalt  }
0x3e: {  	_ =	shalt  }
0x3f: {  	_ =	shalt  }
0x40: {  	_ =	shalt  }
0x41: {  	_ =	shalt  }
0x42: {  	_ =	shalt  }
0x43: {  	_ =	shalt  }
0x44: {  	_ =	shalt  }
0x45: {  	_ =	shalt  }
0x46: {  	_ =	shalt  }
0x47: {  	_ =	shalt  }
0x48: {  	_ =	shalt  }
0x49: {  	_ =	shalt  }
0x4a: {  	_ =	shalt  }
0x4b: {  	_ =	shalt  }
0x4c: {  	_ =	shalt  }
0x4d: {  	_ =	shalt  }
0x4e: {  	_ =	shalt  }
0x4f: {  	_ =	shalt  }
0x50: {  	_ =	shalt  }
0x51: {  	_ =	shalt  }
0x52: {  	_ =	shalt  }
0x53: {  	_ =	shalt  }
0x54: {  	_ =	shalt  }
0x55: {  	_ =	shalt  }
0x56: {  	_ =	shalt  }
0x57: {  	_ =	shalt  }
0x58: {  	_ =	shalt  }
0x59: {  	_ =	shalt  }
0x5a: {  	_ =	shalt  }
0x5b: {  	_ =	shalt  }
0x5c: {  	_ =	shalt  }
0x5d: {  	_ =	shalt  }
0x5e: {  	_ =	shalt  }
0x5f: {  	_ =	shalt  }
0x60: {  	_ =	shalt  }
0x61: {  	_ =	shalt  }
0x62: {  	_ =	shalt  }
0x63: {  	_ =	shalt  }
0x64: {  	_ =	shalt  }
0x65: {  	_ =	shalt  }
0x66: {  	_ =	shalt  }
0x67: {  	_ =	shalt  }
0x68: {  	_ =	shalt  }
0x69: {  	_ =	shalt  }
0x6a: {  	_ =	shalt  }
0x6b: {  	_ =	shalt  }
0x6c: {  	_ =	shalt  }
0x6d: {  	_ =	shalt  }
0x6e: {  	_ =	shalt  }
0x6f: {  	_ =	shalt  }
0x70: {  	_ =	shalt  }
0x71: {  	_ =	shalt  }
0x72: {  	_ =	shalt  }
0x73: {  	_ =	shalt  }
0x74: {  	_ =	shalt  }
0x75: {  	_ =	shalt  }
0x76: {  	_ =	shalt  }
0x77: {  	_ =	shalt  }
0x78: {  	_ =	shalt  }
0x79: {  	_ =	shalt  }
0x7a: {  	_ =	shalt  }
0x7b: {  	_ =	shalt  }
0x7c: {  	_ =	shalt  }
0x7d: {  	_ =	shalt  }
0x7e: {  	_ =	shalt  }
0x7f: {  	_ =	shalt  }
0x80: {  	_ =	shalt  }
0x81: {  	_ =	shalt  }
0x82: {  	_ =	shalt  }
0x83: {  	_ =	shalt  }
0x84: {  	_ =	shalt  }
0x85: {  	_ =	shalt  }
0x86: {  	_ =	shalt  }
0x87: {  	_ =	shalt  }
.Lfunc_end0:
.L_simem_size_0:
called_computation.2_lowered:
.L_overlay_start_0:
0x88: {  	s2 =	sld [smem:$0x3FD9]  }
0x89: {  	s3 =	sld [smem:$0x3FFE];
	_ =	sdelay $0x1  }
0x8a: {  	s1 =	srdreg.scid  }
0x8b: {  	s0 =	sand.u32 $0x1, s1  }
0x8c: {  	s16 =	sshll.u32 s0, $0xA;
	s2 =	sadd.s32 s3, s2  }
0x8d: {  	s2 =	sadd.s32 s2, s16  }
0x8e: {  	[smem:$0x3FBD] =	sst s2  }
0x8f: {  	_ = 	snop  }
0x90: {  	(tm) =	ssettm $0x1  }
0x91: {  	s17 =	sld [smem:$0x3FFB];
	_ =	sdelay $0x3  }
0x92: {  	_ =	strace s17  }
0x93: {  	s2 =	sld [smem:$0x3FFC];
	_ =	sdelay $0x3  }
0x94: {  	_ =	strace s2  }
0x95: {  	s2 =	sld [smem:$0x3FFD];
	_ =	sdelay $0x3  }
0x96: {  	_ =	strace s2  }
0x97: {  	_ =	strace $0x8FFFFFFF  }
0x98: {  	s18 =	sld [smem:$0x3FDB];
	_ =	sdelay $0x1  }
0x99: {  	s19 =	simm.s32 $_scs_section_size  }
0x9a: {  	s4 =	simm.s32 $_size__tile_overlayer_lowered;
	s5 =	simm.s32 $_tile_overlayer_lowered  }
0x9b: {  	s22 =	simm.s32 $0x1BFF;
	s21 =	sshll.u32 s5, $0x1;
	s2 =	sadd.s32 s19, s18  }
0x9c: {  	s6 =	simm.s32 $0x0;
	s20 =	sshll.u32 s4, $0x1;
	s4 =	sadd.s32 s21, s2  }
0x9d: {  	[timem:s6], [sflag:s22] =	dma.local [hbm:s4], s20  }
0x9e: {  	_ =	swait.ge [sflag:s22], s20  }
0x9f: {  	s3 =	ssub.s32 $0x0, s20;
	[sflag:s22] =	ssyncset.done $0x0  }
0xa0: {  	[sflag:s22] =	ssyncadd.s32 s3;
	_ =	sdelay $0x1  }
0xa1: {  	s23 =	simm.s32 $0x1B8B  }
0xa2: {  	_ =	swait.ge [sflag:s23], $0x1  }
0xa3: {  	[sflag:s23] =	ssyncset.done $0x0  }
0xa4: {  	s25 =	simm.s32 $0x1B8E;
	s24 =	sld [smem:$0x3FFE];
	[sflag:s23] =	ssyncadd.s32 $0xFFFFFFFF  }
0xa5: {  	s26 =	simm.s32 $execute0_lowered;
	[smem:$0x3FD2] =	sst s25  }
0xa6: {  	s4 =	sshll.u32 s26, $0x1;
	_ =	strace $0x8000004C;
	[dreg:$0x1] =	wrdreg $0xFFFFFFFF  }
0xa7: {  	s28 =	simm.s32 $_size_execute0_lowered;
	s2 =	sadd.s32 s2, s4;
	[dreg:$0x0] =	wrdreg $0x0  }
0xa8: {  	s4 =	sshll.u32 s28, $0x1;
	[dreg:$0x2] =	wrdreg s2  }
0xa9: {  	[dreg:$0x3] =	wrdreg s4  }
0xaa: {  	[dreg:$0x4] =	wrdreg $0xC0  }
0xab: {  	_ =	task [dreg:s6], $0x5FFFF  }
0xac: {  	[dreg:$0x1] =	wrdreg $0xFFFFFFFF  }
0xad: {  	[dreg:$0x0] =	wrdreg $0x60  }
0xae: {  	[dreg:$0x2] =	wrdreg s24  }
0xaf: {  	[dreg:$0x3] =	wrdreg $0x0  }
0xb0: {  	[dreg:$0x4] =	wrdreg $0x9  }
0xb1: {  	_ =	task.clear_ibuf [dreg:s6], $0x5FFFF;
	_ =	strace $0x9000004C  }
0xb2: {  	s29 =	simm.s32 $0x9;
	_ =	strace $0x8000004E  }
0xb3: {  	_ =	swait.ge [sflag:s29], $0x1  }
0xb4: {  	[sflag:s29] =	ssyncadd.s32 $0xFFFFFFFF  }
0xb5: {  	_ =	strace $0x9000004E  }
0xb6: {  	_ =	sfence  }
0xb7: {  	s30 =	sld [smem:$0x0];
	_ =	sdelay $0x2  }
0xb8: {  	s31 =	sshll.u32 s1, $0xD;
	s1 =	sshrl.u32 s1, $0x2  }
0xb9: {  	s3 =	sand.u32 $0x4000, s31;
	s1 =	sadd.s32 s1, s30  }
0xba: {  	s0 =	sor.u32 s3, s0;
	s1 =	sshll.u32 s1, $0x11  }
0xbb: {  	s0 =	sor.u32 s1, s0  }
0xbc: {  	s0 =	sadd.s32 $0x8F2B, s0  }
0xbd: {  	[sflag:s0] =	ssyncadd.remote.s32 $0x1  }
0xbe: {  	_ =	sfence.sel $0xFFFF  }
0xbf: {  	[dreg:$0x0] =	wrdreg $0xFFFFFFFF;
	(pc) =	sbr.abs _section_cstart, $3  }
0xc0: {  	[dreg:$0x1] =	wrdreg $0xFFFFFFFF  }
0xc1: {  	_ =	task.clear_ibuf [dreg:s6], $0x2FFFF;
	_ =	strace $0x9FFFFFFF  }
0xc2: {  	(tm) =	ssettm $0x7FFFFFFF  }
0xc3: {  	_ =	shalt  }
tec
execute0_lowered:
.L_overlay_start_1:
0x0: {  	(tag) =	ssettag $0x1  }
0x1: {  	s0 =	rddreg [dreg:$0x0]  }
0x2: {  	s2 =	rddreg [dreg:$0x1];
	s1 =	srdreg.scid  }
0x3: {  	s18 =	stileid.u32;
	s3 =	simm.s32 $0x0;
	s15 =	simm.s32 $0x14000  }
0x4: {  	s16 =	simm.s32 $0x4;
	s22 =	simm.s32 $0x50;
	s28 =	simm.s32 $0x1A800  }
0x5: {  	s29 =	simm.s32 $0x1;
	s30 =	simm.s32 $0x2;
	s12 =	smul.u32 $0x14000, s18  }
0x6: {  	s31 =	simm.s32 $0x3;
	s1 =	sand.u32 $0x1, s1;
	s9 =	smul.u32 $0x6400, s18  }
0x7: {  	[smem:$0x7FF] =	sst s3;
	s4 =	sadd.s32 $0x35600, s0;
	s11 =	smul.u32 $0x50000, s18  }
0x8: {  	s6 =	sadd.s32 $0x2C00, s0;
	s26 =	sshll.u32 s18, $0x6;
	s5 =	smul.u32 $0x140000, s1  }
0x9: {  	_ =	strace $0x8000004D;
	s7 =	smul.u32 $0x64000, s1;
	s1 =	ssub.s32 $0x2, s1  }
0xa: {  	s20 =	sor.u32 $0x1C04, s26;
	s26 =	simm.s32 $0x14100;
	s25 =	sshrl.u32 s1, $0x1  }
0xb: {  	s14 =	sshrl.u32 s11, $0x2;
	s8 =	sadd.s32 s12, s5;
	s5 =	sadd.s32 $0x1C600, s0  }
0xc: {  	s7 =	sadd.s32 s9, s7;
	s1 =	ssub.s32 s1, s25;
	s17 =	sadd.s32 s14, s2  }
.Ltmp0:
0xd: {  	s12 =	sshrl.u32 s12, $0x3;
	s8 =	sshrl.u32 s8, $0x3;
	(pc) =	sbr.rel .LBB2_1-.Ltmp0, $4  }
0xe: {  	s9 =	sshrl.u32 s7, $0x3;
	s12 =	sadd.s32 s4, s12;
	s14 =	smax.u32 s1, $0x1  }
0xf: {  	s21 =	sshrl.u32 s17, $0x3;
	s0 =	sadd.s32 s8, s0;
	s13 =	sadd.s32 $0x80, s9  }
0x10: {  	s8 =	sadd.s32 s5, s9;
	s9 =	sadd.s32 s6, s9;
	s10 =	sadd.s32 s5, s13  }
0x11: {  	s11 =	sadd.s32 s6, s13;
	s13 =	sadd.s32 $0x5D600, s0;
	s0 =	simm.s32 $0x0  }
.LBB2_9:
0x12: {  	_ =	swait.ge [sflag:s30], $0x2800  }
0x13: {  	s0 =	sadd.s32 $0x1, s0;
	[sflag:s30] =	ssyncset.done $0x0  }
0x14: {  	p0 =	sne.s32 s0, s14;
	[sflag:s30] =	ssyncadd.s32 $0xFFFFD800  }
.Ltmp1:
0x15: {  	[bflag:$0x0] =	sbarrier.arrive $0xFFFF;
	(pc) =	sbr.rel @!p0 .LBB2_10-.Ltmp1, $4  }
0x16: {  	[hbm:s13], [sflag:s20] =	dma.local [spmem:s21], $0x2800  }
0x17: {  	_ =	swait.ge [sflag:s16], $0x2800  }
0x18: {  	[sflag:s16] =	ssyncset.done $0x0  }
0x19: {  	[sflag:s16] =	ssyncadd.s32 $0xFFFFD800  }
.LBB2_1:
0x1a: {  	[tilespmem:s15], [sflag:$0x4] =	stream.linear.gather [hbm4b:s8+s3], $0x280, $0x38;
	[tilespmem:$0x1F800] =	vst v63  }
0x1b: {  	_ =	swait.ge [sflag:s16], $0x280  }
0x1c: {  	[sflag:s16] =	ssyncset.done $0x0  }
0x1d: {  	s1 =	simm.s32 $0x14C00;
	[sflag:s16] =	ssyncadd.s32 $0xFFFFFD80  }
0x1e: {  	[tilespmem:s1], [sflag:$0x4] =	stream.linear.gather [hbm4b:s9+s3], $0x280, $0x38;
	[tilespmem:$0x1F800] =	vst v63  }
0x1f: {  	_ =	swait.ge [sflag:s16], $0x280  }
0x20: {  	[sflag:s16] =	ssyncset.done $0x0  }
0x21: {  	s19 =	simm.s32 $0x14400;
	[sflag:s16] =	ssyncadd.s32 $0xFFFFFD80  }
0x22: {  	[tilespmem:s19], [sflag:$0x3] =	stream.linear.gather [hbm4b:s10+s3], $0x280, $0x38;
	[tilespmem:$0x1F800] =	vst v63  }
0x23: {  	s23 =	simm.s32 $0x15000  }
0x24: {  	[tilespmem:s23], [sflag:$0x3] =	stream.linear.gather [hbm4b:s11+s3], $0x280, $0x38;
	[tilespmem:$0x1F800] =	vst v63  }
0x25: {  	[spmem:s21], [sflag:s20] =	dma.local [hbm:s12], $0x2800  }
0x26: {  	_ =	swait.ge [sflag:s16], $0x2800  }
0x27: {  	[sflag:s16] =	ssyncset.done $0x0  }
0x28: {  	[sflag:s16] =	ssyncadd.s32 $0xFFFFD800  }
0x29: {  	s24 =	simm.s32 $0x15800;
	[bflag:$0x0] =	sbarrier.arrive $0xFFFF  }
0x2a: {  	[tilespmem:s24], [sflag:$0x1] =	stream.indirect.gather [hbm4b:s4+s22], $0x80, s15, s22, $0xb8;
	[tilespmem:$0x1F800] =	vst v63  }
0x2b: {  	s25 =	simm.s32 $0x14080;
	s17 =	simm.s32 $0x18000  }
0x2c: {  	[tilespmem:s17], [sflag:$0x1] =	stream.indirect.gather [hbm4b:s4+s22], $0x80, s25, s22, $0xb8;
	[tilespmem:$0x1F800] =	vst v63  }
0x2d: {  	s1 =	simm.s32 $0x0  }
0x2e: {  	[tilespmem:s28], [sflag:$0x1] =	stream.indirect.gather [hbm4b:s4+s22], $0x80, s26, s22, $0xb8;
	[tilespmem:$0x1F800] =	vst v63  }
.LBB2_2:
0x2f: {  	s17 =	smul.u32 $0xCD, s1;
	_ =	sdelay $0x1  }
0x30: {  	s18 =	sshrl.u32 s17, $0xA  }
0x31: {  	s18 =	sand.u32 $0x3F, s18  }
0x32: {  	s19 =	smul.u32 $0x56, s18;
	_ =	sdelay $0x1  }
0x33: {  	s23 =	smul.u32 $0x5, s18;
	s19 =	sshrl.u32 s19, $0x8  }
0x34: {  	s24 =	smul.u32 $0x3, s19  }
0x35: {  	_ =	swait.ge [sflag:s29], $0x2800  }
0x36: {  	s19 =	ssub.s32 s1, s23;
	s23 =	ssub.s32 s18, s24;
	s24 =	sand.u32 $0x3, s1  }
0x37: {  	s25 =	sand.u32 $0xFF, s19;
	s23 =	sand.u32 $0xFF, s23;
	s24 =	smul.u32 $0xA000, s24  }
0x38: {  	p1 =	sgt.u32 s1, $0x72;
	s25 =	sshll.u32 s25, $0x7;
	s23 =	sshll.u32 s23, $0xA  }
0x39: {  	[sflag:s29] =	ssyncset.done $0x0;
	s24 =	sshrl.u32 s24, $0x2;
	s23 =	sor.u32 s25, s23  }
0x3a: {  	[sflag:s29] =	ssyncadd.s32 $0xFFFFD800;
	s24 =	sadd.s32 $0x15800, s24;
	s23 =	sadd.s32 $0x14C00, s23  }
0x3b: {  	[spmem:s2] =	stream.indirect.scatter.add.f32 [tilespmem:s24], [sflag:$0x2], $0x80, s23, s22, $0xb8;
	[tilespmem:$0x1F800] =	vst v63  }
0x3c: {  	s24 =	sand.u32 @!p1 $0xFF, s19  }
0x3d: {  	p2 =	sne.s32 @!p1 s24, $0x0  }
0x3e: {  	p1 =	por p1, p2  }
.Ltmp2:
0x3f: {  	p0 =	seq.s32 s1, $0x0;
	(pc) =	sbr.rel @p1 .LBB2_4-.Ltmp2, $4  }
0x40: {  	s23 =	simm.s32 @!p0 $0x2  }
0x41: {  	_ =	swait.ge @!p0 [sflag:s23], $0x2800  }
0x42: {  	[sflag:s23] =	ssyncset.done @!p0 $0x0  }
0x43: {  	[sflag:s23] =	ssyncadd.s32 @!p0 $0xFFFFD800  }
0x44: {  	s18 =	sadd.s32 $0x2, s18  }
0x45: {  	s19 =	smul.u32 $0x56, s18;
	_ =	sdelay $0x1  }
0x46: {  	s19 =	sshrl.u32 s19, $0x8  }
0x47: {  	s19 =	smul.u32 $0x3, s19;
	_ =	sdelay $0x1  }
0x48: {  	s23 =	sshll.u32 s18, $0xA;
	s18 =	ssub.s32 s18, s19  }
0x49: {  	s24 =	sadd.s32 s7, s23;
	s18 =	sand.u32 $0xFF, s18  }
.Ltmp3:
0x4a: {  	s19 =	sshrl.u32 s24, $0x3;
	s18 =	sshll.u32 s18, $0xA;
	(pc) =	sbr.rel .LBB2_7-.Ltmp3, $4  }
0x4b: {  	s24 =	sadd.s32 s5, s19;
	s25 =	sor.u32 $0x14000, s18  }
0x4c: {  	[tilespmem:s25], [sflag:$0x3] =	stream.linear.gather [hbm4b:s24+s3], $0x280, $0x38;
	[tilespmem:$0x1F800] =	vst v63  }
0x4d: {  	s19 =	sadd.s32 s6, s19;
	s18 =	sadd.s32 $0x14C00, s18  }
0x4e: {  	[tilespmem:s18], [sflag:$0x3] =	stream.linear.gather [hbm4b:s19+s3], $0x280, $0x38;
	[tilespmem:$0x1F800] =	vst v63  }
.LBB2_4:
0x4f: {  	p0 =	sgt.u32 s1, $0x77  }
0x50: {  	s18 =	sand.u32 @!p0 $0xFF, s19  }
0x51: {  	p1 =	sne.s32 @!p0 s18, $0x1  }
0x52: {  	p0 =	por p0, p1  }
.Ltmp4:
0x53: {  	_ = 	snop;
	(pc) =	sbr.rel @p0 .LBB2_6-.Ltmp4, $1  }
0x54: {  	_ =	sdelay $0x3  }
0x55: {  	_ =	swait.ge [sflag:s31], $0x280  }
0x56: {  	[sflag:s31] =	ssyncset.done $0x0  }
0x57: {  	[sflag:s31] =	ssyncadd.s32 $0xFFFFFD80  }
0x58: {  	_ =	swait.ge [sflag:s31], $0x280  }
0x59: {  	[sflag:s31] =	ssyncset.done $0x0  }
0x5a: {  	[sflag:s31] =	ssyncadd.s32 $0xFFFFFD80  }
.LBB2_7:
0x5b: {  	s17 =	sadd.s32 $0x267, s17  }
0x5c: {  	s17 =	sshrl.u32 s17, $0xA  }
0x5d: {  	s17 =	sand.u32 $0x3F, s17  }
0x5e: {  	s18 =	smul.u32 $0x56, s17;
	_ =	sdelay $0x1  }
0x5f: {  	s19 =	smul.u32 $0x5, s17;
	s18 =	sshrl.u32 s18, $0x8  }
0x60: {  	s18 =	smul.u32 $0x3, s18  }
0x61: {  	s23 =	sadd.s32 $0x3, s1  }
0x62: {  	s25 =	sand.u32 $0x3, s23;
	s19 =	ssub.s32 s23, s19;
	s17 =	ssub.s32 s17, s18  }
0x63: {  	s19 =	sand.u32 $0xFF, s19;
	s18 =	smul.u32 $0xA000, s25;
	s17 =	sand.u32 $0xFF, s17  }
0x64: {  	s19 =	sshll.u32 s19, $0x7;
	s17 =	sshll.u32 s17, $0xA  }
0x65: {  	s18 =	sshrl.u32 s18, $0x2;
	s17 =	sadd.s32 s19, s17  }
0x66: {  	s18 =	sadd.s32 $0x15800, s18;
	s17 =	sadd.s32 $0x14000, s17  }
0x67: {  	[tilespmem:s18], [sflag:$0x1] =	stream.indirect.gather [hbm4b:s4+s22], $0x80, s17, s22, $0xb8;
	[tilespmem:$0x1F800] =	vst v63  }
.LBB2_8:
0x68: {  	s1 =	sadd.s32 $0x1, s1  }
0x69: {  	p0 =	sne.s32 s1, $0x7D  }
.Ltmp5:
0x6a: {  	_ = 	snop;
	(pc) =	sbr.rel @p0 .LBB2_2-.Ltmp5, $4  }
.Ltmp6:
0x6b: {  	_ = 	snop;
	(pc) =	sbr.rel @!p0 .LBB2_9-.Ltmp6, $4  }
0x6c: {  	_ = 	snop  }
0x6d: {  	_ = 	snop  }
0x6e: {  	_ = 	snop  }
0x6f: {  	_ = 	snop  }
.LBB2_6:
0x70: {  	p0 =	sgt.u32 s1, $0x79  }
.Ltmp7:
0x71: {  	_ = 	snop;
	(pc) =	sbr.rel @p0 .LBB2_8-.Ltmp7, $4  }
.Ltmp8:
0x72: {  	_ = 	snop;
	(pc) =	sbr.rel @!p0 .LBB2_7-.Ltmp8, $4  }
0x73: {  	_ = 	snop  }
0x74: {  	_ = 	snop  }
0x75: {  	_ = 	snop  }
0x76: {  	_ = 	snop  }
.LBB2_10:
0x77: {  	_ =	sfence.sel $0x180000  }
0x78: {  	[bflag:$0x0] =	sbarrier.arrive $0xFFFF  }
0x79: {  	_ =	strace $0x9000004D  }
0x7a: {  	s0 =	stileid.u32;
	[bflag:$0x2] =	sbarrier.arrive $0xFFFF  }
0x7b: {  	p0 =	sne.s32 s0, $0x0;
	s0 =	rddreg [dreg:$0x2]  }
0x7c: {  	s0 =	sadd.s32 @!p0 $0x100000, s0  }
0x7d: {  	[sflag:s0] =	ssyncadd.tile.s32 @!p0 $0x1;
	_ =	shalt  }
.Lfunc_end2:
_tile_overlayer_lowered:
.L_overlay_start_2:
0x7e: {  	(tag) =	ssettag $0x2  }
0x7f: {  	s0 =	rddreg [dreg:$0x0];
	s2 =	stileid.u32  }
0x80: {  	s1 =	rddreg [dreg:$0x1];
	p0 =	sne.s32 s2, $0x0  }
0x81: {  	s3 =	rddreg [dreg:$0x2];
	[bflag:$0x3] =	sbarrier.arrive $0xFFFF;
	s2 =	simm.s32 @!p0 $0x1C04  }
0x82: {  	[timem:s3], [sflag:s2] =	dma.local @!p0 [hbm:s0], s1  }
0x83: {  	s0 =	simm.s32 @!p0 $0x4  }
0x84: {  	_ =	swait.ge @!p0 [sflag:s0], s1  }
0x85: {  	s1 =	ssub.s32 @!p0 $0x0, s1;
	[sflag:s0] =	ssyncset.done @!p0 $0x0  }
0x86: {  	[sflag:s0] =	ssyncadd.s32 @!p0 s1  }
0x87: {  	[bflag:$0x3] =	sbarrier.arrive $0xFFFF  }
0x88: {  	_ =	shalt  }

// kernel: kernel.8.cloned.1.call-start
scs
__scs_entry_jumppad:
0x0: {  	(pc) =	sbr.rel $0x88, $3  }
0x1: {  	(tag) =	ssettag $0x0;
	lr =	simm.s32 $0x1  }
0x2: {  	[smem:$0x3F96] =	sst lr;
	_ =	strace $0xD0000000  }
0x3: {  	_ = 	snop  }
0x4: {  	_ = 	snop  }
0x5: {  	_ = 	snop  }
0x6: {  	_ = 	snop  }
0x7: {  	_ = 	snop  }
__scs_overlays_trampoline_lowered:
0x8: {  	[smem:$0x3FA5] =	sst s0  }
0x9: {  	[smem:$0x3FA6] =	sst s1  }
0xa: {  	[smem:$0x3FA7] =	sst s2  }
0xb: {  	[smem:$0x3FA8] =	sst s3  }
0xc: {  	[smem:$0x3FA9] =	sst s4  }
0xd: {  	[smem:$0x3FAA] =	sst s5  }
0xe: {  	[smem:$0x3FAB] =	sst s6  }
0xf: {  	[smem:$0x3FAC] =	sst s7  }
0x10: {  	[smem:$0x3FAD] =	sst s8  }
0x11: {  	[smem:$0x3FAE] =	sst s9;
	s0 =	simm.s32 @!p0 $0x0  }
0x12: {  	s1 =	sld [smem:$0x3F94];
	s0 =	simm.s32 @p0 $0x1  }
0x13: {  	[smem:$0x3FAF] =	sst s0;
	s0 =	simm.s32 @!p1 $0x0  }
0x14: {  	s2 =	sld [smem:$0x3F93];
	s0 =	simm.s32 @p1 $0x1  }
0x15: {  	[smem:$0x3FB0] =	sst s0;
	s0 =	simm.s32 @!p2 $0x0  }
0x16: {  	s3 =	sld [smem:$0x3FDB];
	s0 =	simm.s32 @p2 $0x1  }
0x17: {  	s4 =	simm.s32 $0x1BF5;
	[smem:$0x3FB2] =	sst s0  }
0x18: {  	s0 =	sld [smem:$0x3F95];
	_ =	swait.ge [sflag:s4], $0x0  }
0x19: {  	s7 =	sld [smem:$0x3F96]  }
0x1a: {  	s8 =	sadd.s32 $0xFFFFE003, lr  }
0x1b: {  	s9 =	sadd.s32 $0xFFFFFEF7, lr;
	s5 =	simm.s32 $0xFFFFFFFF;
	p2 =	slt.u32 s8, $0xFFFFF086  }
0x1c: {  	p1 =	slt.u32 s9, $0xF7A;
	s5 =	simm.s32 @!p2 $0x0  }
0x1d: {  	s5 =	simm.s32 @p1 $0x1;
	p0 =	seq.s32 s7, s2  }
0x1e: {  	s7 =	smul.u32 @!p0 $0xF7A, s2;
	p2 =	seq.s32 @!p0 s5, $0x0  }
0x1f: {  	s9 =	smul.u32 $0xF7A, s1;
	s8 =	simm.s32 @!p0 $0x1BF5;
	p2 =	por !p2, p0  }
0x20: {  	[sflag:s8] =	ssyncset.s32 @!p0 $0xFFFFF086;
	s6 =	sadd.s32 @!p0 s3, s7;
	s7 =	simm.s32 @!p0 $0x108  }
0x21: {  	s3 =	sadd.s32 s3, s9;
	s6 =	sadd.s32 @!p0 $0x88, s6;
	s7 =	simm.s32 @p2 $0x1082  }
0x22: {  	[simem:s7], [sflag:s8] =	dma.local @!p0 [hbm:s6], $0xF7A  }
0x23: {  	s9 =	sor.u32 $0xD0000000, s2;
	s6 =	simm.s32 $0x108;
	_ =	swait.ge @!p0 [sflag:s8], $0x0  }
0x24: {  	s3 =	sadd.s32 $0x88, s3;
	s6 =	simm.s32 @!p1 $0x1082;
	[sflag:s4] =	ssyncset.s32 $0xFFFFF086  }
0x25: {  	[simem:s6], [sflag:s4] =	dma.local [hbm:s3], $0xF7A  }
0x26: {  	[smem:$0x3F96] =	sst s1;
	(tag) =	ssettag s2;
	_ =	strace s9  }
0x27: {  	s1 =	sld [smem:$0x3FA6]  }
0x28: {  	s2 =	sld [smem:$0x3FA7]  }
0x29: {  	s4 =	sld [smem:$0x3FA9]  }
0x2a: {  	p0 =	seq.s32 s5, $0x0;
	s5 =	sld [smem:$0x3FAA]  }
0x2b: {  	s6 =	sld [smem:$0x3FAB]  }
0x2c: {  	s7 =	sld [smem:$0x3FAC]  }
0x2d: {  	s3 =	simm.s32 $0x108;
	s8 =	sld [smem:$0x3FAD]  }
0x2e: {  	s3 =	simm.s32 @!p0 $0x1082;
	s9 =	sld [smem:$0x3FAE]  }
0x2f: {  	lr =	sadd.s32 s0, s3;
	s0 =	sld [smem:$0x3FA5]  }
0x30: {  	s3 =	sld [smem:$0x3FA8]  }
0x31: {  	[smem:$0x3FB1] =	sst s10  }
0x32: {  	s10 =	sld [smem:$0x3FAF];
	_ =	sdelay $0x3  }
0x33: {  	p0 =	seq.s32 s10, $0x1;
	s10 =	sld [smem:$0x3FB1];
	_ =	sdelay $0x3  }
0x34: {  	[smem:$0x3FB1] =	sst s10  }
0x35: {  	s10 =	sld [smem:$0x3FB0];
	_ =	sdelay $0x3  }
0x36: {  	p1 =	seq.s32 s10, $0x1;
	s10 =	sld [smem:$0x3FB1];
	_ =	sdelay $0x3  }
0x37: {  	[smem:$0x3FB1] =	sst s10  }
0x38: {  	s10 =	sld [smem:$0x3FB2]  }
0x39: {  	_ = 	snop;
	(pc) =	sbr.ind lr, $3  }
0x3a: {  	_ = 	snop  }
0x3b: {  	_ = 	snop  }
0x3c: {  	p2 =	seq.s32 s10, $0x1;
	s10 =	sld [smem:$0x3FB1]  }
0x3d: {  	_ =	shalt  }
0x3e: {  	_ =	shalt  }
0x3f: {  	_ =	shalt  }
0x40: {  	_ =	shalt  }
0x41: {  	_ =	shalt  }
0x42: {  	_ =	shalt  }
0x43: {  	_ =	shalt  }
0x44: {  	_ =	shalt  }
0x45: {  	_ =	shalt  }
0x46: {  	_ =	shalt  }
0x47: {  	_ =	shalt  }
0x48: {  	_ =	shalt  }
0x49: {  	_ =	shalt  }
0x4a: {  	_ =	shalt  }
0x4b: {  	_ =	shalt  }
0x4c: {  	_ =	shalt  }
0x4d: {  	_ =	shalt  }
0x4e: {  	_ =	shalt  }
0x4f: {  	_ =	shalt  }
0x50: {  	_ =	shalt  }
0x51: {  	_ =	shalt  }
0x52: {  	_ =	shalt  }
0x53: {  	_ =	shalt  }
0x54: {  	_ =	shalt  }
0x55: {  	_ =	shalt  }
0x56: {  	_ =	shalt  }
0x57: {  	_ =	shalt  }
0x58: {  	_ =	shalt  }
0x59: {  	_ =	shalt  }
0x5a: {  	_ =	shalt  }
0x5b: {  	_ =	shalt  }
0x5c: {  	_ =	shalt  }
0x5d: {  	_ =	shalt  }
0x5e: {  	_ =	shalt  }
0x5f: {  	_ =	shalt  }
0x60: {  	_ =	shalt  }
0x61: {  	_ =	shalt  }
0x62: {  	_ =	shalt  }
0x63: {  	_ =	shalt  }
0x64: {  	_ =	shalt  }
0x65: {  	_ =	shalt  }
0x66: {  	_ =	shalt  }
0x67: {  	_ =	shalt  }
0x68: {  	_ =	shalt  }
0x69: {  	_ =	shalt  }
0x6a: {  	_ =	shalt  }
0x6b: {  	_ =	shalt  }
0x6c: {  	_ =	shalt  }
0x6d: {  	_ =	shalt  }
0x6e: {  	_ =	shalt  }
0x6f: {  	_ =	shalt  }
0x70: {  	_ =	shalt  }
0x71: {  	_ =	shalt  }
0x72: {  	_ =	shalt  }
0x73: {  	_ =	shalt  }
0x74: {  	_ =	shalt  }
0x75: {  	_ =	shalt  }
0x76: {  	_ =	shalt  }
0x77: {  	_ =	shalt  }
0x78: {  	_ =	shalt  }
0x79: {  	_ =	shalt  }
0x7a: {  	_ =	shalt  }
0x7b: {  	_ =	shalt  }
0x7c: {  	_ =	shalt  }
0x7d: {  	_ =	shalt  }
0x7e: {  	_ =	shalt  }
0x7f: {  	_ =	shalt  }
0x80: {  	_ =	shalt  }
0x81: {  	_ =	shalt  }
0x82: {  	_ =	shalt  }
0x83: {  	_ =	shalt  }
0x84: {  	_ =	shalt  }
0x85: {  	_ =	shalt  }
0x86: {  	_ =	shalt  }
0x87: {  	_ =	shalt  }
.Lfunc_end0:
.L_simem_size_0:
called_computation_lowered:
.L_overlay_start_0:
0x88: {  	s2 =	sld [smem:$0x3FD9]  }
0x89: {  	s3 =	sld [smem:$0x3FFE];
	_ =	sdelay $0x1  }
0x8a: {  	s1 =	srdreg.scid  }
0x8b: {  	s0 =	sand.u32 $0x1, s1  }
0x8c: {  	s16 =	sshll.u32 s0, $0xA;
	s2 =	sadd.s32 s3, s2  }
0x8d: {  	s2 =	sadd.s32 s2, s16  }
0x8e: {  	[smem:$0x3FBD] =	sst s2  }
0x8f: {  	_ = 	snop  }
0x90: {  	(tm) =	ssettm $0x1  }
0x91: {  	s17 =	sld [smem:$0x3FFB];
	_ =	sdelay $0x3  }
0x92: {  	_ =	strace s17  }
0x93: {  	s2 =	sld [smem:$0x3FFC];
	_ =	sdelay $0x3  }
0x94: {  	_ =	strace s2  }
0x95: {  	s2 =	sld [smem:$0x3FFD];
	_ =	sdelay $0x3  }
0x96: {  	_ =	strace s2  }
0x97: {  	_ =	strace $0x8FFFFFFF  }
0x98: {  	s18 =	sld [smem:$0x3FDB];
	_ =	sdelay $0x1  }
0x99: {  	s19 =	simm.s32 $_scs_section_size  }
0x9a: {  	s4 =	simm.s32 $_size__tile_overlayer_lowered;
	s5 =	simm.s32 $_tile_overlayer_lowered  }
0x9b: {  	s22 =	simm.s32 $0x1BFF;
	s21 =	sshll.u32 s5, $0x1;
	s2 =	sadd.s32 s19, s18  }
0x9c: {  	s6 =	simm.s32 $0x0;
	s20 =	sshll.u32 s4, $0x1;
	s4 =	sadd.s32 s21, s2  }
0x9d: {  	[timem:s6], [sflag:s22] =	dma.local [hbm:s4], s20  }
0x9e: {  	_ =	swait.ge [sflag:s22], s20  }
0x9f: {  	s3 =	ssub.s32 $0x0, s20;
	[sflag:s22] =	ssyncset.done $0x0  }
0xa0: {  	[sflag:s22] =	ssyncadd.s32 s3;
	_ =	sdelay $0x1  }
0xa1: {  	s23 =	simm.s32 $0x1B8B  }
0xa2: {  	_ =	swait.ge [sflag:s23], $0x1  }
0xa3: {  	[sflag:s23] =	ssyncset.done $0x0  }
0xa4: {  	s25 =	simm.s32 $0x1B8E;
	s24 =	sld [smem:$0x3FFE];
	[sflag:s23] =	ssyncadd.s32 $0xFFFFFFFF  }
0xa5: {  	s26 =	simm.s32 $execute0_lowered;
	[smem:$0x3FD2] =	sst s25  }
0xa6: {  	s4 =	sshll.u32 s26, $0x1;
	_ =	strace $0x80000046;
	[dreg:$0x1] =	wrdreg $0xFFFFFFFF  }
0xa7: {  	s28 =	simm.s32 $_size_execute0_lowered;
	s2 =	sadd.s32 s2, s4;
	[dreg:$0x0] =	wrdreg $0x0  }
0xa8: {  	s4 =	sshll.u32 s28, $0x1;
	[dreg:$0x2] =	wrdreg s2  }
0xa9: {  	[dreg:$0x3] =	wrdreg s4  }
0xaa: {  	[dreg:$0x4] =	wrdreg $0xC0  }
0xab: {  	_ =	task [dreg:s6], $0x5FFFF  }
0xac: {  	[dreg:$0x1] =	wrdreg $0xFFFFFFFF  }
0xad: {  	[dreg:$0x0] =	wrdreg $0x60  }
0xae: {  	[dreg:$0x2] =	wrdreg s24  }
0xaf: {  	[dreg:$0x3] =	wrdreg $0x0  }
0xb0: {  	[dreg:$0x4] =	wrdreg $0x9  }
0xb1: {  	_ =	task.clear_ibuf [dreg:s6], $0x5FFFF;
	_ =	strace $0x90000046  }
0xb2: {  	s29 =	simm.s32 $0x9;
	_ =	strace $0x80000048  }
0xb3: {  	_ =	swait.ge [sflag:s29], $0x1  }
0xb4: {  	[sflag:s29] =	ssyncadd.s32 $0xFFFFFFFF  }
0xb5: {  	_ =	strace $0x90000048  }
0xb6: {  	_ =	sfence  }
0xb7: {  	s30 =	sld [smem:$0x0];
	_ =	sdelay $0x2  }
0xb8: {  	s31 =	sshll.u32 s1, $0xD;
	s1 =	sshrl.u32 s1, $0x2  }
0xb9: {  	s3 =	sand.u32 $0x4000, s31;
	s1 =	sadd.s32 s1, s30  }
0xba: {  	s0 =	sor.u32 s3, s0;
	s1 =	sshll.u32 s1, $0x11  }
0xbb: {  	s0 =	sor.u32 s1, s0  }
0xbc: {  	s0 =	sadd.s32 $0x8F2B, s0  }
0xbd: {  	[sflag:s0] =	ssyncadd.remote.s32 $0x1  }
0xbe: {  	_ =	sfence.sel $0xFFFF  }
0xbf: {  	[dreg:$0x0] =	wrdreg $0xFFFFFFFF;
	(pc) =	sbr.abs _section_cstart, $3  }
0xc0: {  	[dreg:$0x1] =	wrdreg $0xFFFFFFFF  }
0xc1: {  	_ =	task.clear_ibuf [dreg:s6], $0x2FFFF;
	_ =	strace $0x9FFFFFFF  }
0xc2: {  	(tm) =	ssettm $0x7FFFFFFF  }
0xc3: {  	_ =	shalt  }
tec
execute0_lowered:
.L_overlay_start_1:
0x0: {  	(tag) =	ssettag $0x1  }
0x1: {  	s4 =	rddreg [dreg:$0x0]  }
0x2: {  	s0 =	srdreg.scid;
	s2 =	rddreg [dreg:$0x1]  }
0x3: {  	s1 =	rddreg [dreg:$0x2];
	s3 =	simm.s32 $0x0;
	s10 =	simm.s32 $0x50  }
0x4: {  	s11 =	simm.s32 $0x6680;
	s12 =	simm.s32 $0x1;
	s5 =	sand.u32 $0x1, s0  }
0x5: {  	s15 =	simm.s32 $0x20;
	s0 =	stileid.u32;
	s6 =	smul.u32 $0x64000, s5  }
0x6: {  	s16 =	simm.s32 $0x10;
	[smem:$0x7FF] =	sst s3;
	s7 =	smul.u32 $0x6400, s0  }
0x7: {  	s17 =	simm.s32 $0x0;
	s29 =	smul.u32 $0x500, s0;
	_ =	strace $0x80000047  }
0x8: {  	s8 =	sshll.u32 s5, $0x7;
	s5 =	ssub.s32 $0x2, s5;
	s13 =	sshll.u32 s0, $0x6  }
0x9: {  	s30 =	smul.u32 $0xA00, s0;
	s9 =	sshrl.u32 s5, $0x1;
	s13 =	sor.u32 $0x1C02, s13  }
0xa: {  	s6 =	sadd.s32 s7, s6;
	s7 =	sor.u32 s8, s29;
	s9 =	ssub.s32 s5, s9  }
0xb: {  	s31 =	sshrl.u32 s30, $0x2;
	s8 =	simm.s32 $0x2;
	s6 =	sshrl.u32 s6, $0x3  }
0xc: {  	s7 =	sshrl.u32 s7, $0x3;
	s5 =	sadd.s32 s31, s2;
	s6 =	sadd.s32 s6, s4  }
0xd: {  	s7 =	sadd.s32 s7, s4;
	s14 =	sshrl.u32 s5, $0x3;
	s4 =	sadd.s32 $0x2C00, s6  }
0xe: {  	v0 =	vimm.f32 $1.000000000e+00;
	v1 =	vimm.f32 $0.0e+00;
	s6 =	sadd.s32 $0x1BC00, s7;
	s7 =	smax.u32 s9, $0x1;
	s9 =	simm.s32 $0x6700  }
.LBB2_1:
0xf: {  	s18 =	simm.s32 $0x280  }
0x10: {  	s19 =	simm.s32 $0x80;
	s21 =	sadd.s32 $0x0, s4;
	s20 =	simm.s32 $0x680  }
.LBB2_2:
0x11: {  	[tilespmem:s18], [sflag:$0x2] =	stream.linear.gather [hbm4b:s21+s3], $0x280, $0x38;
	[tilespmem:$0x6980] =	vst v63  }
0x12: {  	s21 =	smov.u32 s19;
	s18 =	smov.u32 s20;
	p0 =	sne.s32 s19, $0xC00  }
.Ltmp0:
0x13: {  	s19 =	sadd.s32 $0x80, s19;
	(pc) =	sbr.rel @p0 .LBB2_2-.Ltmp0, $2  }
0x14: {  	_ =	sdelay $0x2  }
0x15: {  	s20 =	sadd.s32 $0x400, s20;
	s21 =	sadd.s32 s21, s4  }
0x16: {  	[tilespmem:s18], [sflag:$0x2] =	stream.linear.gather [hbm4b:s21+s3], $0x280, $0x38;
	[tilespmem:$0x6980] =	vst v63  }
0x17: {  	_ =	swait.ge [sflag:s8], $0x3E80  }
0x18: {  	[sflag:s8] =	ssyncset.done $0x0  }
0x19: {  	[sflag:s8] =	ssyncadd.s32 $0xFFFFC180  }
0x1a: {  	[tilespmem:$0x6680] =	vst v0  }
0x1b: {  	[tilespmem:$0x6690] =	vst v0  }
0x1c: {  	[tilespmem:$0x66A0] =	vst v0  }
0x1d: {  	[tilespmem:$0x66B0] =	vst v0  }
0x1e: {  	[tilespmem:$0x66C0] =	vst v0  }
0x1f: {  	[tilespmem:$0x6700] =	vst v1  }
0x20: {  	[tilespmem:$0x6710] =	vst v1  }
0x21: {  	[tilespmem:$0x6720] =	vst v1  }
0x22: {  	[tilespmem:$0x6730] =	vst v1  }
0x23: {  	[tilespmem:$0x6740] =	vst v1  }
0x24: {  	[tilespmem:$0x6750] =	vst v1  }
0x25: {  	[tilespmem:$0x6760] =	vst v1  }
0x26: {  	[tilespmem:$0x6770] =	vst v1  }
0x27: {  	[tilespmem:$0x6780] =	vst v1  }
0x28: {  	[tilespmem:$0x6790] =	vst v1  }
0x29: {  	[tilespmem:$0x67A0] =	vst v1  }
0x2a: {  	[tilespmem:$0x67B0] =	vst v1  }
0x2b: {  	[tilespmem:$0x67C0] =	vst v1  }
0x2c: {  	[tilespmem:$0x67D0] =	vst v1  }
0x2d: {  	[tilespmem:$0x67E0] =	vst v1  }
0x2e: {  	[tilespmem:$0x67F0] =	vst v1  }
0x2f: {  	[tilespmem:$0x6800] =	vst v1  }
0x30: {  	[tilespmem:$0x6810] =	vst v1  }
0x31: {  	[tilespmem:$0x6820] =	vst v1  }
0x32: {  	[tilespmem:$0x6830] =	vst v1  }
0x33: {  	[tilespmem:$0x6840] =	vst v1  }
0x34: {  	[tilespmem:$0x6850] =	vst v1  }
0x35: {  	[tilespmem:$0x6860] =	vst v1  }
0x36: {  	[tilespmem:$0x6870] =	vst v1  }
0x37: {  	[tilespmem:$0x6880] =	vst v1  }
0x38: {  	[tilespmem:$0x6890] =	vst v1  }
0x39: {  	[tilespmem:$0x68A0] =	vst v1  }
0x3a: {  	[tilespmem:$0x68B0] =	vst v1  }
0x3b: {  	[tilespmem:$0x68C0] =	vst v1  }
0x3c: {  	[tilespmem:$0x68D0] =	vst v1  }
0x3d: {  	[tilespmem:$0x68E0] =	vst v1  }
0x3e: {  	[tilespmem:$0x68F0] =	vst v1  }
0x3f: {  	[tilespmem:$0x6900] =	vst v1  }
0x40: {  	[tilespmem:$0x6910] =	vst v1  }
0x41: {  	[tilespmem:$0x6920] =	vst v1  }
0x42: {  	[tilespmem:$0x6930] =	vst v1  }
0x43: {  	[tilespmem:$0x6940] =	vst v1  }
0x44: {  	[tilespmem:$0x6950] =	vst v1  }
0x45: {  	[tilespmem:$0x6960] =	vst v1  }
0x46: {  	[tilespmem:$0x6970] =	vst v1  }
0x47: {  	[spmem:s5] =	stream.linear.scatter [tilespmem:s9], [sflag:$0x2], $0x280, $0x38;
	[tilespmem:$0x6980] =	vst v63  }
0x48: {  	_ =	swait.ge [sflag:s8], $0x280  }
0x49: {  	[sflag:s8] =	ssyncset.done $0x0  }
0x4a: {  	[sflag:s8] =	ssyncadd.s32 $0xFFFFFD80  }
0x4b: {  	s26 =	simm.s32 $0x280;
	[bflag:$0x0] =	sbarrier.arrive $0xFFFF  }
0x4c: {  	[spmem:s2] =	stream.indirect.scatter.add.f32 [tilespmem:s11], [sflag:$0x1], $0x1, s26, s10, $0xb8;
	[tilespmem:$0x6980] =	vst v63  }
0x4d: {  	s28 =	simm.s32 $0x300  }
0x4e: {  	[spmem:s2] =	stream.indirect.scatter.add.f32 [tilespmem:s11], [sflag:$0x1], $0x1, s28, s10, $0xb8;
	[tilespmem:$0x6980] =	vst v63  }
0x4f: {  	s29 =	simm.s32 $0x380  }
0x50: {  	[spmem:s2] =	stream.indirect.scatter.add.f32 [tilespmem:s11], [sflag:$0x1], $0x1, s29, s10, $0xb8;
	[tilespmem:$0x6980] =	vst v63  }
0x51: {  	s30 =	simm.s32 $0x400  }
0x52: {  	[spmem:s2] =	stream.indirect.scatter.add.f32 [tilespmem:s11], [sflag:$0x1], $0x1, s30, s10, $0xb8;
	[tilespmem:$0x6980] =	vst v63  }
0x53: {  	s31 =	simm.s32 $0x480  }
0x54: {  	[spmem:s2] =	stream.indirect.scatter.add.f32 [tilespmem:s11], [sflag:$0x1], $0x1, s31, s10, $0xb8;
	[tilespmem:$0x6980] =	vst v63  }
0x55: {  	_ =	swait.ge [sflag:s12], $0x50  }
0x56: {  	[sflag:s12] =	ssyncset.done $0x0  }
0x57: {  	[sflag:s12] =	ssyncadd.s32 $0xFFFFFFB0  }
0x58: {  	_ =	swait.ge [sflag:s12], $0x50  }
0x59: {  	[sflag:s12] =	ssyncset.done $0x0  }
0x5a: {  	[sflag:s12] =	ssyncadd.s32 $0xFFFFFFB0  }
0x5b: {  	_ =	swait.ge [sflag:s12], $0x50  }
0x5c: {  	[sflag:s12] =	ssyncset.done $0x0  }
0x5d: {  	[sflag:s12] =	ssyncadd.s32 $0xFFFFFFB0  }
0x5e: {  	_ =	swait.ge [sflag:s12], $0x50  }
0x5f: {  	[sflag:s12] =	ssyncset.done $0x0  }
0x60: {  	[sflag:s12] =	ssyncadd.s32 $0xFFFFFFB0  }
0x61: {  	_ =	swait.ge [sflag:s12], $0x50  }
0x62: {  	s19 =	simm.s32 $0x2000;
	s18 =	simm.s32 $0x400;
	[sflag:s12] =	ssyncset.done $0x0  }
.LBB2_4:
0x63: {  	s20 =	sadd.s32 $0x280, s18  }
0x64: {  	[sflag:s12] =	ssyncadd.s32 $0xFFFFFFB0;
	s21 =	smov.u32 s19;
	s22 =	sadd.s32 $0x1000, s19  }
0x65: {  	[spmem:s2] =	stream.indirect.scatter.add.f32 [tilespmem:s11], [sflag:$0x1], $0x1, s20, s10, $0xb8;
	[tilespmem:$0x6980] =	vst v63  }
0x66: {  	p0 =	sne.s32 s19, $0x18000;
	s19 =	sadd.s32 $0x300, s18  }
0x67: {  	[spmem:s2] =	stream.indirect.scatter.add.f32 [tilespmem:s11], [sflag:$0x1], $0x1, s19, s10, $0xb8;
	[tilespmem:$0x6980] =	vst v63  }
0x68: {  	s19 =	sadd.s32 $0x380, s18  }
0x69: {  	[spmem:s2] =	stream.indirect.scatter.add.f32 [tilespmem:s11], [sflag:$0x1], $0x1, s19, s10, $0xb8;
	[tilespmem:$0x6980] =	vst v63  }
0x6a: {  	s19 =	sadd.s32 $0x400, s18  }
0x6b: {  	[spmem:s2] =	stream.indirect.scatter.add.f32 [tilespmem:s11], [sflag:$0x1], $0x1, s19, s10, $0xb8;
	[tilespmem:$0x6980] =	vst v63  }
0x6c: {  	s18 =	sadd.s32 $0x480, s18  }
0x6d: {  	[spmem:s2] =	stream.indirect.scatter.add.f32 [tilespmem:s11], [sflag:$0x1], $0x1, s18, s10, $0xb8;
	[tilespmem:$0x6980] =	vst v63  }
0x6e: {  	_ =	swait.ge [sflag:s12], $0x50  }
0x6f: {  	[sflag:s12] =	ssyncset.done $0x0  }
0x70: {  	[sflag:s12] =	ssyncadd.s32 $0xFFFFFFB0  }
0x71: {  	_ =	swait.ge [sflag:s12], $0x50  }
0x72: {  	[sflag:s12] =	ssyncset.done $0x0  }
0x73: {  	[sflag:s12] =	ssyncadd.s32 $0xFFFFFFB0  }
0x74: {  	_ =	swait.ge [sflag:s12], $0x50  }
0x75: {  	[sflag:s12] =	ssyncset.done $0x0  }
0x76: {  	[sflag:s12] =	ssyncadd.s32 $0xFFFFFFB0  }
.Ltmp1:
0x77: {  	_ =	swait.ge [sflag:s12], $0x50;
	(pc) =	sbr.rel @p0 .LBB2_4-.Ltmp1, $4  }
0x78: {  	[sflag:s12] =	ssyncset.done $0x0  }
0x79: {  	[sflag:s12] =	ssyncadd.s32 $0xFFFFFFB0  }
0x7a: {  	_ =	swait.ge [sflag:s12], $0x50  }
0x7b: {  	s19 =	smov.u32 s22;
	s18 =	sshra.s32 s21, $0x2;
	[sflag:s12] =	ssyncset.done $0x0  }
0x7c: {  	s19 =	sadd.s32 $0x280, s18;
	[sflag:s12] =	ssyncadd.s32 $0xFFFFFFB0  }
0x7d: {  	[spmem:s2] =	stream.indirect.scatter.add.f32 [tilespmem:s11], [sflag:$0x1], $0x1, s19, s10, $0xb8;
	[tilespmem:$0x6980] =	vst v63  }
0x7e: {  	s28 =	sadd.s32 $0x300, s18  }
0x7f: {  	[spmem:s2] =	stream.indirect.scatter.add.f32 [tilespmem:s11], [sflag:$0x1], $0x1, s28, s10, $0xb8;
	[tilespmem:$0x6980] =	vst v63  }
0x80: {  	s29 =	sadd.s32 $0x380, s18  }
0x81: {  	[spmem:s2] =	stream.indirect.scatter.add.f32 [tilespmem:s11], [sflag:$0x1], $0x1, s29, s10, $0xb8;
	[tilespmem:$0x6980] =	vst v63  }
0x82: {  	s30 =	sadd.s32 $0x400, s18  }
0x83: {  	[spmem:s2] =	stream.indirect.scatter.add.f32 [tilespmem:s11], [sflag:$0x1], $0x1, s30, s10, $0xb8;
	[tilespmem:$0x6980] =	vst v63  }
0x84: {  	s31 =	sadd.s32 $0x480, s18  }
0x85: {  	[spmem:s2] =	stream.indirect.scatter.add.f32 [tilespmem:s11], [sflag:$0x1], $0x1, s31, s10, $0xb8;
	[tilespmem:$0x6980] =	vst v63  }
0x86: {  	_ =	swait.ge [sflag:s12], $0x50  }
0x87: {  	[sflag:s12] =	ssyncset.done $0x0  }
0x88: {  	[sflag:s12] =	ssyncadd.s32 $0xFFFFFFB0  }
0x89: {  	_ =	swait.ge [sflag:s12], $0x50  }
0x8a: {  	[sflag:s12] =	ssyncset.done $0x0  }
0x8b: {  	[sflag:s12] =	ssyncadd.s32 $0xFFFFFFB0  }
0x8c: {  	_ =	swait.ge [sflag:s12], $0x50  }
0x8d: {  	[sflag:s12] =	ssyncset.done $0x0  }
0x8e: {  	[sflag:s12] =	ssyncadd.s32 $0xFFFFFFB0  }
0x8f: {  	_ =	swait.ge [sflag:s12], $0x50  }
0x90: {  	[sflag:s12] =	ssyncset.done $0x0  }
0x91: {  	[sflag:s12] =	ssyncadd.s32 $0xFFFFFFB0  }
0x92: {  	_ =	swait.ge [sflag:s12], $0x50  }
0x93: {  	s17 =	sadd.s32 $0x1, s17;
	[sflag:s12] =	ssyncset.done $0x0  }
0x94: {  	p0 =	sne.s32 s17, s7;
	[sflag:s12] =	ssyncadd.s32 $0xFFFFFFB0  }
.Ltmp2:
0x95: {  	[bflag:$0x0] =	sbarrier.arrive $0xFFFF;
	(pc) =	sbr.rel @p0 .LBB2_1-.Ltmp2, $4  }
0x96: {  	[hbm:s6@s15], [sflag:s13] =	dma.strided [spmem:s14@s16], $0x50, s12, $0x10   }
0x97: {  	_ =	swait.ge [sflag:s8], $0x50  }
0x98: {  	[sflag:s8] =	ssyncset.done $0x0  }
0x99: {  	[sflag:s8] =	ssyncadd.s32 $0xFFFFFFB0  }
0x9a: {  	_ =	sfence.sel $0x180000  }
0x9b: {  	[bflag:$0x0] =	sbarrier.arrive $0xFFFF  }
0x9c: {  	p0 =	sne.s32 s0, $0x0;
	_ =	strace $0x90000047  }
0x9d: {  	s0 =	sadd.s32 @!p0 $0x100000, s1;
	[bflag:$0x2] =	sbarrier.arrive $0xFFFF  }
0x9e: {  	[sflag:s0] =	ssyncadd.tile.s32 @!p0 $0x1;
	_ =	shalt  }
.Lfunc_end2:
_tile_overlayer_lowered:
.L_overlay_start_2:
0x9f: {  	(tag) =	ssettag $0x2  }
0xa0: {  	s0 =	rddreg [dreg:$0x0];
	s2 =	stileid.u32  }
0xa1: {  	s1 =	rddreg [dreg:$0x1];
	p0 =	sne.s32 s2, $0x0  }
0xa2: {  	s3 =	rddreg [dreg:$0x2];
	[bflag:$0x3] =	sbarrier.arrive $0xFFFF;
	s2 =	simm.s32 @!p0 $0x1C02  }
0xa3: {  	[timem:s3], [sflag:s2] =	dma.local @!p0 [hbm:s0], s1  }
0xa4: {  	s0 =	simm.s32 @!p0 $0x2  }
0xa5: {  	_ =	swait.ge @!p0 [sflag:s0], s1  }
0xa6: {  	s1 =	ssub.s32 @!p0 $0x0, s1;
	[sflag:s0] =	ssyncset.done @!p0 $0x0  }
0xa7: {  	[sflag:s0] =	ssyncadd.s32 @!p0 s1  }
0xa8: {  	[bflag:$0x3] =	sbarrier.arrive $0xFFFF  }
0xa9: {  	_ =	shalt  }

</sc_bundles>
